<compile_context>
chip_gen: v7x
topology: tpu7x:2x2x1
jax: 0.10.2.dev20260603
libtpu: 0.0.44.dev20260713+nightly
codegen_flags: <defaults>
</compile_context>

<pallas_src>
import functools

import jax
import jax.numpy as jnp
from jax import lax
from jax.experimental import pallas as pl
from jax.experimental.pallas import tpu as pltpu
from jax.experimental.pallas import tpu_sc as plsc

N, D, K, G = 10000, 512, 4, 64
NPAD = 10240
BLK = 1024
NBLK = NPAD // BLK
F = 2 * D + 128

NC, NS = 2, 16
NW = NC * NS
R = NPAD // NW
CH = 16
NCH = R // CH
GACC = 65
NF16 = F // 16


def _encoder_kernel(x_ref, w1_ref, b1_ref, w2_ref, b2_ref, wt_ref, bt_ref,
                    feat_ref):
    x = x_ref[...]
    h = jnp.maximum(
        lax.dot_general(x, w1_ref[...], (((1,), (1,)), ((), ())),
                        preferred_element_type=jnp.float32) + b1_ref[...], 0.0)
    xe = lax.dot_general(h, w2_ref[...], (((1,), (1,)), ((), ())),
                         preferred_element_type=jnp.float32) + b2_ref[...]
    w = jnp.sum(xe * wt_ref[...], axis=1, keepdims=True) + bt_ref[0]
    feat_ref[...] = jnp.concatenate(
        [xe * xe, xe * w, jnp.broadcast_to(w * w, (BLK, 128))], axis=1)


def _node_features(xp, W1, b1, W2, b2, Wt, bt, interpret=False):
    return pl.pallas_call(
        _encoder_kernel,
        grid=(NBLK,),
        in_specs=[
            pl.BlockSpec((BLK, D), lambda i: (i, 0)),
            pl.BlockSpec((D, D), lambda i: (0, 0)),
            pl.BlockSpec((1, D), lambda i: (0, 0)),
            pl.BlockSpec((D, D), lambda i: (0, 0)),
            pl.BlockSpec((1, D), lambda i: (0, 0)),
            pl.BlockSpec((1, D), lambda i: (0, 0)),
            pl.BlockSpec(memory_space=pltpu.SMEM),
        ],
        out_specs=pl.BlockSpec((BLK, F), lambda i: (i, 0)),
        out_shape=jax.ShapeDtypeStruct((NPAD, F), jnp.float32),
        interpret=interpret,
    )(xp, W1, b1.reshape(1, D), W2, b2.reshape(1, D), Wt, bt.reshape(1,))


def _sc_segment_sums(feat, ids2, zz):
    mesh = plsc.VectorSubcoreMesh(core_axis_name="c", subcore_axis_name="s",
                                  num_cores=NC, num_subcores=NS)

    @functools.partial(
        pl.kernel,
        out_type=jax.ShapeDtypeStruct((NW, GACC * F), jnp.float32),
        mesh=mesh,
        compiler_params=pltpu.CompilerParams(needs_layout_passes=False),
        scratch_types=[
            pltpu.VMEM((CH * 16,), jnp.int32),
            pltpu.VMEM((CH * 16,), jnp.int32),
            pltpu.VMEM((CH * F,), jnp.float32),
            pltpu.VMEM((CH * F,), jnp.float32),
            pltpu.VMEM((GACC * F,), jnp.float32),
            pltpu.SemaphoreType.DMA,
        ],
    )
    def run(feat_hbm, ids_hbm, zz_hbm, out_hbm, idc0, idc1, buf0, buf1,
            acc_v, sem):
        cid = lax.axis_index("c")
        sid = lax.axis_index("s")
        wid = cid * NS + sid

        pltpu.sync_copy(zz_hbm, acc_v)
        row0 = wid * R
        col_iota = lax.iota(jnp.int32, 16)
        idc = (idc0, idc1)
        buf = (buf0, buf1)

        def issue(c, b):
            pltpu.async_copy(
                ids_hbm.at[pl.ds((row0 + c * CH) * 16, CH * 16)],
                idc[b], sem)
            pltpu.async_copy(
                feat_hbm.at[pl.ds((row0 + c * CH) * F, CH * F)],
                buf[b], sem)

        def wait(b):
            pltpu.make_async_copy(
                ids_hbm.at[pl.ds(0, CH * 16)], idc[b], sem).wait()
            pltpu.make_async_copy(
                feat_hbm.at[pl.ds(0, CH * F)], buf[b], sem).wait()

        def process(b):
            def row_body(r, carry2):
                gvec = idc[b][pl.ds(r * 16, 16)]
                base = gvec * F + col_iota
                for j in range(NF16):
                    x = buf[b][pl.ds(r * F + 16 * j, 16)]
                    plsc.addupdate_scatter(
                        acc_v.at[pl.ds(16 * j, GACC * F - 16 * j)],
                        [base], x)
                return carry2

            lax.fori_loop(0, CH, row_body, 0)

        issue(0, 0)
        issue(1, 1)

        def pair_body(t, carry):
            for b in range(2):
                c = 2 * t + b
                wait(b)
                process(b)
                issue(jnp.minimum(c + 2, NCH - 1), b)
            return carry

        lax.fori_loop(0, NCH // 2, pair_body, 0)
        wait(0)
        wait(1)

        pltpu.sync_copy(acc_v, out_hbm.at[wid])

    return run(feat, ids2, zz)


def _head_kernel(pr_ref, cent_ref, beta_ref, wm1_ref, bm1_ref,
                 wm2_ref, bm2_ref, out_ref):
    sums = pr_ref[0:G, :]
    for j in range(1, NW):
        sums = sums + pr_ref[j * GACC:j * GACC + G, :]
    s2 = sums[:, :D]
    sxw = sums[:, D:2 * D]
    sw2 = sums[:, 2 * D:2 * D + 1]
    inv_beta = 1.0 / beta_ref[0, 0]
    parts = []
    for k in range(K):
        ck = cent_ref[0, k]
        seg = s2 - (2.0 * ck) * sxw + (ck * ck) * sw2
        parts.append(jnp.exp(-jnp.sqrt(jnp.maximum(seg, 0.0)) * inv_beta))
    r4 = jnp.concatenate(parts, axis=1)
    ssum = jnp.sum(r4 * r4, axis=1, keepdims=True)
    r4 = r4 * (1.0 / jnp.maximum(jnp.sqrt(ssum), 1e-12))
    hh = jnp.maximum(
        lax.dot_general(r4, wm1_ref[...], (((1,), (1,)), ((), ())),
                        preferred_element_type=jnp.float32) + bm1_ref[...], 0.0)
    out_ref[...] = lax.dot_general(hh, wm2_ref[...], (((1,), (1,)), ((), ())),
                                   preferred_element_type=jnp.float32) + bm2_ref[...]


def _head(partials2, centers, beta, Wm1, bm1, Wm2, bm2, interpret=False):
    KD = K * D
    return pl.pallas_call(
        _head_kernel,
        in_specs=[
            pl.BlockSpec(memory_space=pltpu.VMEM),
            pl.BlockSpec(memory_space=pltpu.SMEM),
            pl.BlockSpec(memory_space=pltpu.SMEM),
            pl.BlockSpec(memory_space=pltpu.VMEM),
            pl.BlockSpec(memory_space=pltpu.VMEM),
            pl.BlockSpec(memory_space=pltpu.VMEM),
            pl.BlockSpec(memory_space=pltpu.VMEM),
        ],
        out_shape=jax.ShapeDtypeStruct((G, D), jnp.float32),
        interpret=interpret,
    )(partials2, centers, beta, Wm1, bm1.reshape(1, KD), Wm2,
      bm2.reshape(1, D))


def kernel(x, batch, W1, b1, W2, b2, Wt, bt, centers, beta, Wm1, bm1, Wm2,
           bm2, interpret=False):
    xp = jnp.pad(x, ((0, NPAD - N), (0, 0)))
    idp = jnp.concatenate(
        [batch.astype(jnp.int32), jnp.full((NPAD - N,), G, jnp.int32)])
    ids2 = jnp.broadcast_to(idp[:, None], (NPAD, 16)).reshape(NPAD * 16)
    feat = _node_features(xp, W1, b1, W2, b2, Wt, bt, interpret=interpret)
    zz = jnp.zeros((GACC * F,), jnp.float32)
    partials = _sc_segment_sums(feat.reshape(NPAD * F), ids2, zz)
    partials2 = partials.reshape(NW * GACC, F)
    return _head(partials2, centers, beta, Wm1, bm1, Wm2, bm2,
                 interpret=interpret)

# --- scband reference (transcript-rebuilt; emitter-appended) ---
"""Pipeline reference for scband-kernel-readout-86947317940929 (READ-ONLY COPY).

The authoritative reference and input builder live on the scoring server;
editing this copy changes nothing except your own understanding.
"""

import jax, jax.numpy as jnp
import numpy as np

N, D, K, G = 10000, 512, 4, 64

def setup_inputs(seed: int = 0) -> dict:
    key = jax.random.key(seed)
    ks = jax.random.split(key, 16)
    x = jax.random.normal(ks[0], (N, D), dtype=jnp.float32)
    batch = jnp.sort(jax.random.randint(ks[1], (N,), 0, G, dtype=jnp.int64))
    batch = batch.at[-1].set(G - 1)  # ensure all G graphs present
    s = 1.0 / np.sqrt(D)
    W1 = jax.random.uniform(ks[2], (D, D), minval=-s, maxval=s, dtype=jnp.float32)
    b1 = jax.random.uniform(ks[3], (D,), minval=-s, maxval=s, dtype=jnp.float32)
    W2 = jax.random.uniform(ks[4], (D, D), minval=-s, maxval=s, dtype=jnp.float32)
    b2 = jax.random.uniform(ks[5], (D,), minval=-s, maxval=s, dtype=jnp.float32)
    Wt = jax.random.uniform(ks[6], (1, D), minval=-s, maxval=s, dtype=jnp.float32)
    bt = jax.random.uniform(ks[7], (1,), minval=-s, maxval=s, dtype=jnp.float32)
    centers = jnp.ones((1, K), dtype=jnp.float32)
    beta = jnp.ones((1, 1), dtype=jnp.float32)
    KD = K * D
    sm = 1.0 / np.sqrt(KD)
    Wm1 = jax.random.uniform(ks[8], (KD, KD), minval=-sm, maxval=sm, dtype=jnp.float32)
    bm1 = jax.random.uniform(ks[9], (KD,), minval=-sm, maxval=sm, dtype=jnp.float32)
    Wm2 = jax.random.uniform(ks[10], (D, KD), minval=-sm, maxval=sm, dtype=jnp.float32)
    bm2 = jax.random.uniform(ks[11], (D,), minval=-sm, maxval=sm, dtype=jnp.float32)
    return {"x": x, "batch": batch, "W1": W1, "b1": b1, "W2": W2, "b2": b2,
            "Wt": Wt, "bt": bt, "centers": centers, "beta": beta,
            "Wm1": Wm1, "bm1": bm1, "Wm2": Wm2, "bm2": bm2}

def reference(x, batch, W1, b1, W2, b2, Wt, bt, centers, beta, Wm1, bm1, Wm2, bm2):
    n, d = x.shape
    k = centers.shape[1]
    # x_encoder: Linear-ReLU-Linear
    xe = jnp.maximum(x @ W1.T + b1, 0.0) @ W2.T + b2          # [n, d]
    weight = xe @ Wt.T + bt                                    # [n, 1]
    # init == 'trans'
    c = (centers.T @ weight.T).reshape(1, k, n)                # [1, k, n]
    x3 = xe.T.reshape(d, 1, n)                                 # [d, 1, n]
    g_nums = G
    # gaussian kernel
    res = (x3 - c) ** 2                                        # [d, k, n]
    seg = jax.ops.segment_sum(jnp.transpose(res, (2, 0, 1)), batch,
                              num_segments=g_nums)             # [G, d, k]
    res2 = jnp.transpose(seg, (0, 2, 1))                       # [G, k, d] == permute(2,1,0) of [d,k,G]
    res3 = jnp.exp(-1.0 * jnp.power(res2, 0.5) / beta)         # [G, k, d]
    # agg == 'mlp'
    res4 = res3.reshape(g_nums, -1)                            # [G, k*d]
    norm = jnp.linalg.norm(res4, axis=1, keepdims=True)
    res4 = res4 / jnp.maximum(norm, 1e-12)                     # F.normalize
    g = jnp.maximum(res4 @ Wm1.T + bm1, 0.0) @ Wm2.T + bm2     # [G, d]
    return g

if __name__ == "__main__":
    import jax
    _d = setup_inputs()
    print(jax.jit(kernel)(*tuple(_d.values())))

</pallas_src>

<mosaic_0001>
#map = affine_map<(d0, d1) -> (0)>
#map1 = affine_map<(d0, d1) -> (0, 0)>
module attributes {stable_mosaic.version = 14 : i64} {
  func.func @run(%arg0: i32, %arg1: i32, %arg2: memref<11796480xf32, #tpu.memory_space<hbm>>, %arg3: memref<163840xi32, #tpu.memory_space<hbm>>, %arg4: memref<74880xf32, #tpu.memory_space<hbm>>, %arg5: memref<32x74880xf32, #tpu.memory_space<hbm>>, %arg6: memref<256xi32, #tpu.memory_space<vmem>>, %arg7: memref<256xi32, #tpu.memory_space<vmem>>, %arg8: memref<18432xf32, #tpu.memory_space<vmem>>, %arg9: memref<18432xf32, #tpu.memory_space<vmem>>, %arg10: memref<74880xf32, #tpu.memory_space<vmem>>, %arg11: memref<!tpu.dma_semaphore, #tpu.memory_space<semaphore_mem>>) attributes {dimension_semantics = [#tpu.dimension_semantics<core_parallel>, #tpu.dimension_semantics<subcore_parallel>], iteration_bounds = array<i64: 2, 16>, scalar_prefetch = 0 : i64, scratch_operands = 6 : i64, tpu.core_type = #tpu.core_type<sc_vector_subcore>, window_params = [{transform_indices = #map}, {transform_indices = #map}, {transform_indices = #map}, {transform_indices = #map1}]} {
    %mul3A = arith.constant 16 : i32
    %mul3A_0 = arith.muli %arg0, %mul3A : i32
    %add3A = arith.addi %mul3A_0, %arg1 : i32
    "tpu.region"() ({
      %run_scoped3A = tpu.sem_alloc : memref<!tpu.dma_semaphore, #tpu.memory_space<semaphore_mem>>
      tpu.enqueue_dma source(%arg4 : memref<74880xf32, #tpu.memory_space<hbm>>) target(%arg10 : memref<74880xf32, #tpu.memory_space<vmem>>) target_semaphore(%run_scoped3A : memref<!tpu.dma_semaphore, #tpu.memory_space<semaphore_mem>>)
      tpu.wait_dma2 semaphore(%run_scoped3A : memref<!tpu.dma_semaphore, #tpu.memory_space<semaphore_mem>>) src(%arg4 : memref<74880xf32, #tpu.memory_space<hbm>>) dst(%arg10 : memref<74880xf32, #tpu.memory_space<vmem>>)
      tpu.yield
    }) : () -> ()
    %mul3A_1 = arith.constant 320 : i32
    %mul3A_2 = arith.muli %add3A, %mul3A_1 : i32
    %iota3A = tpu.iota {dimensions = array<i32: 0>} : vector<16xi32>
    %add3A_3 = arith.constant 0 : i32
    %add3A_4 = arith.addi %mul3A_2, %add3A_3 : i32
    %mul3A_5 = arith.constant 16 : i32
    %mul3A_6 = arith.muli %add3A_4, %mul3A_5 : i32
    %dma_start3A = tpu.memref_slice %arg3[%mul3A_6] : memref<163840xi32, #tpu.memory_space<hbm>> -> memref<256xi32, #tpu.memory_space<hbm>>
    %dma_start3A_7 = tpu.memref_slice %arg3[%mul3A_6] : memref<163840xi32, #tpu.memory_space<hbm>> -> memref<256xi32, #tpu.memory_space<hbm>>
    tpu.enqueue_dma source(%dma_start3A_7 : memref<256xi32, #tpu.memory_space<hbm>>) target(%arg6 : memref<256xi32, #tpu.memory_space<vmem>>) target_semaphore(%arg11 : memref<!tpu.dma_semaphore, #tpu.memory_space<semaphore_mem>>)
    %add3A_8 = arith.constant 0 : i32
    %add3A_9 = arith.addi %mul3A_2, %add3A_8 : i32
    %mul3A_10 = arith.constant 1152 : i32
    %mul3A_11 = arith.muli %add3A_9, %mul3A_10 : i32
    %dma_start3A_12 = tpu.memref_slice %arg2[%mul3A_11] : memref<11796480xf32, #tpu.memory_space<hbm>> -> memref<18432xf32, #tpu.memory_space<hbm>>
    %dma_start3A_13 = tpu.memref_slice %arg2[%mul3A_11] : memref<11796480xf32, #tpu.memory_space<hbm>> -> memref<18432xf32, #tpu.memory_space<hbm>>
    tpu.enqueue_dma source(%dma_start3A_13 : memref<18432xf32, #tpu.memory_space<hbm>>) target(%arg8 : memref<18432xf32, #tpu.memory_space<vmem>>) target_semaphore(%arg11 : memref<!tpu.dma_semaphore, #tpu.memory_space<semaphore_mem>>)
    %add3A_14 = arith.constant 16 : i32
    %add3A_15 = arith.addi %mul3A_2, %add3A_14 : i32
    %mul3A_16 = arith.constant 16 : i32
    %mul3A_17 = arith.muli %add3A_15, %mul3A_16 : i32
    %dma_start3A_18 = tpu.memref_slice %arg3[%mul3A_17] : memref<163840xi32, #tpu.memory_space<hbm>> -> memref<256xi32, #tpu.memory_space<hbm>>
    %dma_start3A_19 = tpu.memref_slice %arg3[%mul3A_17] : memref<163840xi32, #tpu.memory_space<hbm>> -> memref<256xi32, #tpu.memory_space<hbm>>
    tpu.enqueue_dma source(%dma_start3A_19 : memref<256xi32, #tpu.memory_space<hbm>>) target(%arg7 : memref<256xi32, #tpu.memory_space<vmem>>) target_semaphore(%arg11 : memref<!tpu.dma_semaphore, #tpu.memory_space<semaphore_mem>>)
    %add3A_20 = arith.constant 16 : i32
    %add3A_21 = arith.addi %mul3A_2, %add3A_20 : i32
    %mul3A_22 = arith.constant 1152 : i32
    %mul3A_23 = arith.muli %add3A_21, %mul3A_22 : i32
    %dma_start3A_24 = tpu.memref_slice %arg2[%mul3A_23] : memref<11796480xf32, #tpu.memory_space<hbm>> -> memref<18432xf32, #tpu.memory_space<hbm>>
    %dma_start3A_25 = tpu.memref_slice %arg2[%mul3A_23] : memref<11796480xf32, #tpu.memory_space<hbm>> -> memref<18432xf32, #tpu.memory_space<hbm>>
    tpu.enqueue_dma source(%dma_start3A_25 : memref<18432xf32, #tpu.memory_space<hbm>>) target(%arg9 : memref<18432xf32, #tpu.memory_space<vmem>>) target_semaphore(%arg11 : memref<!tpu.dma_semaphore, #tpu.memory_space<semaphore_mem>>)
    %scan3A = arith.constant 0 : i32
    %scan3A_26 = arith.constant 0 : i32
    %scan3A_27 = arith.constant 10 : i32
    %scan3A_28 = arith.addi %scan3A_26, %scan3A_27 : i32
    %scan3A_29 = arith.constant 1 : i32
    scf.for %scan3A_46 = %scan3A_26 to %scan3A_28 step %scan3A_29  : i32 {
      %mul3A_47 = arith.constant 2 : i32
      %mul3A_48 = arith.muli %mul3A_47, %scan3A_46 : i32
      %add3A_49 = arith.constant 0 : i32
      %add3A_50 = arith.addi %mul3A_48, %add3A_49 : i32
      %dma_wait3A_51 = arith.constant 0 : i32
      %dma_wait3A_52 = tpu.memref_slice %arg3[%dma_wait3A_51] : memref<163840xi32, #tpu.memory_space<hbm>> -> memref<256xi32, #tpu.memory_space<hbm>>
      %dma_wait3A_53 = arith.constant 0 : i32
      %dma_wait3A_54 = tpu.memref_slice %arg3[%dma_wait3A_53] : memref<163840xi32, #tpu.memory_space<hbm>> -> memref<256xi32, #tpu.memory_space<hbm>>
      tpu.wait_dma2 semaphore(%arg11 : memref<!tpu.dma_semaphore, #tpu.memory_space<semaphore_mem>>) src(%dma_wait3A_54 : memref<256xi32, #tpu.memory_space<hbm>>) dst(%arg6 : memref<256xi32, #tpu.memory_space<vmem>>)
      %dma_wait3A_55 = arith.constant 0 : i32
      %dma_wait3A_56 = tpu.memref_slice %arg2[%dma_wait3A_55] : memref<11796480xf32, #tpu.memory_space<hbm>> -> memref<18432xf32, #tpu.memory_space<hbm>>
      %dma_wait3A_57 = arith.constant 0 : i32
      %dma_wait3A_58 = tpu.memref_slice %arg2[%dma_wait3A_57] : memref<11796480xf32, #tpu.memory_space<hbm>> -> memref<18432xf32, #tpu.memory_space<hbm>>
      tpu.wait_dma2 semaphore(%arg11 : memref<!tpu.dma_semaphore, #tpu.memory_space<semaphore_mem>>) src(%dma_wait3A_58 : memref<18432xf32, #tpu.memory_space<hbm>>) dst(%arg8 : memref<18432xf32, #tpu.memory_space<vmem>>)
      %scan3A_59 = arith.constant 0 : i32
      %scan3A_60 = arith.constant 0 : i32
      %scan3A_61 = arith.constant 16 : i32
      %scan3A_62 = arith.addi %scan3A_60, %scan3A_61 : i32
      %scan3A_63 = arith.constant 1 : i32
      scf.for %scan3A_118 = %scan3A_60 to %scan3A_62 step %scan3A_63  : i32 {
        %mul3A_119 = arith.constant 16 : i32
        %mul3A_120 = arith.muli %scan3A_118, %mul3A_119 : i32
        %get3A = arith.index_cast %mul3A_120 : i32 to index
        %get3A_121 = tpu.vector_load %arg6[%get3A] {strides = array<i32>} : memref<256xi32, #tpu.memory_space<vmem>>, vector<16xi32>,
        %mul3A_122 = arith.constant 1152 : i32
        %mul3A_123 = vector.broadcast %mul3A_122 : i32 to vector<16xi32>
        %mul3A_124 = arith.muli %get3A_121, %mul3A_123 : vector<16xi32>
        %add3A_125 = arith.addi %mul3A_124, %iota3A : vector<16xi32>
        %mul3A_126 = arith.constant 1152 : i32
        %mul3A_127 = arith.muli %scan3A_118, %mul3A_126 : i32
        %add3A_128 = arith.constant 0 : i32
        %add3A_129 = arith.addi %mul3A_127, %add3A_128 : i32
        %get3A_130 = arith.index_cast %add3A_129 : i32 to index
        %get3A_131 = tpu.vector_load %arg8[%get3A_130] {strides = array<i32>} : memref<18432xf32, #tpu.memory_space<vmem>>, vector<16xf32>,
        %scatter3A = arith.constant 0 : i32
        %scatter3A_132 = tpu.memref_slice %arg10[%scatter3A] : memref<74880xf32, #tpu.memory_space<vmem>> -> memref<74880xf32, #tpu.memory_space<vmem>>
        tpu.vector_store_idx %scatter3A_132[%add3A_125], %get3A_131 {add = true} : memref<74880xf32, #tpu.memory_space<vmem>>[vector<16xi32>], vector<16xf32>,
        %mul3A_133 = arith.constant 1152 : i32
        %mul3A_134 = arith.muli %scan3A_118, %mul3A_133 : i32
        %add3A_135 = arith.constant 16 : i32
        %add3A_136 = arith.addi %mul3A_134, %add3A_135 : i32
        %get3A_137 = arith.index_cast %add3A_136 : i32 to index
        %get3A_138 = tpu.vector_load %arg8[%get3A_137] {strides = array<i32>} : memref<18432xf32, #tpu.memory_space<vmem>>, vector<16xf32>,
        %scatter3A_139 = arith.constant 16 : i32
        %scatter3A_140 = tpu.memref_slice %arg10[%scatter3A_139] : memref<74880xf32, #tpu.memory_space<vmem>> -> memref<74864xf32, #tpu.memory_space<vmem>>
        tpu.vector_store_idx %scatter3A_140[%add3A_125], %get3A_138 {add = true} : memref<74864xf32, #tpu.memory_space<vmem>>[vector<16xi32>], vector<16xf32>,
        %mul3A_141 = arith.constant 1152 : i32
        %mul3A_142 = arith.muli %scan3A_118, %mul3A_141 : i32
        %add3A_143 = arith.constant 32 : i32
        %add3A_144 = arith.addi %mul3A_142, %add3A_143 : i32
        %get3A_145 = arith.index_cast %add3A_144 : i32 to index
        %get3A_146 = tpu.vector_load %arg8[%get3A_145] {strides = array<i32>} : memref<18432xf32, #tpu.memory_space<vmem>>, vector<16xf32>,
        %scatter3A_147 = arith.constant 32 : i32
        %scatter3A_148 = tpu.memref_slice %arg10[%scatter3A_147] : memref<74880xf32, #tpu.memory_space<vmem>> -> memref<74848xf32, #tpu.memory_space<vmem>>
        tpu.vector_store_idx %scatter3A_148[%add3A_125], %get3A_146 {add = true} : memref<74848xf32, #tpu.memory_space<vmem>>[vector<16xi32>], vector<16xf32>,
        %mul3A_149 = arith.constant 1152 : i32
        %mul3A_150 = arith.muli %scan3A_118, %mul3A_149 : i32
        %add3A_151 = arith.constant 48 : i32
        %add3A_152 = arith.addi %mul3A_150, %add3A_151 : i32
        %get3A_153 = arith.index_cast %add3A_152 : i32 to index
        %get3A_154 = tpu.vector_load %arg8[%get3A_153] {strides = array<i32>} : memref<18432xf32, #tpu.memory_space<vmem>>, vector<16xf32>,
        %scatter3A_155 = arith.constant 48 : i32
        %scatter3A_156 = tpu.memref_slice %arg10[%scatter3A_155] : memref<74880xf32, #tpu.memory_space<vmem>> -> memref<74832xf32, #tpu.memory_space<vmem>>
        tpu.vector_store_idx %scatter3A_156[%add3A_125], %get3A_154 {add = true} : memref<74832xf32, #tpu.memory_space<vmem>>[vector<16xi32>], vector<16xf32>,
        %mul3A_157 = arith.constant 1152 : i32
        %mul3A_158 = arith.muli %scan3A_118, %mul3A_157 : i32
        %add3A_159 = arith.constant 64 : i32
        %add3A_160 = arith.addi %mul3A_158, %add3A_159 : i32
        %get3A_161 = arith.index_cast %add3A_160 : i32 to index
        %get3A_162 = tpu.vector_load %arg8[%get3A_161] {strides = array<i32>} : memref<18432xf32, #tpu.memory_space<vmem>>, vector<16xf32>,
        %scatter3A_163 = arith.constant 64 : i32
        %scatter3A_164 = tpu.memref_slice %arg10[%scatter3A_163] : memref<74880xf32, #tpu.memory_space<vmem>> -> memref<74816xf32, #tpu.memory_space<vmem>>
        tpu.vector_store_idx %scatter3A_164[%add3A_125], %get3A_162 {add = true} : memref<74816xf32, #tpu.memory_space<vmem>>[vector<16xi32>], vector<16xf32>,
        %mul3A_165 = arith.constant 1152 : i32
        %mul3A_166 = arith.muli %scan3A_118, %mul3A_165 : i32
        %add3A_167 = arith.constant 80 : i32
        %add3A_168 = arith.addi %mul3A_166, %add3A_167 : i32
        %get3A_169 = arith.index_cast %add3A_168 : i32 to index
        %get3A_170 = tpu.vector_load %arg8[%get3A_169] {strides = array<i32>} : memref<18432xf32, #tpu.memory_space<vmem>>, vector<16xf32>,
        %scatter3A_171 = arith.constant 80 : i32
        %scatter3A_172 = tpu.memref_slice %arg10[%scatter3A_171] : memref<74880xf32, #tpu.memory_space<vmem>> -> memref<74800xf32, #tpu.memory_space<vmem>>
        tpu.vector_store_idx %scatter3A_172[%add3A_125], %get3A_170 {add = true} : memref<74800xf32, #tpu.memory_space<vmem>>[vector<16xi32>], vector<16xf32>,
        %mul3A_173 = arith.constant 1152 : i32
        %mul3A_174 = arith.muli %scan3A_118, %mul3A_173 : i32
        %add3A_175 = arith.constant 96 : i32
        %add3A_176 = arith.addi %mul3A_174, %add3A_175 : i32
        %get3A_177 = arith.index_cast %add3A_176 : i32 to index
        %get3A_178 = tpu.vector_load %arg8[%get3A_177] {strides = array<i32>} : memref<18432xf32, #tpu.memory_space<vmem>>, vector<16xf32>,
        %scatter3A_179 = arith.constant 96 : i32
        %scatter3A_180 = tpu.memref_slice %arg10[%scatter3A_179] : memref<74880xf32, #tpu.memory_space<vmem>> -> memref<74784xf32, #tpu.memory_space<vmem>>
        tpu.vector_store_idx %scatter3A_180[%add3A_125], %get3A_178 {add = true} : memref<74784xf32, #tpu.memory_space<vmem>>[vector<16xi32>], vector<16xf32>,
        %mul3A_181 = arith.constant 1152 : i32
        %mul3A_182 = arith.muli %scan3A_118, %mul3A_181 : i32
        %add3A_183 = arith.constant 112 : i32
        %add3A_184 = arith.addi %mul3A_182, %add3A_183 : i32
        %get3A_185 = arith.index_cast %add3A_184 : i32 to index
        %get3A_186 = tpu.vector_load %arg8[%get3A_185] {strides = array<i32>} : memref<18432xf32, #tpu.memory_space<vmem>>, vector<16xf32>,
        %scatter3A_187 = arith.constant 112 : i32
        %scatter3A_188 = tpu.memref_slice %arg10[%scatter3A_187] : memref<74880xf32, #tpu.memory_space<vmem>> -> memref<74768xf32, #tpu.memory_space<vmem>>
        tpu.vector_store_idx %scatter3A_188[%add3A_125], %get3A_186 {add = true} : memref<74768xf32, #tpu.memory_space<vmem>>[vector<16xi32>], vector<16xf32>,
        %mul3A_189 = arith.constant 1152 : i32
        %mul3A_190 = arith.muli %scan3A_118, %mul3A_189 : i32
        %add3A_191 = arith.constant 128 : i32
        %add3A_192 = arith.addi %mul3A_190, %add3A_191 : i32
        %get3A_193 = arith.index_cast %add3A_192 : i32 to index
        %get3A_194 = tpu.vector_load %arg8[%get3A_193] {strides = array<i32>} : memref<18432xf32, #tpu.memory_space<vmem>>, vector<16xf32>,
        %scatter3A_195 = arith.constant 128 : i32
        %scatter3A_196 = tpu.memref_slice %arg10[%scatter3A_195] : memref<74880xf32, #tpu.memory_space<vmem>> -> memref<74752xf32, #tpu.memory_space<vmem>>
        tpu.vector_store_idx %scatter3A_196[%add3A_125], %get3A_194 {add = true} : memref<74752xf32, #tpu.memory_space<vmem>>[vector<16xi32>], vector<16xf32>,
        %mul3A_197 = arith.constant 1152 : i32
        %mul3A_198 = arith.muli %scan3A_118, %mul3A_197 : i32
        %add3A_199 = arith.constant 144 : i32
        %add3A_200 = arith.addi %mul3A_198, %add3A_199 : i32
        %get3A_201 = arith.index_cast %add3A_200 : i32 to index
        %get3A_202 = tpu.vector_load %arg8[%get3A_201] {strides = array<i32>} : memref<18432xf32, #tpu.memory_space<vmem>>, vector<16xf32>,
        %scatter3A_203 = arith.constant 144 : i32
        %scatter3A_204 = tpu.memref_slice %arg10[%scatter3A_203] : memref<74880xf32, #tpu.memory_space<vmem>> -> memref<74736xf32, #tpu.memory_space<vmem>>
        tpu.vector_store_idx %scatter3A_204[%add3A_125], %get3A_202 {add = true} : memref<74736xf32, #tpu.memory_space<vmem>>[vector<16xi32>], vector<16xf32>,
        %mul3A_205 = arith.constant 1152 : i32
        %mul3A_206 = arith.muli %scan3A_118, %mul3A_205 : i32
        %add3A_207 = arith.constant 160 : i32
        %add3A_208 = arith.addi %mul3A_206, %add3A_207 : i32
        %get3A_209 = arith.index_cast %add3A_208 : i32 to index
        %get3A_210 = tpu.vector_load %arg8[%get3A_209] {strides = array<i32>} : memref<18432xf32, #tpu.memory_space<vmem>>, vector<16xf32>,
        %scatter3A_211 = arith.constant 160 : i32
        %scatter3A_212 = tpu.memref_slice %arg10[%scatter3A_211] : memref<74880xf32, #tpu.memory_space<vmem>> -> memref<74720xf32, #tpu.memory_space<vmem>>
        tpu.vector_store_idx %scatter3A_212[%add3A_125], %get3A_210 {add = true} : memref<74720xf32, #tpu.memory_space<vmem>>[vector<16xi32>], vector<16xf32>,
        %mul3A_213 = arith.constant 1152 : i32
        %mul3A_214 = arith.muli %scan3A_118, %mul3A_213 : i32
        %add3A_215 = arith.constant 176 : i32
        %add3A_216 = arith.addi %mul3A_214, %add3A_215 : i32
        %get3A_217 = arith.index_cast %add3A_216 : i32 to index
        %get3A_218 = tpu.vector_load %arg8[%get3A_217] {strides = array<i32>} : memref<18432xf32, #tpu.memory_space<vmem>>, vector<16xf32>,
        %scatter3A_219 = arith.constant 176 : i32
        %scatter3A_220 = tpu.memref_slice %arg10[%scatter3A_219] : memref<74880xf32, #tpu.memory_space<vmem>> -> memref<74704xf32, #tpu.memory_space<vmem>>
        tpu.vector_store_idx %scatter3A_220[%add3A_125], %get3A_218 {add = true} : memref<74704xf32, #tpu.memory_space<vmem>>[vector<16xi32>], vector<16xf32>,
        %mul3A_221 = arith.constant 1152 : i32
        %mul3A_222 = arith.muli %scan3A_118, %mul3A_221 : i32
        %add3A_223 = arith.constant 192 : i32
        %add3A_224 = arith.addi %mul3A_222, %add3A_223 : i32
        %get3A_225 = arith.index_cast %add3A_224 : i32 to index
        %get3A_226 = tpu.vector_load %arg8[%get3A_225] {strides = array<i32>} : memref<18432xf32, #tpu.memory_space<vmem>>, vector<16xf32>,
        %scatter3A_227 = arith.constant 192 : i32
        %scatter3A_228 = tpu.memref_slice %arg10[%scatter3A_227] : memref<74880xf32, #tpu.memory_space<vmem>> -> memref<74688xf32, #tpu.memory_space<vmem>>
        tpu.vector_store_idx %scatter3A_228[%add3A_125], %get3A_226 {add = true} : memref<74688xf32, #tpu.memory_space<vmem>>[vector<16xi32>], vector<16xf32>,
        %mul3A_229 = arith.constant 1152 : i32
        %mul3A_230 = arith.muli %scan3A_118, %mul3A_229 : i32
        %add3A_231 = arith.constant 208 : i32
        %add3A_232 = arith.addi %mul3A_230, %add3A_231 : i32
        %get3A_233 = arith.index_cast %add3A_232 : i32 to index
        %get3A_234 = tpu.vector_load %arg8[%get3A_233] {strides = array<i32>} : memref<18432xf32, #tpu.memory_space<vmem>>, vector<16xf32>,
        %scatter3A_235 = arith.constant 208 : i32
        %scatter3A_236 = tpu.memref_slice %arg10[%scatter3A_235] : memref<74880xf32, #tpu.memory_space<vmem>> -> memref<74672xf32, #tpu.memory_space<vmem>>
        tpu.vector_store_idx %scatter3A_236[%add3A_125], %get3A_234 {add = true} : memref<74672xf32, #tpu.memory_space<vmem>>[vector<16xi32>], vector<16xf32>,
        %mul3A_237 = arith.constant 1152 : i32
        %mul3A_238 = arith.muli %scan3A_118, %mul3A_237 : i32
        %add3A_239 = arith.constant 224 : i32
        %add3A_240 = arith.addi %mul3A_238, %add3A_239 : i32
        %get3A_241 = arith.index_cast %add3A_240 : i32 to index
        %get3A_242 = tpu.vector_load %arg8[%get3A_241] {strides = array<i32>} : memref<18432xf32, #tpu.memory_space<vmem>>, vector<16xf32>,
        %scatter3A_243 = arith.constant 224 : i32
        %scatter3A_244 = tpu.memref_slice %arg10[%scatter3A_243] : memref<74880xf32, #tpu.memory_space<vmem>> -> memref<74656xf32, #tpu.memory_space<vmem>>
        tpu.vector_store_idx %scatter3A_244[%add3A_125], %get3A_242 {add = true} : memref<74656xf32, #tpu.memory_space<vmem>>[vector<16xi32>], vector<16xf32>,
        %mul3A_245 = arith.constant 1152 : i32
        %mul3A_246 = arith.muli %scan3A_118, %mul3A_245 : i32
        %add3A_247 = arith.constant 240 : i32
        %add3A_248 = arith.addi %mul3A_246, %add3A_247 : i32
        %get3A_249 = arith.index_cast %add3A_248 : i32 to index
        %get3A_250 = tpu.vector_load %arg8[%get3A_249] {strides = array<i32>} : memref<18432xf32, #tpu.memory_space<vmem>>, vector<16xf32>,
        %scatter3A_251 = arith.constant 240 : i32
        %scatter3A_252 = tpu.memref_slice %arg10[%scatter3A_251] : memref<74880xf32, #tpu.memory_space<vmem>> -> memref<74640xf32, #tpu.memory_space<vmem>>
        tpu.vector_store_idx %scatter3A_252[%add3A_125], %get3A_250 {add = true} : memref<74640xf32, #tpu.memory_space<vmem>>[vector<16xi32>], vector<16xf32>,
        %mul3A_253 = arith.constant 1152 : i32
        %mul3A_254 = arith.muli %scan3A_118, %mul3A_253 : i32
        %add3A_255 = arith.constant 256 : i32
        %add3A_256 = arith.addi %mul3A_254, %add3A_255 : i32
        %get3A_257 = arith.index_cast %add3A_256 : i32 to index
        %get3A_258 = tpu.vector_load %arg8[%get3A_257] {strides = array<i32>} : memref<18432xf32, #tpu.memory_space<vmem>>, vector<16xf32>,
        %scatter3A_259 = arith.constant 256 : i32
        %scatter3A_260 = tpu.memref_slice %arg10[%scatter3A_259] : memref<74880xf32, #tpu.memory_space<vmem>> -> memref<74624xf32, #tpu.memory_space<vmem>>
        tpu.vector_store_idx %scatter3A_260[%add3A_125], %get3A_258 {add = true} : memref<74624xf32, #tpu.memory_space<vmem>>[vector<16xi32>], vector<16xf32>,
        %mul3A_261 = arith.constant 1152 : i32
        %mul3A_262 = arith.muli %scan3A_118, %mul3A_261 : i32
        %add3A_263 = arith.constant 272 : i32
        %add3A_264 = arith.addi %mul3A_262, %add3A_263 : i32
        %get3A_265 = arith.index_cast %add3A_264 : i32 to index
        %get3A_266 = tpu.vector_load %arg8[%get3A_265] {strides = array<i32>} : memref<18432xf32, #tpu.memory_space<vmem>>, vector<16xf32>,
        %scatter3A_267 = arith.constant 272 : i32
        %scatter3A_268 = tpu.memref_slice %arg10[%scatter3A_267] : memref<74880xf32, #tpu.memory_space<vmem>> -> memref<74608xf32, #tpu.memory_space<vmem>>
        tpu.vector_store_idx %scatter3A_268[%add3A_125], %get3A_266 {add = true} : memref<74608xf32, #tpu.memory_space<vmem>>[vector<16xi32>], vector<16xf32>,
        %mul3A_269 = arith.constant 1152 : i32
        %mul3A_270 = arith.muli %scan3A_118, %mul3A_269 : i32
        %add3A_271 = arith.constant 288 : i32
        %add3A_272 = arith.addi %mul3A_270, %add3A_271 : i32
        %get3A_273 = arith.index_cast %add3A_272 : i32 to index
        %get3A_274 = tpu.vector_load %arg8[%get3A_273] {strides = array<i32>} : memref<18432xf32, #tpu.memory_space<vmem>>, vector<16xf32>,
        %scatter3A_275 = arith.constant 288 : i32
        %scatter3A_276 = tpu.memref_slice %arg10[%scatter3A_275] : memref<74880xf32, #tpu.memory_space<vmem>> -> memref<74592xf32, #tpu.memory_space<vmem>>
        tpu.vector_store_idx %scatter3A_276[%add3A_125], %get3A_274 {add = true} : memref<74592xf32, #tpu.memory_space<vmem>>[vector<16xi32>], vector<16xf32>,
        %mul3A_277 = arith.constant 1152 : i32
        %mul3A_278 = arith.muli %scan3A_118, %mul3A_277 : i32
        %add3A_279 = arith.constant 304 : i32
        %add3A_280 = arith.addi %mul3A_278, %add3A_279 : i32
        %get3A_281 = arith.index_cast %add3A_280 : i32 to index
        %get3A_282 = tpu.vector_load %arg8[%get3A_281] {strides = array<i32>} : memref<18432xf32, #tpu.memory_space<vmem>>, vector<16xf32>,
        %scatter3A_283 = arith.constant 304 : i32
        %scatter3A_284 = tpu.memref_slice %arg10[%scatter3A_283] : memref<74880xf32, #tpu.memory_space<vmem>> -> memref<74576xf32, #tpu.memory_space<vmem>>
        tpu.vector_store_idx %scatter3A_284[%add3A_125], %get3A_282 {add = true} : memref<74576xf32, #tpu.memory_space<vmem>>[vector<16xi32>], vector<16xf32>,
        %mul3A_285 = arith.constant 1152 : i32
        %mul3A_286 = arith.muli %scan3A_118, %mul3A_285 : i32
        %add3A_287 = arith.constant 320 : i32
        %add3A_288 = arith.addi %mul3A_286, %add3A_287 : i32
        %get3A_289 = arith.index_cast %add3A_288 : i32 to index
        %get3A_290 = tpu.vector_load %arg8[%get3A_289] {strides = array<i32>} : memref<18432xf32, #tpu.memory_space<vmem>>, vector<16xf32>,
        %scatter3A_291 = arith.constant 320 : i32
        %scatter3A_292 = tpu.memref_slice %arg10[%scatter3A_291] : memref<74880xf32, #tpu.memory_space<vmem>> -> memref<74560xf32, #tpu.memory_space<vmem>>
        tpu.vector_store_idx %scatter3A_292[%add3A_125], %get3A_290 {add = true} : memref<74560xf32, #tpu.memory_space<vmem>>[vector<16xi32>], vector<16xf32>,
        %mul3A_293 = arith.constant 1152 : i32
        %mul3A_294 = arith.muli %scan3A_118, %mul3A_293 : i32
        %add3A_295 = arith.constant 336 : i32
        %add3A_296 = arith.addi %mul3A_294, %add3A_295 : i32
        %get3A_297 = arith.index_cast %add3A_296 : i32 to index
        %get3A_298 = tpu.vector_load %arg8[%get3A_297] {strides = array<i32>} : memref<18432xf32, #tpu.memory_space<vmem>>, vector<16xf32>,
        %scatter3A_299 = arith.constant 336 : i32
        %scatter3A_300 = tpu.memref_slice %arg10[%scatter3A_299] : memref<74880xf32, #tpu.memory_space<vmem>> -> memref<74544xf32, #tpu.memory_space<vmem>>
        tpu.vector_store_idx %scatter3A_300[%add3A_125], %get3A_298 {add = true} : memref<74544xf32, #tpu.memory_space<vmem>>[vector<16xi32>], vector<16xf32>,
        %mul3A_301 = arith.constant 1152 : i32
        %mul3A_302 = arith.muli %scan3A_118, %mul3A_301 : i32
        %add3A_303 = arith.constant 352 : i32
        %add3A_304 = arith.addi %mul3A_302, %add3A_303 : i32
        %get3A_305 = arith.index_cast %add3A_304 : i32 to index
        %get3A_306 = tpu.vector_load %arg8[%get3A_305] {strides = array<i32>} : memref<18432xf32, #tpu.memory_space<vmem>>, vector<16xf32>,
        %scatter3A_307 = arith.constant 352 : i32
        %scatter3A_308 = tpu.memref_slice %arg10[%scatter3A_307] : memref<74880xf32, #tpu.memory_space<vmem>> -> memref<74528xf32, #tpu.memory_space<vmem>>
        tpu.vector_store_idx %scatter3A_308[%add3A_125], %get3A_306 {add = true} : memref<74528xf32, #tpu.memory_space<vmem>>[vector<16xi32>], vector<16xf32>,
        %mul3A_309 = arith.constant 1152 : i32
        %mul3A_310 = arith.muli %scan3A_118, %mul3A_309 : i32
        %add3A_311 = arith.constant 368 : i32
        %add3A_312 = arith.addi %mul3A_310, %add3A_311 : i32
        %get3A_313 = arith.index_cast %add3A_312 : i32 to index
        %get3A_314 = tpu.vector_load %arg8[%get3A_313] {strides = array<i32>} : memref<18432xf32, #tpu.memory_space<vmem>>, vector<16xf32>,
        %scatter3A_315 = arith.constant 368 : i32
        %scatter3A_316 = tpu.memref_slice %arg10[%scatter3A_315] : memref<74880xf32, #tpu.memory_space<vmem>> -> memref<74512xf32, #tpu.memory_space<vmem>>
        tpu.vector_store_idx %scatter3A_316[%add3A_125], %get3A_314 {add = true} : memref<74512xf32, #tpu.memory_space<vmem>>[vector<16xi32>], vector<16xf32>,
        %mul3A_317 = arith.constant 1152 : i32
        %mul3A_318 = arith.muli %scan3A_118, %mul3A_317 : i32
        %add3A_319 = arith.constant 384 : i32
        %add3A_320 = arith.addi %mul3A_318, %add3A_319 : i32
        %get3A_321 = arith.index_cast %add3A_320 : i32 to index
        %get3A_322 = tpu.vector_load %arg8[%get3A_321] {strides = array<i32>} : memref<18432xf32, #tpu.memory_space<vmem>>, vector<16xf32>,
        %scatter3A_323 = arith.constant 384 : i32
        %scatter3A_324 = tpu.memref_slice %arg10[%scatter3A_323] : memref<74880xf32, #tpu.memory_space<vmem>> -> memref<74496xf32, #tpu.memory_space<vmem>>
        tpu.vector_store_idx %scatter3A_324[%add3A_125], %get3A_322 {add = true} : memref<74496xf32, #tpu.memory_space<vmem>>[vector<16xi32>], vector<16xf32>,
        %mul3A_325 = arith.constant 1152 : i32
        %mul3A_326 = arith.muli %scan3A_118, %mul3A_325 : i32
        %add3A_327 = arith.constant 400 : i32
        %add3A_328 = arith.addi %mul3A_326, %add3A_327 : i32
        %get3A_329 = arith.index_cast %add3A_328 : i32 to index
        %get3A_330 = tpu.vector_load %arg8[%get3A_329] {strides = array<i32>} : memref<18432xf32, #tpu.memory_space<vmem>>, vector<16xf32>,
        %scatter3A_331 = arith.constant 400 : i32
        %scatter3A_332 = tpu.memref_slice %arg10[%scatter3A_331] : memref<74880xf32, #tpu.memory_space<vmem>> -> memref<74480xf32, #tpu.memory_space<vmem>>
        tpu.vector_store_idx %scatter3A_332[%add3A_125], %get3A_330 {add = true} : memref<74480xf32, #tpu.memory_space<vmem>>[vector<16xi32>], vector<16xf32>,
        %mul3A_333 = arith.constant 1152 : i32
        %mul3A_334 = arith.muli %scan3A_118, %mul3A_333 : i32
        %add3A_335 = arith.constant 416 : i32
        %add3A_336 = arith.addi %mul3A_334, %add3A_335 : i32
        %get3A_337 = arith.index_cast %add3A_336 : i32 to index
        %get3A_338 = tpu.vector_load %arg8[%get3A_337] {strides = array<i32>} : memref<18432xf32, #tpu.memory_space<vmem>>, vector<16xf32>,
        %scatter3A_339 = arith.constant 416 : i32
        %scatter3A_340 = tpu.memref_slice %arg10[%scatter3A_339] : memref<74880xf32, #tpu.memory_space<vmem>> -> memref<74464xf32, #tpu.memory_space<vmem>>
        tpu.vector_store_idx %scatter3A_340[%add3A_125], %get3A_338 {add = true} : memref<74464xf32, #tpu.memory_space<vmem>>[vector<16xi32>], vector<16xf32>,
        %mul3A_341 = arith.constant 1152 : i32
        %mul3A_342 = arith.muli %scan3A_118, %mul3A_341 : i32
        %add3A_343 = arith.constant 432 : i32
        %add3A_344 = arith.addi %mul3A_342, %add3A_343 : i32
        %get3A_345 = arith.index_cast %add3A_344 : i32 to index
        %get3A_346 = tpu.vector_load %arg8[%get3A_345] {strides = array<i32>} : memref<18432xf32, #tpu.memory_space<vmem>>, vector<16xf32>,
        %scatter3A_347 = arith.constant 432 : i32
        %scatter3A_348 = tpu.memref_slice %arg10[%scatter3A_347] : memref<74880xf32, #tpu.memory_space<vmem>> -> memref<74448xf32, #tpu.memory_space<vmem>>
        tpu.vector_store_idx %scatter3A_348[%add3A_125], %get3A_346 {add = true} : memref<74448xf32, #tpu.memory_space<vmem>>[vector<16xi32>], vector<16xf32>,
        %mul3A_349 = arith.constant 1152 : i32
        %mul3A_350 = arith.muli %scan3A_118, %mul3A_349 : i32
        %add3A_351 = arith.constant 448 : i32
        %add3A_352 = arith.addi %mul3A_350, %add3A_351 : i32
        %get3A_353 = arith.index_cast %add3A_352 : i32 to index
        %get3A_354 = tpu.vector_load %arg8[%get3A_353] {strides = array<i32>} : memref<18432xf32, #tpu.memory_space<vmem>>, vector<16xf32>,
        %scatter3A_355 = arith.constant 448 : i32
        %scatter3A_356 = tpu.memref_slice %arg10[%scatter3A_355] : memref<74880xf32, #tpu.memory_space<vmem>> -> memref<74432xf32, #tpu.memory_space<vmem>>
        tpu.vector_store_idx %scatter3A_356[%add3A_125], %get3A_354 {add = true} : memref<74432xf32, #tpu.memory_space<vmem>>[vector<16xi32>], vector<16xf32>,
        %mul3A_357 = arith.constant 1152 : i32
        %mul3A_358 = arith.muli %scan3A_118, %mul3A_357 : i32
        %add3A_359 = arith.constant 464 : i32
        %add3A_360 = arith.addi %mul3A_358, %add3A_359 : i32
        %get3A_361 = arith.index_cast %add3A_360 : i32 to index
        %get3A_362 = tpu.vector_load %arg8[%get3A_361] {strides = array<i32>} : memref<18432xf32, #tpu.memory_space<vmem>>, vector<16xf32>,
        %scatter3A_363 = arith.constant 464 : i32
        %scatter3A_364 = tpu.memref_slice %arg10[%scatter3A_363] : memref<74880xf32, #tpu.memory_space<vmem>> -> memref<74416xf32, #tpu.memory_space<vmem>>
        tpu.vector_store_idx %scatter3A_364[%add3A_125], %get3A_362 {add = true} : memref<74416xf32, #tpu.memory_space<vmem>>[vector<16xi32>], vector<16xf32>,
        %mul3A_365 = arith.constant 1152 : i32
        %mul3A_366 = arith.muli %scan3A_118, %mul3A_365 : i32
        %add3A_367 = arith.constant 480 : i32
        %add3A_368 = arith.addi %mul3A_366, %add3A_367 : i32
        %get3A_369 = arith.index_cast %add3A_368 : i32 to index
        %get3A_370 = tpu.vector_load %arg8[%get3A_369] {strides = array<i32>} : memref<18432xf32, #tpu.memory_space<vmem>>, vector<16xf32>,
        %scatter3A_371 = arith.constant 480 : i32
        %scatter3A_372 = tpu.memref_slice %arg10[%scatter3A_371] : memref<74880xf32, #tpu.memory_space<vmem>> -> memref<74400xf32, #tpu.memory_space<vmem>>
        tpu.vector_store_idx %scatter3A_372[%add3A_125], %get3A_370 {add = true} : memref<74400xf32, #tpu.memory_space<vmem>>[vector<16xi32>], vector<16xf32>,
        %mul3A_373 = arith.constant 1152 : i32
        %mul3A_374 = arith.muli %scan3A_118, %mul3A_373 : i32
        %add3A_375 = arith.constant 496 : i32
        %add3A_376 = arith.addi %mul3A_374, %add3A_375 : i32
        %get3A_377 = arith.index_cast %add3A_376 : i32 to index
        %get3A_378 = tpu.vector_load %arg8[%get3A_377] {strides = array<i32>} : memref<18432xf32, #tpu.memory_space<vmem>>, vector<16xf32>,
        %scatter3A_379 = arith.constant 496 : i32
        %scatter3A_380 = tpu.memref_slice %arg10[%scatter3A_379] : memref<74880xf32, #tpu.memory_space<vmem>> -> memref<74384xf32, #tpu.memory_space<vmem>>
        tpu.vector_store_idx %scatter3A_380[%add3A_125], %get3A_378 {add = true} : memref<74384xf32, #tpu.memory_space<vmem>>[vector<16xi32>], vector<16xf32>,
        %mul3A_381 = arith.constant 1152 : i32
        %mul3A_382 = arith.muli %scan3A_118, %mul3A_381 : i32
        %add3A_383 = arith.constant 512 : i32
        %add3A_384 = arith.addi %mul3A_382, %add3A_383 : i32
        %get3A_385 = arith.index_cast %add3A_384 : i32 to index
        %get3A_386 = tpu.vector_load %arg8[%get3A_385] {strides = array<i32>} : memref<18432xf32, #tpu.memory_space<vmem>>, vector<16xf32>,
        %scatter3A_387 = arith.constant 512 : i32
        %scatter3A_388 = tpu.memref_slice %arg10[%scatter3A_387] : memref<74880xf32, #tpu.memory_space<vmem>> -> memref<74368xf32, #tpu.memory_space<vmem>>
        tpu.vector_store_idx %scatter3A_388[%add3A_125], %get3A_386 {add = true} : memref<74368xf32, #tpu.memory_space<vmem>>[vector<16xi32>], vector<16xf32>,
        %mul3A_389 = arith.constant 1152 : i32
        %mul3A_390 = arith.muli %scan3A_118, %mul3A_389 : i32
        %add3A_391 = arith.constant 528 : i32
        %add3A_392 = arith.addi %mul3A_390, %add3A_391 : i32
        %get3A_393 = arith.index_cast %add3A_392 : i32 to index
        %get3A_394 = tpu.vector_load %arg8[%get3A_393] {strides = array<i32>} : memref<18432xf32, #tpu.memory_space<vmem>>, vector<16xf32>,
        %scatter3A_395 = arith.constant 528 : i32
        %scatter3A_396 = tpu.memref_slice %arg10[%scatter3A_395] : memref<74880xf32, #tpu.memory_space<vmem>> -> memref<74352xf32, #tpu.memory_space<vmem>>
        tpu.vector_store_idx %scatter3A_396[%add3A_125], %get3A_394 {add = true} : memref<74352xf32, #tpu.memory_space<vmem>>[vector<16xi32>], vector<16xf32>,
        %mul3A_397 = arith.constant 1152 : i32
        %mul3A_398 = arith.muli %scan3A_118, %mul3A_397 : i32
        %add3A_399 = arith.constant 544 : i32
        %add3A_400 = arith.addi %mul3A_398, %add3A_399 : i32
        %get3A_401 = arith.index_cast %add3A_400 : i32 to index
        %get3A_402 = tpu.vector_load %arg8[%get3A_401] {strides = array<i32>} : memref<18432xf32, #tpu.memory_space<vmem>>, vector<16xf32>,
        %scatter3A_403 = arith.constant 544 : i32
        %scatter3A_404 = tpu.memref_slice %arg10[%scatter3A_403] : memref<74880xf32, #tpu.memory_space<vmem>> -> memref<74336xf32, #tpu.memory_space<vmem>>
        tpu.vector_store_idx %scatter3A_404[%add3A_125], %get3A_402 {add = true} : memref<74336xf32, #tpu.memory_space<vmem>>[vector<16xi32>], vector<16xf32>,
        %mul3A_405 = arith.constant 1152 : i32
        %mul3A_406 = arith.muli %scan3A_118, %mul3A_405 : i32
        %add3A_407 = arith.constant 560 : i32
        %add3A_408 = arith.addi %mul3A_406, %add3A_407 : i32
        %get3A_409 = arith.index_cast %add3A_408 : i32 to index
        %get3A_410 = tpu.vector_load %arg8[%get3A_409] {strides = array<i32>} : memref<18432xf32, #tpu.memory_space<vmem>>, vector<16xf32>,
        %scatter3A_411 = arith.constant 560 : i32
        %scatter3A_412 = tpu.memref_slice %arg10[%scatter3A_411] : memref<74880xf32, #tpu.memory_space<vmem>> -> memref<74320xf32, #tpu.memory_space<vmem>>
        tpu.vector_store_idx %scatter3A_412[%add3A_125], %get3A_410 {add = true} : memref<74320xf32, #tpu.memory_space<vmem>>[vector<16xi32>], vector<16xf32>,
        %mul3A_413 = arith.constant 1152 : i32
        %mul3A_414 = arith.muli %scan3A_118, %mul3A_413 : i32
        %add3A_415 = arith.constant 576 : i32
        %add3A_416 = arith.addi %mul3A_414, %add3A_415 : i32
        %get3A_417 = arith.index_cast %add3A_416 : i32 to index
        %get3A_418 = tpu.vector_load %arg8[%get3A_417] {strides = array<i32>} : memref<18432xf32, #tpu.memory_space<vmem>>, vector<16xf32>,
        %scatter3A_419 = arith.constant 576 : i32
        %scatter3A_420 = tpu.memref_slice %arg10[%scatter3A_419] : memref<74880xf32, #tpu.memory_space<vmem>> -> memref<74304xf32, #tpu.memory_space<vmem>>
        tpu.vector_store_idx %scatter3A_420[%add3A_125], %get3A_418 {add = true} : memref<74304xf32, #tpu.memory_space<vmem>>[vector<16xi32>], vector<16xf32>,
        %mul3A_421 = arith.constant 1152 : i32
        %mul3A_422 = arith.muli %scan3A_118, %mul3A_421 : i32
        %add3A_423 = arith.constant 592 : i32
        %add3A_424 = arith.addi %mul3A_422, %add3A_423 : i32
        %get3A_425 = arith.index_cast %add3A_424 : i32 to index
        %get3A_426 = tpu.vector_load %arg8[%get3A_425] {strides = array<i32>} : memref<18432xf32, #tpu.memory_space<vmem>>, vector<16xf32>,
        %scatter3A_427 = arith.constant 592 : i32
        %scatter3A_428 = tpu.memref_slice %arg10[%scatter3A_427] : memref<74880xf32, #tpu.memory_space<vmem>> -> memref<74288xf32, #tpu.memory_space<vmem>>
        tpu.vector_store_idx %scatter3A_428[%add3A_125], %get3A_426 {add = true} : memref<74288xf32, #tpu.memory_space<vmem>>[vector<16xi32>], vector<16xf32>,
        %mul3A_429 = arith.constant 1152 : i32
        %mul3A_430 = arith.muli %scan3A_118, %mul3A_429 : i32
        %add3A_431 = arith.constant 608 : i32
        %add3A_432 = arith.addi %mul3A_430, %add3A_431 : i32
        %get3A_433 = arith.index_cast %add3A_432 : i32 to index
        %get3A_434 = tpu.vector_load %arg8[%get3A_433] {strides = array<i32>} : memref<18432xf32, #tpu.memory_space<vmem>>, vector<16xf32>,
        %scatter3A_435 = arith.constant 608 : i32
        %scatter3A_436 = tpu.memref_slice %arg10[%scatter3A_435] : memref<74880xf32, #tpu.memory_space<vmem>> -> memref<74272xf32, #tpu.memory_space<vmem>>
        tpu.vector_store_idx %scatter3A_436[%add3A_125], %get3A_434 {add = true} : memref<74272xf32, #tpu.memory_space<vmem>>[vector<16xi32>], vector<16xf32>,
        %mul3A_437 = arith.constant 1152 : i32
        %mul3A_438 = arith.muli %scan3A_118, %mul3A_437 : i32
        %add3A_439 = arith.constant 624 : i32
        %add3A_440 = arith.addi %mul3A_438, %add3A_439 : i32
        %get3A_441 = arith.index_cast %add3A_440 : i32 to index
        %get3A_442 = tpu.vector_load %arg8[%get3A_441] {strides = array<i32>} : memref<18432xf32, #tpu.memory_space<vmem>>, vector<16xf32>,
        %scatter3A_443 = arith.constant 624 : i32
        %scatter3A_444 = tpu.memref_slice %arg10[%scatter3A_443] : memref<74880xf32, #tpu.memory_space<vmem>> -> memref<74256xf32, #tpu.memory_space<vmem>>
        tpu.vector_store_idx %scatter3A_444[%add3A_125], %get3A_442 {add = true} : memref<74256xf32, #tpu.memory_space<vmem>>[vector<16xi32>], vector<16xf32>,
        %mul3A_445 = arith.constant 1152 : i32
        %mul3A_446 = arith.muli %scan3A_118, %mul3A_445 : i32
        %add3A_447 = arith.constant 640 : i32
        %add3A_448 = arith.addi %mul3A_446, %add3A_447 : i32
        %get3A_449 = arith.index_cast %add3A_448 : i32 to index
        %get3A_450 = tpu.vector_load %arg8[%get3A_449] {strides = array<i32>} : memref<18432xf32, #tpu.memory_space<vmem>>, vector<16xf32>,
        %scatter3A_451 = arith.constant 640 : i32
        %scatter3A_452 = tpu.memref_slice %arg10[%scatter3A_451] : memref<74880xf32, #tpu.memory_space<vmem>> -> memref<74240xf32, #tpu.memory_space<vmem>>
        tpu.vector_store_idx %scatter3A_452[%add3A_125], %get3A_450 {add = true} : memref<74240xf32, #tpu.memory_space<vmem>>[vector<16xi32>], vector<16xf32>,
        %mul3A_453 = arith.constant 1152 : i32
        %mul3A_454 = arith.muli %scan3A_118, %mul3A_453 : i32
        %add3A_455 = arith.constant 656 : i32
        %add3A_456 = arith.addi %mul3A_454, %add3A_455 : i32
        %get3A_457 = arith.index_cast %add3A_456 : i32 to index
        %get3A_458 = tpu.vector_load %arg8[%get3A_457] {strides = array<i32>} : memref<18432xf32, #tpu.memory_space<vmem>>, vector<16xf32>,
        %scatter3A_459 = arith.constant 656 : i32
        %scatter3A_460 = tpu.memref_slice %arg10[%scatter3A_459] : memref<74880xf32, #tpu.memory_space<vmem>> -> memref<74224xf32, #tpu.memory_space<vmem>>
        tpu.vector_store_idx %scatter3A_460[%add3A_125], %get3A_458 {add = true} : memref<74224xf32, #tpu.memory_space<vmem>>[vector<16xi32>], vector<16xf32>,
        %mul3A_461 = arith.constant 1152 : i32
        %mul3A_462 = arith.muli %scan3A_118, %mul3A_461 : i32
        %add3A_463 = arith.constant 672 : i32
        %add3A_464 = arith.addi %mul3A_462, %add3A_463 : i32
        %get3A_465 = arith.index_cast %add3A_464 : i32 to index
        %get3A_466 = tpu.vector_load %arg8[%get3A_465] {strides = array<i32>} : memref<18432xf32, #tpu.memory_space<vmem>>, vector<16xf32>,
        %scatter3A_467 = arith.constant 672 : i32
        %scatter3A_468 = tpu.memref_slice %arg10[%scatter3A_467] : memref<74880xf32, #tpu.memory_space<vmem>> -> memref<74208xf32, #tpu.memory_space<vmem>>
        tpu.vector_store_idx %scatter3A_468[%add3A_125], %get3A_466 {add = true} : memref<74208xf32, #tpu.memory_space<vmem>>[vector<16xi32>], vector<16xf32>,
        %mul3A_469 = arith.constant 1152 : i32
        %mul3A_470 = arith.muli %scan3A_118, %mul3A_469 : i32
        %add3A_471 = arith.constant 688 : i32
        %add3A_472 = arith.addi %mul3A_470, %add3A_471 : i32
        %get3A_473 = arith.index_cast %add3A_472 : i32 to index
        %get3A_474 = tpu.vector_load %arg8[%get3A_473] {strides = array<i32>} : memref<18432xf32, #tpu.memory_space<vmem>>, vector<16xf32>,
        %scatter3A_475 = arith.constant 688 : i32
        %scatter3A_476 = tpu.memref_slice %arg10[%scatter3A_475] : memref<74880xf32, #tpu.memory_space<vmem>> -> memref<74192xf32, #tpu.memory_space<vmem>>
        tpu.vector_store_idx %scatter3A_476[%add3A_125], %get3A_474 {add = true} : memref<74192xf32, #tpu.memory_space<vmem>>[vector<16xi32>], vector<16xf32>,
        %mul3A_477 = arith.constant 1152 : i32
        %mul3A_478 = arith.muli %scan3A_118, %mul3A_477 : i32
        %add3A_479 = arith.constant 704 : i32
        %add3A_480 = arith.addi %mul3A_478, %add3A_479 : i32
        %get3A_481 = arith.index_cast %add3A_480 : i32 to index
        %get3A_482 = tpu.vector_load %arg8[%get3A_481] {strides = array<i32>} : memref<18432xf32, #tpu.memory_space<vmem>>, vector<16xf32>,
        %scatter3A_483 = arith.constant 704 : i32
        %scatter3A_484 = tpu.memref_slice %arg10[%scatter3A_483] : memref<74880xf32, #tpu.memory_space<vmem>> -> memref<74176xf32, #tpu.memory_space<vmem>>
        tpu.vector_store_idx %scatter3A_484[%add3A_125], %get3A_482 {add = true} : memref<74176xf32, #tpu.memory_space<vmem>>[vector<16xi32>], vector<16xf32>,
        %mul3A_485 = arith.constant 1152 : i32
        %mul3A_486 = arith.muli %scan3A_118, %mul3A_485 : i32
        %add3A_487 = arith.constant 720 : i32
        %add3A_488 = arith.addi %mul3A_486, %add3A_487 : i32
        %get3A_489 = arith.index_cast %add3A_488 : i32 to index
        %get3A_490 = tpu.vector_load %arg8[%get3A_489] {strides = array<i32>} : memref<18432xf32, #tpu.memory_space<vmem>>, vector<16xf32>,
        %scatter3A_491 = arith.constant 720 : i32
        %scatter3A_492 = tpu.memref_slice %arg10[%scatter3A_491] : memref<74880xf32, #tpu.memory_space<vmem>> -> memref<74160xf32, #tpu.memory_space<vmem>>
        tpu.vector_store_idx %scatter3A_492[%add3A_125], %get3A_490 {add = true} : memref<74160xf32, #tpu.memory_space<vmem>>[vector<16xi32>], vector<16xf32>,
        %mul3A_493 = arith.constant 1152 : i32
        %mul3A_494 = arith.muli %scan3A_118, %mul3A_493 : i32
        %add3A_495 = arith.constant 736 : i32
        %add3A_496 = arith.addi %mul3A_494, %add3A_495 : i32
        %get3A_497 = arith.index_cast %add3A_496 : i32 to index
        %get3A_498 = tpu.vector_load %arg8[%get3A_497] {strides = array<i32>} : memref<18432xf32, #tpu.memory_space<vmem>>, vector<16xf32>,
        %scatter3A_499 = arith.constant 736 : i32
        %scatter3A_500 = tpu.memref_slice %arg10[%scatter3A_499] : memref<74880xf32, #tpu.memory_space<vmem>> -> memref<74144xf32, #tpu.memory_space<vmem>>
        tpu.vector_store_idx %scatter3A_500[%add3A_125], %get3A_498 {add = true} : memref<74144xf32, #tpu.memory_space<vmem>>[vector<16xi32>], vector<16xf32>,
        %mul3A_501 = arith.constant 1152 : i32
        %mul3A_502 = arith.muli %scan3A_118, %mul3A_501 : i32
        %add3A_503 = arith.constant 752 : i32
        %add3A_504 = arith.addi %mul3A_502, %add3A_503 : i32
        %get3A_505 = arith.index_cast %add3A_504 : i32 to index
        %get3A_506 = tpu.vector_load %arg8[%get3A_505] {strides = array<i32>} : memref<18432xf32, #tpu.memory_space<vmem>>, vector<16xf32>,
        %scatter3A_507 = arith.constant 752 : i32
        %scatter3A_508 = tpu.memref_slice %arg10[%scatter3A_507] : memref<74880xf32, #tpu.memory_space<vmem>> -> memref<74128xf32, #tpu.memory_space<vmem>>
        tpu.vector_store_idx %scatter3A_508[%add3A_125], %get3A_506 {add = true} : memref<74128xf32, #tpu.memory_space<vmem>>[vector<16xi32>], vector<16xf32>,
        %mul3A_509 = arith.constant 1152 : i32
        %mul3A_510 = arith.muli %scan3A_118, %mul3A_509 : i32
        %add3A_511 = arith.constant 768 : i32
        %add3A_512 = arith.addi %mul3A_510, %add3A_511 : i32
        %get3A_513 = arith.index_cast %add3A_512 : i32 to index
        %get3A_514 = tpu.vector_load %arg8[%get3A_513] {strides = array<i32>} : memref<18432xf32, #tpu.memory_space<vmem>>, vector<16xf32>,
        %scatter3A_515 = arith.constant 768 : i32
        %scatter3A_516 = tpu.memref_slice %arg10[%scatter3A_515] : memref<74880xf32, #tpu.memory_space<vmem>> -> memref<74112xf32, #tpu.memory_space<vmem>>
        tpu.vector_store_idx %scatter3A_516[%add3A_125], %get3A_514 {add = true} : memref<74112xf32, #tpu.memory_space<vmem>>[vector<16xi32>], vector<16xf32>,
        %mul3A_517 = arith.constant 1152 : i32
        %mul3A_518 = arith.muli %scan3A_118, %mul3A_517 : i32
        %add3A_519 = arith.constant 784 : i32
        %add3A_520 = arith.addi %mul3A_518, %add3A_519 : i32
        %get3A_521 = arith.index_cast %add3A_520 : i32 to index
        %get3A_522 = tpu.vector_load %arg8[%get3A_521] {strides = array<i32>} : memref<18432xf32, #tpu.memory_space<vmem>>, vector<16xf32>,
        %scatter3A_523 = arith.constant 784 : i32
        %scatter3A_524 = tpu.memref_slice %arg10[%scatter3A_523] : memref<74880xf32, #tpu.memory_space<vmem>> -> memref<74096xf32, #tpu.memory_space<vmem>>
        tpu.vector_store_idx %scatter3A_524[%add3A_125], %get3A_522 {add = true} : memref<74096xf32, #tpu.memory_space<vmem>>[vector<16xi32>], vector<16xf32>,
        %mul3A_525 = arith.constant 1152 : i32
        %mul3A_526 = arith.muli %scan3A_118, %mul3A_525 : i32
        %add3A_527 = arith.constant 800 : i32
        %add3A_528 = arith.addi %mul3A_526, %add3A_527 : i32
        %get3A_529 = arith.index_cast %add3A_528 : i32 to index
        %get3A_530 = tpu.vector_load %arg8[%get3A_529] {strides = array<i32>} : memref<18432xf32, #tpu.memory_space<vmem>>, vector<16xf32>,
        %scatter3A_531 = arith.constant 800 : i32
        %scatter3A_532 = tpu.memref_slice %arg10[%scatter3A_531] : memref<74880xf32, #tpu.memory_space<vmem>> -> memref<74080xf32, #tpu.memory_space<vmem>>
        tpu.vector_store_idx %scatter3A_532[%add3A_125], %get3A_530 {add = true} : memref<74080xf32, #tpu.memory_space<vmem>>[vector<16xi32>], vector<16xf32>,
        %mul3A_533 = arith.constant 1152 : i32
        %mul3A_534 = arith.muli %scan3A_118, %mul3A_533 : i32
        %add3A_535 = arith.constant 816 : i32
        %add3A_536 = arith.addi %mul3A_534, %add3A_535 : i32
        %get3A_537 = arith.index_cast %add3A_536 : i32 to index
        %get3A_538 = tpu.vector_load %arg8[%get3A_537] {strides = array<i32>} : memref<18432xf32, #tpu.memory_space<vmem>>, vector<16xf32>,
        %scatter3A_539 = arith.constant 816 : i32
        %scatter3A_540 = tpu.memref_slice %arg10[%scatter3A_539] : memref<74880xf32, #tpu.memory_space<vmem>> -> memref<74064xf32, #tpu.memory_space<vmem>>
        tpu.vector_store_idx %scatter3A_540[%add3A_125], %get3A_538 {add = true} : memref<74064xf32, #tpu.memory_space<vmem>>[vector<16xi32>], vector<16xf32>,
        %mul3A_541 = arith.constant 1152 : i32
        %mul3A_542 = arith.muli %scan3A_118, %mul3A_541 : i32
        %add3A_543 = arith.constant 832 : i32
        %add3A_544 = arith.addi %mul3A_542, %add3A_543 : i32
        %get3A_545 = arith.index_cast %add3A_544 : i32 to index
        %get3A_546 = tpu.vector_load %arg8[%get3A_545] {strides = array<i32>} : memref<18432xf32, #tpu.memory_space<vmem>>, vector<16xf32>,
        %scatter3A_547 = arith.constant 832 : i32
        %scatter3A_548 = tpu.memref_slice %arg10[%scatter3A_547] : memref<74880xf32, #tpu.memory_space<vmem>> -> memref<74048xf32, #tpu.memory_space<vmem>>
        tpu.vector_store_idx %scatter3A_548[%add3A_125], %get3A_546 {add = true} : memref<74048xf32, #tpu.memory_space<vmem>>[vector<16xi32>], vector<16xf32>,
        %mul3A_549 = arith.constant 1152 : i32
        %mul3A_550 = arith.muli %scan3A_118, %mul3A_549 : i32
        %add3A_551 = arith.constant 848 : i32
        %add3A_552 = arith.addi %mul3A_550, %add3A_551 : i32
        %get3A_553 = arith.index_cast %add3A_552 : i32 to index
        %get3A_554 = tpu.vector_load %arg8[%get3A_553] {strides = array<i32>} : memref<18432xf32, #tpu.memory_space<vmem>>, vector<16xf32>,
        %scatter3A_555 = arith.constant 848 : i32
        %scatter3A_556 = tpu.memref_slice %arg10[%scatter3A_555] : memref<74880xf32, #tpu.memory_space<vmem>> -> memref<74032xf32, #tpu.memory_space<vmem>>
        tpu.vector_store_idx %scatter3A_556[%add3A_125], %get3A_554 {add = true} : memref<74032xf32, #tpu.memory_space<vmem>>[vector<16xi32>], vector<16xf32>,
        %mul3A_557 = arith.constant 1152 : i32
        %mul3A_558 = arith.muli %scan3A_118, %mul3A_557 : i32
        %add3A_559 = arith.constant 864 : i32
        %add3A_560 = arith.addi %mul3A_558, %add3A_559 : i32
        %get3A_561 = arith.index_cast %add3A_560 : i32 to index
        %get3A_562 = tpu.vector_load %arg8[%get3A_561] {strides = array<i32>} : memref<18432xf32, #tpu.memory_space<vmem>>, vector<16xf32>,
        %scatter3A_563 = arith.constant 864 : i32
        %scatter3A_564 = tpu.memref_slice %arg10[%scatter3A_563] : memref<74880xf32, #tpu.memory_space<vmem>> -> memref<74016xf32, #tpu.memory_space<vmem>>
        tpu.vector_store_idx %scatter3A_564[%add3A_125], %get3A_562 {add = true} : memref<74016xf32, #tpu.memory_space<vmem>>[vector<16xi32>], vector<16xf32>,
        %mul3A_565 = arith.constant 1152 : i32
        %mul3A_566 = arith.muli %scan3A_118, %mul3A_565 : i32
        %add3A_567 = arith.constant 880 : i32
        %add3A_568 = arith.addi %mul3A_566, %add3A_567 : i32
        %get3A_569 = arith.index_cast %add3A_568 : i32 to index
        %get3A_570 = tpu.vector_load %arg8[%get3A_569] {strides = array<i32>} : memref<18432xf32, #tpu.memory_space<vmem>>, vector<16xf32>,
        %scatter3A_571 = arith.constant 880 : i32
        %scatter3A_572 = tpu.memref_slice %arg10[%scatter3A_571] : memref<74880xf32, #tpu.memory_space<vmem>> -> memref<74000xf32, #tpu.memory_space<vmem>>
        tpu.vector_store_idx %scatter3A_572[%add3A_125], %get3A_570 {add = true} : memref<74000xf32, #tpu.memory_space<vmem>>[vector<16xi32>], vector<16xf32>,
        %mul3A_573 = arith.constant 1152 : i32
        %mul3A_574 = arith.muli %scan3A_118, %mul3A_573 : i32
        %add3A_575 = arith.constant 896 : i32
        %add3A_576 = arith.addi %mul3A_574, %add3A_575 : i32
        %get3A_577 = arith.index_cast %add3A_576 : i32 to index
        %get3A_578 = tpu.vector_load %arg8[%get3A_577] {strides = array<i32>} : memref<18432xf32, #tpu.memory_space<vmem>>, vector<16xf32>,
        %scatter3A_579 = arith.constant 896 : i32
        %scatter3A_580 = tpu.memref_slice %arg10[%scatter3A_579] : memref<74880xf32, #tpu.memory_space<vmem>> -> memref<73984xf32, #tpu.memory_space<vmem>>
        tpu.vector_store_idx %scatter3A_580[%add3A_125], %get3A_578 {add = true} : memref<73984xf32, #tpu.memory_space<vmem>>[vector<16xi32>], vector<16xf32>,
        %mul3A_581 = arith.constant 1152 : i32
        %mul3A_582 = arith.muli %scan3A_118, %mul3A_581 : i32
        %add3A_583 = arith.constant 912 : i32
        %add3A_584 = arith.addi %mul3A_582, %add3A_583 : i32
        %get3A_585 = arith.index_cast %add3A_584 : i32 to index
        %get3A_586 = tpu.vector_load %arg8[%get3A_585] {strides = array<i32>} : memref<18432xf32, #tpu.memory_space<vmem>>, vector<16xf32>,
        %scatter3A_587 = arith.constant 912 : i32
        %scatter3A_588 = tpu.memref_slice %arg10[%scatter3A_587] : memref<74880xf32, #tpu.memory_space<vmem>> -> memref<73968xf32, #tpu.memory_space<vmem>>
        tpu.vector_store_idx %scatter3A_588[%add3A_125], %get3A_586 {add = true} : memref<73968xf32, #tpu.memory_space<vmem>>[vector<16xi32>], vector<16xf32>,
        %mul3A_589 = arith.constant 1152 : i32
        %mul3A_590 = arith.muli %scan3A_118, %mul3A_589 : i32
        %add3A_591 = arith.constant 928 : i32
        %add3A_592 = arith.addi %mul3A_590, %add3A_591 : i32
        %get3A_593 = arith.index_cast %add3A_592 : i32 to index
        %get3A_594 = tpu.vector_load %arg8[%get3A_593] {strides = array<i32>} : memref<18432xf32, #tpu.memory_space<vmem>>, vector<16xf32>,
        %scatter3A_595 = arith.constant 928 : i32
        %scatter3A_596 = tpu.memref_slice %arg10[%scatter3A_595] : memref<74880xf32, #tpu.memory_space<vmem>> -> memref<73952xf32, #tpu.memory_space<vmem>>
        tpu.vector_store_idx %scatter3A_596[%add3A_125], %get3A_594 {add = true} : memref<73952xf32, #tpu.memory_space<vmem>>[vector<16xi32>], vector<16xf32>,
        %mul3A_597 = arith.constant 1152 : i32
        %mul3A_598 = arith.muli %scan3A_118, %mul3A_597 : i32
        %add3A_599 = arith.constant 944 : i32
        %add3A_600 = arith.addi %mul3A_598, %add3A_599 : i32
        %get3A_601 = arith.index_cast %add3A_600 : i32 to index
        %get3A_602 = tpu.vector_load %arg8[%get3A_601] {strides = array<i32>} : memref<18432xf32, #tpu.memory_space<vmem>>, vector<16xf32>,
        %scatter3A_603 = arith.constant 944 : i32
        %scatter3A_604 = tpu.memref_slice %arg10[%scatter3A_603] : memref<74880xf32, #tpu.memory_space<vmem>> -> memref<73936xf32, #tpu.memory_space<vmem>>
        tpu.vector_store_idx %scatter3A_604[%add3A_125], %get3A_602 {add = true} : memref<73936xf32, #tpu.memory_space<vmem>>[vector<16xi32>], vector<16xf32>,
        %mul3A_605 = arith.constant 1152 : i32
        %mul3A_606 = arith.muli %scan3A_118, %mul3A_605 : i32
        %add3A_607 = arith.constant 960 : i32
        %add3A_608 = arith.addi %mul3A_606, %add3A_607 : i32
        %get3A_609 = arith.index_cast %add3A_608 : i32 to index
        %get3A_610 = tpu.vector_load %arg8[%get3A_609] {strides = array<i32>} : memref<18432xf32, #tpu.memory_space<vmem>>, vector<16xf32>,
        %scatter3A_611 = arith.constant 960 : i32
        %scatter3A_612 = tpu.memref_slice %arg10[%scatter3A_611] : memref<74880xf32, #tpu.memory_space<vmem>> -> memref<73920xf32, #tpu.memory_space<vmem>>
        tpu.vector_store_idx %scatter3A_612[%add3A_125], %get3A_610 {add = true} : memref<73920xf32, #tpu.memory_space<vmem>>[vector<16xi32>], vector<16xf32>,
        %mul3A_613 = arith.constant 1152 : i32
        %mul3A_614 = arith.muli %scan3A_118, %mul3A_613 : i32
        %add3A_615 = arith.constant 976 : i32
        %add3A_616 = arith.addi %mul3A_614, %add3A_615 : i32
        %get3A_617 = arith.index_cast %add3A_616 : i32 to index
        %get3A_618 = tpu.vector_load %arg8[%get3A_617] {strides = array<i32>} : memref<18432xf32, #tpu.memory_space<vmem>>, vector<16xf32>,
        %scatter3A_619 = arith.constant 976 : i32
        %scatter3A_620 = tpu.memref_slice %arg10[%scatter3A_619] : memref<74880xf32, #tpu.memory_space<vmem>> -> memref<73904xf32, #tpu.memory_space<vmem>>
        tpu.vector_store_idx %scatter3A_620[%add3A_125], %get3A_618 {add = true} : memref<73904xf32, #tpu.memory_space<vmem>>[vector<16xi32>], vector<16xf32>,
        %mul3A_621 = arith.constant 1152 : i32
        %mul3A_622 = arith.muli %scan3A_118, %mul3A_621 : i32
        %add3A_623 = arith.constant 992 : i32
        %add3A_624 = arith.addi %mul3A_622, %add3A_623 : i32
        %get3A_625 = arith.index_cast %add3A_624 : i32 to index
        %get3A_626 = tpu.vector_load %arg8[%get3A_625] {strides = array<i32>} : memref<18432xf32, #tpu.memory_space<vmem>>, vector<16xf32>,
        %scatter3A_627 = arith.constant 992 : i32
        %scatter3A_628 = tpu.memref_slice %arg10[%scatter3A_627] : memref<74880xf32, #tpu.memory_space<vmem>> -> memref<73888xf32, #tpu.memory_space<vmem>>
        tpu.vector_store_idx %scatter3A_628[%add3A_125], %get3A_626 {add = true} : memref<73888xf32, #tpu.memory_space<vmem>>[vector<16xi32>], vector<16xf32>,
        %mul3A_629 = arith.constant 1152 : i32
        %mul3A_630 = arith.muli %scan3A_118, %mul3A_629 : i32
        %add3A_631 = arith.constant 1008 : i32
        %add3A_632 = arith.addi %mul3A_630, %add3A_631 : i32
        %get3A_633 = arith.index_cast %add3A_632 : i32 to index
        %get3A_634 = tpu.vector_load %arg8[%get3A_633] {strides = array<i32>} : memref<18432xf32, #tpu.memory_space<vmem>>, vector<16xf32>,
        %scatter3A_635 = arith.constant 1008 : i32
        %scatter3A_636 = tpu.memref_slice %arg10[%scatter3A_635] : memref<74880xf32, #tpu.memory_space<vmem>> -> memref<73872xf32, #tpu.memory_space<vmem>>
        tpu.vector_store_idx %scatter3A_636[%add3A_125], %get3A_634 {add = true} : memref<73872xf32, #tpu.memory_space<vmem>>[vector<16xi32>], vector<16xf32>,
        %mul3A_637 = arith.constant 1152 : i32
        %mul3A_638 = arith.muli %scan3A_118, %mul3A_637 : i32
        %add3A_639 = arith.constant 1024 : i32
        %add3A_640 = arith.addi %mul3A_638, %add3A_639 : i32
        %get3A_641 = arith.index_cast %add3A_640 : i32 to index
        %get3A_642 = tpu.vector_load %arg8[%get3A_641] {strides = array<i32>} : memref<18432xf32, #tpu.memory_space<vmem>>, vector<16xf32>,
        %scatter3A_643 = arith.constant 1024 : i32
        %scatter3A_644 = tpu.memref_slice %arg10[%scatter3A_643] : memref<74880xf32, #tpu.memory_space<vmem>> -> memref<73856xf32, #tpu.memory_space<vmem>>
        tpu.vector_store_idx %scatter3A_644[%add3A_125], %get3A_642 {add = true} : memref<73856xf32, #tpu.memory_space<vmem>>[vector<16xi32>], vector<16xf32>,
        %mul3A_645 = arith.constant 1152 : i32
        %mul3A_646 = arith.muli %scan3A_118, %mul3A_645 : i32
        %add3A_647 = arith.constant 1040 : i32
        %add3A_648 = arith.addi %mul3A_646, %add3A_647 : i32
        %get3A_649 = arith.index_cast %add3A_648 : i32 to index
        %get3A_650 = tpu.vector_load %arg8[%get3A_649] {strides = array<i32>} : memref<18432xf32, #tpu.memory_space<vmem>>, vector<16xf32>,
        %scatter3A_651 = arith.constant 1040 : i32
        %scatter3A_652 = tpu.memref_slice %arg10[%scatter3A_651] : memref<74880xf32, #tpu.memory_space<vmem>> -> memref<73840xf32, #tpu.memory_space<vmem>>
        tpu.vector_store_idx %scatter3A_652[%add3A_125], %get3A_650 {add = true} : memref<73840xf32, #tpu.memory_space<vmem>>[vector<16xi32>], vector<16xf32>,
        %mul3A_653 = arith.constant 1152 : i32
        %mul3A_654 = arith.muli %scan3A_118, %mul3A_653 : i32
        %add3A_655 = arith.constant 1056 : i32
        %add3A_656 = arith.addi %mul3A_654, %add3A_655 : i32
        %get3A_657 = arith.index_cast %add3A_656 : i32 to index
        %get3A_658 = tpu.vector_load %arg8[%get3A_657] {strides = array<i32>} : memref<18432xf32, #tpu.memory_space<vmem>>, vector<16xf32>,
        %scatter3A_659 = arith.constant 1056 : i32
        %scatter3A_660 = tpu.memref_slice %arg10[%scatter3A_659] : memref<74880xf32, #tpu.memory_space<vmem>> -> memref<73824xf32, #tpu.memory_space<vmem>>
        tpu.vector_store_idx %scatter3A_660[%add3A_125], %get3A_658 {add = true} : memref<73824xf32, #tpu.memory_space<vmem>>[vector<16xi32>], vector<16xf32>,
        %mul3A_661 = arith.constant 1152 : i32
        %mul3A_662 = arith.muli %scan3A_118, %mul3A_661 : i32
        %add3A_663 = arith.constant 1072 : i32
        %add3A_664 = arith.addi %mul3A_662, %add3A_663 : i32
        %get3A_665 = arith.index_cast %add3A_664 : i32 to index
        %get3A_666 = tpu.vector_load %arg8[%get3A_665] {strides = array<i32>} : memref<18432xf32, #tpu.memory_space<vmem>>, vector<16xf32>,
        %scatter3A_667 = arith.constant 1072 : i32
        %scatter3A_668 = tpu.memref_slice %arg10[%scatter3A_667] : memref<74880xf32, #tpu.memory_space<vmem>> -> memref<73808xf32, #tpu.memory_space<vmem>>
        tpu.vector_store_idx %scatter3A_668[%add3A_125], %get3A_666 {add = true} : memref<73808xf32, #tpu.memory_space<vmem>>[vector<16xi32>], vector<16xf32>,
        %mul3A_669 = arith.constant 1152 : i32
        %mul3A_670 = arith.muli %scan3A_118, %mul3A_669 : i32
        %add3A_671 = arith.constant 1088 : i32
        %add3A_672 = arith.addi %mul3A_670, %add3A_671 : i32
        %get3A_673 = arith.index_cast %add3A_672 : i32 to index
        %get3A_674 = tpu.vector_load %arg8[%get3A_673] {strides = array<i32>} : memref<18432xf32, #tpu.memory_space<vmem>>, vector<16xf32>,
        %scatter3A_675 = arith.constant 1088 : i32
        %scatter3A_676 = tpu.memref_slice %arg10[%scatter3A_675] : memref<74880xf32, #tpu.memory_space<vmem>> -> memref<73792xf32, #tpu.memory_space<vmem>>
        tpu.vector_store_idx %scatter3A_676[%add3A_125], %get3A_674 {add = true} : memref<73792xf32, #tpu.memory_space<vmem>>[vector<16xi32>], vector<16xf32>,
        %mul3A_677 = arith.constant 1152 : i32
        %mul3A_678 = arith.muli %scan3A_118, %mul3A_677 : i32
        %add3A_679 = arith.constant 1104 : i32
        %add3A_680 = arith.addi %mul3A_678, %add3A_679 : i32
        %get3A_681 = arith.index_cast %add3A_680 : i32 to index
        %get3A_682 = tpu.vector_load %arg8[%get3A_681] {strides = array<i32>} : memref<18432xf32, #tpu.memory_space<vmem>>, vector<16xf32>,
        %scatter3A_683 = arith.constant 1104 : i32
        %scatter3A_684 = tpu.memref_slice %arg10[%scatter3A_683] : memref<74880xf32, #tpu.memory_space<vmem>> -> memref<73776xf32, #tpu.memory_space<vmem>>
        tpu.vector_store_idx %scatter3A_684[%add3A_125], %get3A_682 {add = true} : memref<73776xf32, #tpu.memory_space<vmem>>[vector<16xi32>], vector<16xf32>,
        %mul3A_685 = arith.constant 1152 : i32
        %mul3A_686 = arith.muli %scan3A_118, %mul3A_685 : i32
        %add3A_687 = arith.constant 1120 : i32
        %add3A_688 = arith.addi %mul3A_686, %add3A_687 : i32
        %get3A_689 = arith.index_cast %add3A_688 : i32 to index
        %get3A_690 = tpu.vector_load %arg8[%get3A_689] {strides = array<i32>} : memref<18432xf32, #tpu.memory_space<vmem>>, vector<16xf32>,
        %scatter3A_691 = arith.constant 1120 : i32
        %scatter3A_692 = tpu.memref_slice %arg10[%scatter3A_691] : memref<74880xf32, #tpu.memory_space<vmem>> -> memref<73760xf32, #tpu.memory_space<vmem>>
        tpu.vector_store_idx %scatter3A_692[%add3A_125], %get3A_690 {add = true} : memref<73760xf32, #tpu.memory_space<vmem>>[vector<16xi32>], vector<16xf32>,
        %mul3A_693 = arith.constant 1152 : i32
        %mul3A_694 = arith.muli %scan3A_118, %mul3A_693 : i32
        %add3A_695 = arith.constant 1136 : i32
        %add3A_696 = arith.addi %mul3A_694, %add3A_695 : i32
        %get3A_697 = arith.index_cast %add3A_696 : i32 to index
        %get3A_698 = tpu.vector_load %arg8[%get3A_697] {strides = array<i32>} : memref<18432xf32, #tpu.memory_space<vmem>>, vector<16xf32>,
        %scatter3A_699 = arith.constant 1136 : i32
        %scatter3A_700 = tpu.memref_slice %arg10[%scatter3A_699] : memref<74880xf32, #tpu.memory_space<vmem>> -> memref<73744xf32, #tpu.memory_space<vmem>>
        tpu.vector_store_idx %scatter3A_700[%add3A_125], %get3A_698 {add = true} : memref<73744xf32, #tpu.memory_space<vmem>>[vector<16xi32>], vector<16xf32>,
      }
      %scan3A_64 = arith.constant 16 : i32
      %add3A_65 = arith.constant 2 : i32
      %add3A_66 = arith.addi %add3A_50, %add3A_65 : i32
      %min3A = arith.constant 19 : i32
      %min3A_67 = arith.minsi %add3A_66, %min3A : i32
      %mul3A_68 = arith.constant 16 : i32
      %mul3A_69 = arith.muli %min3A_67, %mul3A_68 : i32
      %add3A_70 = arith.addi %mul3A_2, %mul3A_69 : i32
      %mul3A_71 = arith.constant 16 : i32
      %mul3A_72 = arith.muli %add3A_70, %mul3A_71 : i32
      %dma_start3A_73 = tpu.memref_slice %arg3[%mul3A_72] : memref<163840xi32, #tpu.memory_space<hbm>> -> memref<256xi32, #tpu.memory_space<hbm>>
      %dma_start3A_74 = tpu.memref_slice %arg3[%mul3A_72] : memref<163840xi32, #tpu.memory_space<hbm>> -> memref<256xi32, #tpu.memory_space<hbm>>
      tpu.enqueue_dma source(%dma_start3A_74 : memref<256xi32, #tpu.memory_space<hbm>>) target(%arg6 : memref<256xi32, #tpu.memory_space<vmem>>) target_semaphore(%arg11 : memref<!tpu.dma_semaphore, #tpu.memory_space<semaphore_mem>>)
      %mul3A_75 = arith.constant 16 : i32
      %mul3A_76 = arith.muli %min3A_67, %mul3A_75 : i32
      %add3A_77 = arith.addi %mul3A_2, %mul3A_76 : i32
      %mul3A_78 = arith.constant 1152 : i32
      %mul3A_79 = arith.muli %add3A_77, %mul3A_78 : i32
      %dma_start3A_80 = tpu.memref_slice %arg2[%mul3A_79] : memref<11796480xf32, #tpu.memory_space<hbm>> -> memref<18432xf32, #tpu.memory_space<hbm>>
      %dma_start3A_81 = tpu.memref_slice %arg2[%mul3A_79] : memref<11796480xf32, #tpu.memory_space<hbm>> -> memref<18432xf32, #tpu.memory_space<hbm>>
      tpu.enqueue_dma source(%dma_start3A_81 : memref<18432xf32, #tpu.memory_space<hbm>>) target(%arg8 : memref<18432xf32, #tpu.memory_space<vmem>>) target_semaphore(%arg11 : memref<!tpu.dma_semaphore, #tpu.memory_space<semaphore_mem>>)
      %mul3A_82 = arith.constant 2 : i32
      %mul3A_83 = arith.muli %mul3A_82, %scan3A_46 : i32
      %add3A_84 = arith.constant 1 : i32
      %add3A_85 = arith.addi %mul3A_83, %add3A_84 : i32
      %dma_wait3A_86 = arith.constant 0 : i32
      %dma_wait3A_87 = tpu.memref_slice %arg3[%dma_wait3A_86] : memref<163840xi32, #tpu.memory_space<hbm>> -> memref<256xi32, #tpu.memory_space<hbm>>
      %dma_wait3A_88 = arith.constant 0 : i32
      %dma_wait3A_89 = tpu.memref_slice %arg3[%dma_wait3A_88] : memref<163840xi32, #tpu.memory_space<hbm>> -> memref<256xi32, #tpu.memory_space<hbm>>
      tpu.wait_dma2 semaphore(%arg11 : memref<!tpu.dma_semaphore, #tpu.memory_space<semaphore_mem>>) src(%dma_wait3A_89 : memref<256xi32, #tpu.memory_space<hbm>>) dst(%arg7 : memref<256xi32, #tpu.memory_space<vmem>>)
      %dma_wait3A_90 = arith.constant 0 : i32
      %dma_wait3A_91 = tpu.memref_slice %arg2[%dma_wait3A_90] : memref<11796480xf32, #tpu.memory_space<hbm>> -> memref<18432xf32, #tpu.memory_space<hbm>>
      %dma_wait3A_92 = arith.constant 0 : i32
      %dma_wait3A_93 = tpu.memref_slice %arg2[%dma_wait3A_92] : memref<11796480xf32, #tpu.memory_space<hbm>> -> memref<18432xf32, #tpu.memory_space<hbm>>
      tpu.wait_dma2 semaphore(%arg11 : memref<!tpu.dma_semaphore, #tpu.memory_space<semaphore_mem>>) src(%dma_wait3A_93 : memref<18432xf32, #tpu.memory_space<hbm>>) dst(%arg9 : memref<18432xf32, #tpu.memory_space<vmem>>)
      %scan3A_94 = arith.constant 0 : i32
      %scan3A_95 = arith.constant 0 : i32
      %scan3A_96 = arith.constant 16 : i32
      %scan3A_97 = arith.addi %scan3A_95, %scan3A_96 : i32
      %scan3A_98 = arith.constant 1 : i32
      scf.for %scan3A_118 = %scan3A_95 to %scan3A_97 step %scan3A_98  : i32 {
        %mul3A_119 = arith.constant 16 : i32
        %mul3A_120 = arith.muli %scan3A_118, %mul3A_119 : i32
        %get3A = arith.index_cast %mul3A_120 : i32 to index
        %get3A_121 = tpu.vector_load %arg7[%get3A] {strides = array<i32>} : memref<256xi32, #tpu.memory_space<vmem>>, vector<16xi32>,
        %mul3A_122 = arith.constant 1152 : i32
        %mul3A_123 = vector.broadcast %mul3A_122 : i32 to vector<16xi32>
        %mul3A_124 = arith.muli %get3A_121, %mul3A_123 : vector<16xi32>
        %add3A_125 = arith.addi %mul3A_124, %iota3A : vector<16xi32>
        %mul3A_126 = arith.constant 1152 : i32
        %mul3A_127 = arith.muli %scan3A_118, %mul3A_126 : i32
        %add3A_128 = arith.constant 0 : i32
        %add3A_129 = arith.addi %mul3A_127, %add3A_128 : i32
        %get3A_130 = arith.index_cast %add3A_129 : i32 to index
        %get3A_131 = tpu.vector_load %arg9[%get3A_130] {strides = array<i32>} : memref<18432xf32, #tpu.memory_space<vmem>>, vector<16xf32>,
        %scatter3A = arith.constant 0 : i32
        %scatter3A_132 = tpu.memref_slice %arg10[%scatter3A] : memref<74880xf32, #tpu.memory_space<vmem>> -> memref<74880xf32, #tpu.memory_space<vmem>>
        tpu.vector_store_idx %scatter3A_132[%add3A_125], %get3A_131 {add = true} : memref<74880xf32, #tpu.memory_space<vmem>>[vector<16xi32>], vector<16xf32>,
        %mul3A_133 = arith.constant 1152 : i32
        %mul3A_134 = arith.muli %scan3A_118, %mul3A_133 : i32
        %add3A_135 = arith.constant 16 : i32
        %add3A_136 = arith.addi %mul3A_134, %add3A_135 : i32
        %get3A_137 = arith.index_cast %add3A_136 : i32 to index
        %get3A_138 = tpu.vector_load %arg9[%get3A_137] {strides = array<i32>} : memref<18432xf32, #tpu.memory_space<vmem>>, vector<16xf32>,
        %scatter3A_139 = arith.constant 16 : i32
        %scatter3A_140 = tpu.memref_slice %arg10[%scatter3A_139] : memref<74880xf32, #tpu.memory_space<vmem>> -> memref<74864xf32, #tpu.memory_space<vmem>>
        tpu.vector_store_idx %scatter3A_140[%add3A_125], %get3A_138 {add = true} : memref<74864xf32, #tpu.memory_space<vmem>>[vector<16xi32>], vector<16xf32>,
        %mul3A_141 = arith.constant 1152 : i32
        %mul3A_142 = arith.muli %scan3A_118, %mul3A_141 : i32
        %add3A_143 = arith.constant 32 : i32
        %add3A_144 = arith.addi %mul3A_142, %add3A_143 : i32
        %get3A_145 = arith.index_cast %add3A_144 : i32 to index
        %get3A_146 = tpu.vector_load %arg9[%get3A_145] {strides = array<i32>} : memref<18432xf32, #tpu.memory_space<vmem>>, vector<16xf32>,
        %scatter3A_147 = arith.constant 32 : i32
        %scatter3A_148 = tpu.memref_slice %arg10[%scatter3A_147] : memref<74880xf32, #tpu.memory_space<vmem>> -> memref<74848xf32, #tpu.memory_space<vmem>>
        tpu.vector_store_idx %scatter3A_148[%add3A_125], %get3A_146 {add = true} : memref<74848xf32, #tpu.memory_space<vmem>>[vector<16xi32>], vector<16xf32>,
        %mul3A_149 = arith.constant 1152 : i32
        %mul3A_150 = arith.muli %scan3A_118, %mul3A_149 : i32
        %add3A_151 = arith.constant 48 : i32
        %add3A_152 = arith.addi %mul3A_150, %add3A_151 : i32
        %get3A_153 = arith.index_cast %add3A_152 : i32 to index
        %get3A_154 = tpu.vector_load %arg9[%get3A_153] {strides = array<i32>} : memref<18432xf32, #tpu.memory_space<vmem>>, vector<16xf32>,
        %scatter3A_155 = arith.constant 48 : i32
        %scatter3A_156 = tpu.memref_slice %arg10[%scatter3A_155] : memref<74880xf32, #tpu.memory_space<vmem>> -> memref<74832xf32, #tpu.memory_space<vmem>>
        tpu.vector_store_idx %scatter3A_156[%add3A_125], %get3A_154 {add = true} : memref<74832xf32, #tpu.memory_space<vmem>>[vector<16xi32>], vector<16xf32>,
        %mul3A_157 = arith.constant 1152 : i32
        %mul3A_158 = arith.muli %scan3A_118, %mul3A_157 : i32
        %add3A_159 = arith.constant 64 : i32
        %add3A_160 = arith.addi %mul3A_158, %add3A_159 : i32
        %get3A_161 = arith.index_cast %add3A_160 : i32 to index
        %get3A_162 = tpu.vector_load %arg9[%get3A_161] {strides = array<i32>} : memref<18432xf32, #tpu.memory_space<vmem>>, vector<16xf32>,
        %scatter3A_163 = arith.constant 64 : i32
        %scatter3A_164 = tpu.memref_slice %arg10[%scatter3A_163] : memref<74880xf32, #tpu.memory_space<vmem>> -> memref<74816xf32, #tpu.memory_space<vmem>>
        tpu.vector_store_idx %scatter3A_164[%add3A_125], %get3A_162 {add = true} : memref<74816xf32, #tpu.memory_space<vmem>>[vector<16xi32>], vector<16xf32>,
        %mul3A_165 = arith.constant 1152 : i32
        %mul3A_166 = arith.muli %scan3A_118, %mul3A_165 : i32
        %add3A_167 = arith.constant 80 : i32
        %add3A_168 = arith.addi %mul3A_166, %add3A_167 : i32
        %get3A_169 = arith.index_cast %add3A_168 : i32 to index
        %get3A_170 = tpu.vector_load %arg9[%get3A_169] {strides = array<i32>} : memref<18432xf32, #tpu.memory_space<vmem>>, vector<16xf32>,
        %scatter3A_171 = arith.constant 80 : i32
        %scatter3A_172 = tpu.memref_slice %arg10[%scatter3A_171] : memref<74880xf32, #tpu.memory_space<vmem>> -> memref<74800xf32, #tpu.memory_space<vmem>>
        tpu.vector_store_idx %scatter3A_172[%add3A_125], %get3A_170 {add = true} : memref<74800xf32, #tpu.memory_space<vmem>>[vector<16xi32>], vector<16xf32>,
        %mul3A_173 = arith.constant 1152 : i32
        %mul3A_174 = arith.muli %scan3A_118, %mul3A_173 : i32
        %add3A_175 = arith.constant 96 : i32
        %add3A_176 = arith.addi %mul3A_174, %add3A_175 : i32
        %get3A_177 = arith.index_cast %add3A_176 : i32 to index
        %get3A_178 = tpu.vector_load %arg9[%get3A_177] {strides = array<i32>} : memref<18432xf32, #tpu.memory_space<vmem>>, vector<16xf32>,
        %scatter3A_179 = arith.constant 96 : i32
        %scatter3A_180 = tpu.memref_slice %arg10[%scatter3A_179] : memref<74880xf32, #tpu.memory_space<vmem>> -> memref<74784xf32, #tpu.memory_space<vmem>>
        tpu.vector_store_idx %scatter3A_180[%add3A_125], %get3A_178 {add = true} : memref<74784xf32, #tpu.memory_space<vmem>>[vector<16xi32>], vector<16xf32>,
        %mul3A_181 = arith.constant 1152 : i32
        %mul3A_182 = arith.muli %scan3A_118, %mul3A_181 : i32
        %add3A_183 = arith.constant 112 : i32
        %add3A_184 = arith.addi %mul3A_182, %add3A_183 : i32
        %get3A_185 = arith.index_cast %add3A_184 : i32 to index
        %get3A_186 = tpu.vector_load %arg9[%get3A_185] {strides = array<i32>} : memref<18432xf32, #tpu.memory_space<vmem>>, vector<16xf32>,
        %scatter3A_187 = arith.constant 112 : i32
        %scatter3A_188 = tpu.memref_slice %arg10[%scatter3A_187] : memref<74880xf32, #tpu.memory_space<vmem>> -> memref<74768xf32, #tpu.memory_space<vmem>>
        tpu.vector_store_idx %scatter3A_188[%add3A_125], %get3A_186 {add = true} : memref<74768xf32, #tpu.memory_space<vmem>>[vector<16xi32>], vector<16xf32>,
        %mul3A_189 = arith.constant 1152 : i32
        %mul3A_190 = arith.muli %scan3A_118, %mul3A_189 : i32
        %add3A_191 = arith.constant 128 : i32
        %add3A_192 = arith.addi %mul3A_190, %add3A_191 : i32
        %get3A_193 = arith.index_cast %add3A_192 : i32 to index
        %get3A_194 = tpu.vector_load %arg9[%get3A_193] {strides = array<i32>} : memref<18432xf32, #tpu.memory_space<vmem>>, vector<16xf32>,
        %scatter3A_195 = arith.constant 128 : i32
        %scatter3A_196 = tpu.memref_slice %arg10[%scatter3A_195] : memref<74880xf32, #tpu.memory_space<vmem>> -> memref<74752xf32, #tpu.memory_space<vmem>>
        tpu.vector_store_idx %scatter3A_196[%add3A_125], %get3A_194 {add = true} : memref<74752xf32, #tpu.memory_space<vmem>>[vector<16xi32>], vector<16xf32>,
        %mul3A_197 = arith.constant 1152 : i32
        %mul3A_198 = arith.muli %scan3A_118, %mul3A_197 : i32
        %add3A_199 = arith.constant 144 : i32
        %add3A_200 = arith.addi %mul3A_198, %add3A_199 : i32
        %get3A_201 = arith.index_cast %add3A_200 : i32 to index
        %get3A_202 = tpu.vector_load %arg9[%get3A_201] {strides = array<i32>} : memref<18432xf32, #tpu.memory_space<vmem>>, vector<16xf32>,
        %scatter3A_203 = arith.constant 144 : i32
        %scatter3A_204 = tpu.memref_slice %arg10[%scatter3A_203] : memref<74880xf32, #tpu.memory_space<vmem>> -> memref<74736xf32, #tpu.memory_space<vmem>>
        tpu.vector_store_idx %scatter3A_204[%add3A_125], %get3A_202 {add = true} : memref<74736xf32, #tpu.memory_space<vmem>>[vector<16xi32>], vector<16xf32>,
        %mul3A_205 = arith.constant 1152 : i32
        %mul3A_206 = arith.muli %scan3A_118, %mul3A_205 : i32
        %add3A_207 = arith.constant 160 : i32
        %add3A_208 = arith.addi %mul3A_206, %add3A_207 : i32
        %get3A_209 = arith.index_cast %add3A_208 : i32 to index
        %get3A_210 = tpu.vector_load %arg9[%get3A_209] {strides = array<i32>} : memref<18432xf32, #tpu.memory_space<vmem>>, vector<16xf32>,
        %scatter3A_211 = arith.constant 160 : i32
        %scatter3A_212 = tpu.memref_slice %arg10[%scatter3A_211] : memref<74880xf32, #tpu.memory_space<vmem>> -> memref<74720xf32, #tpu.memory_space<vmem>>
        tpu.vector_store_idx %scatter3A_212[%add3A_125], %get3A_210 {add = true} : memref<74720xf32, #tpu.memory_space<vmem>>[vector<16xi32>], vector<16xf32>,
        %mul3A_213 = arith.constant 1152 : i32
        %mul3A_214 = arith.muli %scan3A_118, %mul3A_213 : i32
        %add3A_215 = arith.constant 176 : i32
        %add3A_216 = arith.addi %mul3A_214, %add3A_215 : i32
        %get3A_217 = arith.index_cast %add3A_216 : i32 to index
        %get3A_218 = tpu.vector_load %arg9[%get3A_217] {strides = array<i32>} : memref<18432xf32, #tpu.memory_space<vmem>>, vector<16xf32>,
        %scatter3A_219 = arith.constant 176 : i32
        %scatter3A_220 = tpu.memref_slice %arg10[%scatter3A_219] : memref<74880xf32, #tpu.memory_space<vmem>> -> memref<74704xf32, #tpu.memory_space<vmem>>
        tpu.vector_store_idx %scatter3A_220[%add3A_125], %get3A_218 {add = true} : memref<74704xf32, #tpu.memory_space<vmem>>[vector<16xi32>], vector<16xf32>,
        %mul3A_221 = arith.constant 1152 : i32
        %mul3A_222 = arith.muli %scan3A_118, %mul3A_221 : i32
        %add3A_223 = arith.constant 192 : i32
        %add3A_224 = arith.addi %mul3A_222, %add3A_223 : i32
        %get3A_225 = arith.index_cast %add3A_224 : i32 to index
        %get3A_226 = tpu.vector_load %arg9[%get3A_225] {strides = array<i32>} : memref<18432xf32, #tpu.memory_space<vmem>>, vector<16xf32>,
        %scatter3A_227 = arith.constant 192 : i32
        %scatter3A_228 = tpu.memref_slice %arg10[%scatter3A_227] : memref<74880xf32, #tpu.memory_space<vmem>> -> memref<74688xf32, #tpu.memory_space<vmem>>
        tpu.vector_store_idx %scatter3A_228[%add3A_125], %get3A_226 {add = true} : memref<74688xf32, #tpu.memory_space<vmem>>[vector<16xi32>], vector<16xf32>,
        %mul3A_229 = arith.constant 1152 : i32
        %mul3A_230 = arith.muli %scan3A_118, %mul3A_229 : i32
        %add3A_231 = arith.constant 208 : i32
        %add3A_232 = arith.addi %mul3A_230, %add3A_231 : i32
        %get3A_233 = arith.index_cast %add3A_232 : i32 to index
        %get3A_234 = tpu.vector_load %arg9[%get3A_233] {strides = array<i32>} : memref<18432xf32, #tpu.memory_space<vmem>>, vector<16xf32>,
        %scatter3A_235 = arith.constant 208 : i32
        %scatter3A_236 = tpu.memref_slice %arg10[%scatter3A_235] : memref<74880xf32, #tpu.memory_space<vmem>> -> memref<74672xf32, #tpu.memory_space<vmem>>
        tpu.vector_store_idx %scatter3A_236[%add3A_125], %get3A_234 {add = true} : memref<74672xf32, #tpu.memory_space<vmem>>[vector<16xi32>], vector<16xf32>,
        %mul3A_237 = arith.constant 1152 : i32
        %mul3A_238 = arith.muli %scan3A_118, %mul3A_237 : i32
        %add3A_239 = arith.constant 224 : i32
        %add3A_240 = arith.addi %mul3A_238, %add3A_239 : i32
        %get3A_241 = arith.index_cast %add3A_240 : i32 to index
        %get3A_242 = tpu.vector_load %arg9[%get3A_241] {strides = array<i32>} : memref<18432xf32, #tpu.memory_space<vmem>>, vector<16xf32>,
        %scatter3A_243 = arith.constant 224 : i32
        %scatter3A_244 = tpu.memref_slice %arg10[%scatter3A_243] : memref<74880xf32, #tpu.memory_space<vmem>> -> memref<74656xf32, #tpu.memory_space<vmem>>
        tpu.vector_store_idx %scatter3A_244[%add3A_125], %get3A_242 {add = true} : memref<74656xf32, #tpu.memory_space<vmem>>[vector<16xi32>], vector<16xf32>,
        %mul3A_245 = arith.constant 1152 : i32
        %mul3A_246 = arith.muli %scan3A_118, %mul3A_245 : i32
        %add3A_247 = arith.constant 240 : i32
        %add3A_248 = arith.addi %mul3A_246, %add3A_247 : i32
        %get3A_249 = arith.index_cast %add3A_248 : i32 to index
        %get3A_250 = tpu.vector_load %arg9[%get3A_249] {strides = array<i32>} : memref<18432xf32, #tpu.memory_space<vmem>>, vector<16xf32>,
        %scatter3A_251 = arith.constant 240 : i32
        %scatter3A_252 = tpu.memref_slice %arg10[%scatter3A_251] : memref<74880xf32, #tpu.memory_space<vmem>> -> memref<74640xf32, #tpu.memory_space<vmem>>
        tpu.vector_store_idx %scatter3A_252[%add3A_125], %get3A_250 {add = true} : memref<74640xf32, #tpu.memory_space<vmem>>[vector<16xi32>], vector<16xf32>,
        %mul3A_253 = arith.constant 1152 : i32
        %mul3A_254 = arith.muli %scan3A_118, %mul3A_253 : i32
        %add3A_255 = arith.constant 256 : i32
        %add3A_256 = arith.addi %mul3A_254, %add3A_255 : i32
        %get3A_257 = arith.index_cast %add3A_256 : i32 to index
        %get3A_258 = tpu.vector_load %arg9[%get3A_257] {strides = array<i32>} : memref<18432xf32, #tpu.memory_space<vmem>>, vector<16xf32>,
        %scatter3A_259 = arith.constant 256 : i32
        %scatter3A_260 = tpu.memref_slice %arg10[%scatter3A_259] : memref<74880xf32, #tpu.memory_space<vmem>> -> memref<74624xf32, #tpu.memory_space<vmem>>
        tpu.vector_store_idx %scatter3A_260[%add3A_125], %get3A_258 {add = true} : memref<74624xf32, #tpu.memory_space<vmem>>[vector<16xi32>], vector<16xf32>,
        %mul3A_261 = arith.constant 1152 : i32
        %mul3A_262 = arith.muli %scan3A_118, %mul3A_261 : i32
        %add3A_263 = arith.constant 272 : i32
        %add3A_264 = arith.addi %mul3A_262, %add3A_263 : i32
        %get3A_265 = arith.index_cast %add3A_264 : i32 to index
        %get3A_266 = tpu.vector_load %arg9[%get3A_265] {strides = array<i32>} : memref<18432xf32, #tpu.memory_space<vmem>>, vector<16xf32>,
        %scatter3A_267 = arith.constant 272 : i32
        %scatter3A_268 = tpu.memref_slice %arg10[%scatter3A_267] : memref<74880xf32, #tpu.memory_space<vmem>> -> memref<74608xf32, #tpu.memory_space<vmem>>
        tpu.vector_store_idx %scatter3A_268[%add3A_125], %get3A_266 {add = true} : memref<74608xf32, #tpu.memory_space<vmem>>[vector<16xi32>], vector<16xf32>,
        %mul3A_269 = arith.constant 1152 : i32
        %mul3A_270 = arith.muli %scan3A_118, %mul3A_269 : i32
        %add3A_271 = arith.constant 288 : i32
        %add3A_272 = arith.addi %mul3A_270, %add3A_271 : i32
        %get3A_273 = arith.index_cast %add3A_272 : i32 to index
        %get3A_274 = tpu.vector_load %arg9[%get3A_273] {strides = array<i32>} : memref<18432xf32, #tpu.memory_space<vmem>>, vector<16xf32>,
        %scatter3A_275 = arith.constant 288 : i32
        %scatter3A_276 = tpu.memref_slice %arg10[%scatter3A_275] : memref<74880xf32, #tpu.memory_space<vmem>> -> memref<74592xf32, #tpu.memory_space<vmem>>
        tpu.vector_store_idx %scatter3A_276[%add3A_125], %get3A_274 {add = true} : memref<74592xf32, #tpu.memory_space<vmem>>[vector<16xi32>], vector<16xf32>,
        %mul3A_277 = arith.constant 1152 : i32
        %mul3A_278 = arith.muli %scan3A_118, %mul3A_277 : i32
        %add3A_279 = arith.constant 304 : i32
        %add3A_280 = arith.addi %mul3A_278, %add3A_279 : i32
        %get3A_281 = arith.index_cast %add3A_280 : i32 to index
        %get3A_282 = tpu.vector_load %arg9[%get3A_281] {strides = array<i32>} : memref<18432xf32, #tpu.memory_space<vmem>>, vector<16xf32>,
        %scatter3A_283 = arith.constant 304 : i32
        %scatter3A_284 = tpu.memref_slice %arg10[%scatter3A_283] : memref<74880xf32, #tpu.memory_space<vmem>> -> memref<74576xf32, #tpu.memory_space<vmem>>
        tpu.vector_store_idx %scatter3A_284[%add3A_125], %get3A_282 {add = true} : memref<74576xf32, #tpu.memory_space<vmem>>[vector<16xi32>], vector<16xf32>,
        %mul3A_285 = arith.constant 1152 : i32
        %mul3A_286 = arith.muli %scan3A_118, %mul3A_285 : i32
        %add3A_287 = arith.constant 320 : i32
        %add3A_288 = arith.addi %mul3A_286, %add3A_287 : i32
        %get3A_289 = arith.index_cast %add3A_288 : i32 to index
        %get3A_290 = tpu.vector_load %arg9[%get3A_289] {strides = array<i32>} : memref<18432xf32, #tpu.memory_space<vmem>>, vector<16xf32>,
        %scatter3A_291 = arith.constant 320 : i32
        %scatter3A_292 = tpu.memref_slice %arg10[%scatter3A_291] : memref<74880xf32, #tpu.memory_space<vmem>> -> memref<74560xf32, #tpu.memory_space<vmem>>
        tpu.vector_store_idx %scatter3A_292[%add3A_125], %get3A_290 {add = true} : memref<74560xf32, #tpu.memory_space<vmem>>[vector<16xi32>], vector<16xf32>,
        %mul3A_293 = arith.constant 1152 : i32
        %mul3A_294 = arith.muli %scan3A_118, %mul3A_293 : i32
        %add3A_295 = arith.constant 336 : i32
        %add3A_296 = arith.addi %mul3A_294, %add3A_295 : i32
        %get3A_297 = arith.index_cast %add3A_296 : i32 to index
        %get3A_298 = tpu.vector_load %arg9[%get3A_297] {strides = array<i32>} : memref<18432xf32, #tpu.memory_space<vmem>>, vector<16xf32>,
        %scatter3A_299 = arith.constant 336 : i32
        %scatter3A_300 = tpu.memref_slice %arg10[%scatter3A_299] : memref<74880xf32, #tpu.memory_space<vmem>> -> memref<74544xf32, #tpu.memory_space<vmem>>
        tpu.vector_store_idx %scatter3A_300[%add3A_125], %get3A_298 {add = true} : memref<74544xf32, #tpu.memory_space<vmem>>[vector<16xi32>], vector<16xf32>,
        %mul3A_301 = arith.constant 1152 : i32
        %mul3A_302 = arith.muli %scan3A_118, %mul3A_301 : i32
        %add3A_303 = arith.constant 352 : i32
        %add3A_304 = arith.addi %mul3A_302, %add3A_303 : i32
        %get3A_305 = arith.index_cast %add3A_304 : i32 to index
        %get3A_306 = tpu.vector_load %arg9[%get3A_305] {strides = array<i32>} : memref<18432xf32, #tpu.memory_space<vmem>>, vector<16xf32>,
        %scatter3A_307 = arith.constant 352 : i32
        %scatter3A_308 = tpu.memref_slice %arg10[%scatter3A_307] : memref<74880xf32, #tpu.memory_space<vmem>> -> memref<74528xf32, #tpu.memory_space<vmem>>
        tpu.vector_store_idx %scatter3A_308[%add3A_125], %get3A_306 {add = true} : memref<74528xf32, #tpu.memory_space<vmem>>[vector<16xi32>], vector<16xf32>,
        %mul3A_309 = arith.constant 1152 : i32
        %mul3A_310 = arith.muli %scan3A_118, %mul3A_309 : i32
        %add3A_311 = arith.constant 368 : i32
        %add3A_312 = arith.addi %mul3A_310, %add3A_311 : i32
        %get3A_313 = arith.index_cast %add3A_312 : i32 to index
        %get3A_314 = tpu.vector_load %arg9[%get3A_313] {strides = array<i32>} : memref<18432xf32, #tpu.memory_space<vmem>>, vector<16xf32>,
        %scatter3A_315 = arith.constant 368 : i32
        %scatter3A_316 = tpu.memref_slice %arg10[%scatter3A_315] : memref<74880xf32, #tpu.memory_space<vmem>> -> memref<74512xf32, #tpu.memory_space<vmem>>
        tpu.vector_store_idx %scatter3A_316[%add3A_125], %get3A_314 {add = true} : memref<74512xf32, #tpu.memory_space<vmem>>[vector<16xi32>], vector<16xf32>,
        %mul3A_317 = arith.constant 1152 : i32
        %mul3A_318 = arith.muli %scan3A_118, %mul3A_317 : i32
        %add3A_319 = arith.constant 384 : i32
        %add3A_320 = arith.addi %mul3A_318, %add3A_319 : i32
        %get3A_321 = arith.index_cast %add3A_320 : i32 to index
        %get3A_322 = tpu.vector_load %arg9[%get3A_321] {strides = array<i32>} : memref<18432xf32, #tpu.memory_space<vmem>>, vector<16xf32>,
        %scatter3A_323 = arith.constant 384 : i32
        %scatter3A_324 = tpu.memref_slice %arg10[%scatter3A_323] : memref<74880xf32, #tpu.memory_space<vmem>> -> memref<74496xf32, #tpu.memory_space<vmem>>
        tpu.vector_store_idx %scatter3A_324[%add3A_125], %get3A_322 {add = true} : memref<74496xf32, #tpu.memory_space<vmem>>[vector<16xi32>], vector<16xf32>,
        %mul3A_325 = arith.constant 1152 : i32
        %mul3A_326 = arith.muli %scan3A_118, %mul3A_325 : i32
        %add3A_327 = arith.constant 400 : i32
        %add3A_328 = arith.addi %mul3A_326, %add3A_327 : i32
        %get3A_329 = arith.index_cast %add3A_328 : i32 to index
        %get3A_330 = tpu.vector_load %arg9[%get3A_329] {strides = array<i32>} : memref<18432xf32, #tpu.memory_space<vmem>>, vector<16xf32>,
        %scatter3A_331 = arith.constant 400 : i32
        %scatter3A_332 = tpu.memref_slice %arg10[%scatter3A_331] : memref<74880xf32, #tpu.memory_space<vmem>> -> memref<74480xf32, #tpu.memory_space<vmem>>
        tpu.vector_store_idx %scatter3A_332[%add3A_125], %get3A_330 {add = true} : memref<74480xf32, #tpu.memory_space<vmem>>[vector<16xi32>], vector<16xf32>,
        %mul3A_333 = arith.constant 1152 : i32
        %mul3A_334 = arith.muli %scan3A_118, %mul3A_333 : i32
        %add3A_335 = arith.constant 416 : i32
        %add3A_336 = arith.addi %mul3A_334, %add3A_335 : i32
        %get3A_337 = arith.index_cast %add3A_336 : i32 to index
        %get3A_338 = tpu.vector_load %arg9[%get3A_337] {strides = array<i32>} : memref<18432xf32, #tpu.memory_space<vmem>>, vector<16xf32>,
        %scatter3A_339 = arith.constant 416 : i32
        %scatter3A_340 = tpu.memref_slice %arg10[%scatter3A_339] : memref<74880xf32, #tpu.memory_space<vmem>> -> memref<74464xf32, #tpu.memory_space<vmem>>
        tpu.vector_store_idx %scatter3A_340[%add3A_125], %get3A_338 {add = true} : memref<74464xf32, #tpu.memory_space<vmem>>[vector<16xi32>], vector<16xf32>,
        %mul3A_341 = arith.constant 1152 : i32
        %mul3A_342 = arith.muli %scan3A_118, %mul3A_341 : i32
        %add3A_343 = arith.constant 432 : i32
        %add3A_344 = arith.addi %mul3A_342, %add3A_343 : i32
        %get3A_345 = arith.index_cast %add3A_344 : i32 to index
        %get3A_346 = tpu.vector_load %arg9[%get3A_345] {strides = array<i32>} : memref<18432xf32, #tpu.memory_space<vmem>>, vector<16xf32>,
        %scatter3A_347 = arith.constant 432 : i32
        %scatter3A_348 = tpu.memref_slice %arg10[%scatter3A_347] : memref<74880xf32, #tpu.memory_space<vmem>> -> memref<74448xf32, #tpu.memory_space<vmem>>
        tpu.vector_store_idx %scatter3A_348[%add3A_125], %get3A_346 {add = true} : memref<74448xf32, #tpu.memory_space<vmem>>[vector<16xi32>], vector<16xf32>,
        %mul3A_349 = arith.constant 1152 : i32
        %mul3A_350 = arith.muli %scan3A_118, %mul3A_349 : i32
        %add3A_351 = arith.constant 448 : i32
        %add3A_352 = arith.addi %mul3A_350, %add3A_351 : i32
        %get3A_353 = arith.index_cast %add3A_352 : i32 to index
        %get3A_354 = tpu.vector_load %arg9[%get3A_353] {strides = array<i32>} : memref<18432xf32, #tpu.memory_space<vmem>>, vector<16xf32>,
        %scatter3A_355 = arith.constant 448 : i32
        %scatter3A_356 = tpu.memref_slice %arg10[%scatter3A_355] : memref<74880xf32, #tpu.memory_space<vmem>> -> memref<74432xf32, #tpu.memory_space<vmem>>
        tpu.vector_store_idx %scatter3A_356[%add3A_125], %get3A_354 {add = true} : memref<74432xf32, #tpu.memory_space<vmem>>[vector<16xi32>], vector<16xf32>,
        %mul3A_357 = arith.constant 1152 : i32
        %mul3A_358 = arith.muli %scan3A_118, %mul3A_357 : i32
        %add3A_359 = arith.constant 464 : i32
        %add3A_360 = arith.addi %mul3A_358, %add3A_359 : i32
        %get3A_361 = arith.index_cast %add3A_360 : i32 to index
        %get3A_362 = tpu.vector_load %arg9[%get3A_361] {strides = array<i32>} : memref<18432xf32, #tpu.memory_space<vmem>>, vector<16xf32>,
        %scatter3A_363 = arith.constant 464 : i32
        %scatter3A_364 = tpu.memref_slice %arg10[%scatter3A_363] : memref<74880xf32, #tpu.memory_space<vmem>> -> memref<74416xf32, #tpu.memory_space<vmem>>
        tpu.vector_store_idx %scatter3A_364[%add3A_125], %get3A_362 {add = true} : memref<74416xf32, #tpu.memory_space<vmem>>[vector<16xi32>], vector<16xf32>,
        %mul3A_365 = arith.constant 1152 : i32
        %mul3A_366 = arith.muli %scan3A_118, %mul3A_365 : i32
        %add3A_367 = arith.constant 480 : i32
        %add3A_368 = arith.addi %mul3A_366, %add3A_367 : i32
        %get3A_369 = arith.index_cast %add3A_368 : i32 to index
        %get3A_370 = tpu.vector_load %arg9[%get3A_369] {strides = array<i32>} : memref<18432xf32, #tpu.memory_space<vmem>>, vector<16xf32>,
        %scatter3A_371 = arith.constant 480 : i32
        %scatter3A_372 = tpu.memref_slice %arg10[%scatter3A_371] : memref<74880xf32, #tpu.memory_space<vmem>> -> memref<74400xf32, #tpu.memory_space<vmem>>
        tpu.vector_store_idx %scatter3A_372[%add3A_125], %get3A_370 {add = true} : memref<74400xf32, #tpu.memory_space<vmem>>[vector<16xi32>], vector<16xf32>,
        %mul3A_373 = arith.constant 1152 : i32
        %mul3A_374 = arith.muli %scan3A_118, %mul3A_373 : i32
        %add3A_375 = arith.constant 496 : i32
        %add3A_376 = arith.addi %mul3A_374, %add3A_375 : i32
        %get3A_377 = arith.index_cast %add3A_376 : i32 to index
        %get3A_378 = tpu.vector_load %arg9[%get3A_377] {strides = array<i32>} : memref<18432xf32, #tpu.memory_space<vmem>>, vector<16xf32>,
        %scatter3A_379 = arith.constant 496 : i32
        %scatter3A_380 = tpu.memref_slice %arg10[%scatter3A_379] : memref<74880xf32, #tpu.memory_space<vmem>> -> memref<74384xf32, #tpu.memory_space<vmem>>
        tpu.vector_store_idx %scatter3A_380[%add3A_125], %get3A_378 {add = true} : memref<74384xf32, #tpu.memory_space<vmem>>[vector<16xi32>], vector<16xf32>,
        %mul3A_381 = arith.constant 1152 : i32
        %mul3A_382 = arith.muli %scan3A_118, %mul3A_381 : i32
        %add3A_383 = arith.constant 512 : i32
        %add3A_384 = arith.addi %mul3A_382, %add3A_383 : i32
        %get3A_385 = arith.index_cast %add3A_384 : i32 to index
        %get3A_386 = tpu.vector_load %arg9[%get3A_385] {strides = array<i32>} : memref<18432xf32, #tpu.memory_space<vmem>>, vector<16xf32>,
        %scatter3A_387 = arith.constant 512 : i32
        %scatter3A_388 = tpu.memref_slice %arg10[%scatter3A_387] : memref<74880xf32, #tpu.memory_space<vmem>> -> memref<74368xf32, #tpu.memory_space<vmem>>
        tpu.vector_store_idx %scatter3A_388[%add3A_125], %get3A_386 {add = true} : memref<74368xf32, #tpu.memory_space<vmem>>[vector<16xi32>], vector<16xf32>,
        %mul3A_389 = arith.constant 1152 : i32
        %mul3A_390 = arith.muli %scan3A_118, %mul3A_389 : i32
        %add3A_391 = arith.constant 528 : i32
        %add3A_392 = arith.addi %mul3A_390, %add3A_391 : i32
        %get3A_393 = arith.index_cast %add3A_392 : i32 to index
        %get3A_394 = tpu.vector_load %arg9[%get3A_393] {strides = array<i32>} : memref<18432xf32, #tpu.memory_space<vmem>>, vector<16xf32>,
        %scatter3A_395 = arith.constant 528 : i32
        %scatter3A_396 = tpu.memref_slice %arg10[%scatter3A_395] : memref<74880xf32, #tpu.memory_space<vmem>> -> memref<74352xf32, #tpu.memory_space<vmem>>
        tpu.vector_store_idx %scatter3A_396[%add3A_125], %get3A_394 {add = true} : memref<74352xf32, #tpu.memory_space<vmem>>[vector<16xi32>], vector<16xf32>,
        %mul3A_397 = arith.constant 1152 : i32
        %mul3A_398 = arith.muli %scan3A_118, %mul3A_397 : i32
        %add3A_399 = arith.constant 544 : i32
        %add3A_400 = arith.addi %mul3A_398, %add3A_399 : i32
        %get3A_401 = arith.index_cast %add3A_400 : i32 to index
        %get3A_402 = tpu.vector_load %arg9[%get3A_401] {strides = array<i32>} : memref<18432xf32, #tpu.memory_space<vmem>>, vector<16xf32>,
        %scatter3A_403 = arith.constant 544 : i32
        %scatter3A_404 = tpu.memref_slice %arg10[%scatter3A_403] : memref<74880xf32, #tpu.memory_space<vmem>> -> memref<74336xf32, #tpu.memory_space<vmem>>
        tpu.vector_store_idx %scatter3A_404[%add3A_125], %get3A_402 {add = true} : memref<74336xf32, #tpu.memory_space<vmem>>[vector<16xi32>], vector<16xf32>,
        %mul3A_405 = arith.constant 1152 : i32
        %mul3A_406 = arith.muli %scan3A_118, %mul3A_405 : i32
        %add3A_407 = arith.constant 560 : i32
        %add3A_408 = arith.addi %mul3A_406, %add3A_407 : i32
        %get3A_409 = arith.index_cast %add3A_408 : i32 to index
        %get3A_410 = tpu.vector_load %arg9[%get3A_409] {strides = array<i32>} : memref<18432xf32, #tpu.memory_space<vmem>>, vector<16xf32>,
        %scatter3A_411 = arith.constant 560 : i32
        %scatter3A_412 = tpu.memref_slice %arg10[%scatter3A_411] : memref<74880xf32, #tpu.memory_space<vmem>> -> memref<74320xf32, #tpu.memory_space<vmem>>
        tpu.vector_store_idx %scatter3A_412[%add3A_125], %get3A_410 {add = true} : memref<74320xf32, #tpu.memory_space<vmem>>[vector<16xi32>], vector<16xf32>,
        %mul3A_413 = arith.constant 1152 : i32
        %mul3A_414 = arith.muli %scan3A_118, %mul3A_413 : i32
        %add3A_415 = arith.constant 576 : i32
        %add3A_416 = arith.addi %mul3A_414, %add3A_415 : i32
        %get3A_417 = arith.index_cast %add3A_416 : i32 to index
        %get3A_418 = tpu.vector_load %arg9[%get3A_417] {strides = array<i32>} : memref<18432xf32, #tpu.memory_space<vmem>>, vector<16xf32>,
        %scatter3A_419 = arith.constant 576 : i32
        %scatter3A_420 = tpu.memref_slice %arg10[%scatter3A_419] : memref<74880xf32, #tpu.memory_space<vmem>> -> memref<74304xf32, #tpu.memory_space<vmem>>
        tpu.vector_store_idx %scatter3A_420[%add3A_125], %get3A_418 {add = true} : memref<74304xf32, #tpu.memory_space<vmem>>[vector<16xi32>], vector<16xf32>,
        %mul3A_421 = arith.constant 1152 : i32
        %mul3A_422 = arith.muli %scan3A_118, %mul3A_421 : i32
        %add3A_423 = arith.constant 592 : i32
        %add3A_424 = arith.addi %mul3A_422, %add3A_423 : i32
        %get3A_425 = arith.index_cast %add3A_424 : i32 to index
        %get3A_426 = tpu.vector_load %arg9[%get3A_425] {strides = array<i32>} : memref<18432xf32, #tpu.memory_space<vmem>>, vector<16xf32>,
        %scatter3A_427 = arith.constant 592 : i32
        %scatter3A_428 = tpu.memref_slice %arg10[%scatter3A_427] : memref<74880xf32, #tpu.memory_space<vmem>> -> memref<74288xf32, #tpu.memory_space<vmem>>
        tpu.vector_store_idx %scatter3A_428[%add3A_125], %get3A_426 {add = true} : memref<74288xf32, #tpu.memory_space<vmem>>[vector<16xi32>], vector<16xf32>,
        %mul3A_429 = arith.constant 1152 : i32
        %mul3A_430 = arith.muli %scan3A_118, %mul3A_429 : i32
        %add3A_431 = arith.constant 608 : i32
        %add3A_432 = arith.addi %mul3A_430, %add3A_431 : i32
        %get3A_433 = arith.index_cast %add3A_432 : i32 to index
        %get3A_434 = tpu.vector_load %arg9[%get3A_433] {strides = array<i32>} : memref<18432xf32, #tpu.memory_space<vmem>>, vector<16xf32>,
        %scatter3A_435 = arith.constant 608 : i32
        %scatter3A_436 = tpu.memref_slice %arg10[%scatter3A_435] : memref<74880xf32, #tpu.memory_space<vmem>> -> memref<74272xf32, #tpu.memory_space<vmem>>
        tpu.vector_store_idx %scatter3A_436[%add3A_125], %get3A_434 {add = true} : memref<74272xf32, #tpu.memory_space<vmem>>[vector<16xi32>], vector<16xf32>,
        %mul3A_437 = arith.constant 1152 : i32
        %mul3A_438 = arith.muli %scan3A_118, %mul3A_437 : i32
        %add3A_439 = arith.constant 624 : i32
        %add3A_440 = arith.addi %mul3A_438, %add3A_439 : i32
        %get3A_441 = arith.index_cast %add3A_440 : i32 to index
        %get3A_442 = tpu.vector_load %arg9[%get3A_441] {strides = array<i32>} : memref<18432xf32, #tpu.memory_space<vmem>>, vector<16xf32>,
        %scatter3A_443 = arith.constant 624 : i32
        %scatter3A_444 = tpu.memref_slice %arg10[%scatter3A_443] : memref<74880xf32, #tpu.memory_space<vmem>> -> memref<74256xf32, #tpu.memory_space<vmem>>
        tpu.vector_store_idx %scatter3A_444[%add3A_125], %get3A_442 {add = true} : memref<74256xf32, #tpu.memory_space<vmem>>[vector<16xi32>], vector<16xf32>,
        %mul3A_445 = arith.constant 1152 : i32
        %mul3A_446 = arith.muli %scan3A_118, %mul3A_445 : i32
        %add3A_447 = arith.constant 640 : i32
        %add3A_448 = arith.addi %mul3A_446, %add3A_447 : i32
        %get3A_449 = arith.index_cast %add3A_448 : i32 to index
        %get3A_450 = tpu.vector_load %arg9[%get3A_449] {strides = array<i32>} : memref<18432xf32, #tpu.memory_space<vmem>>, vector<16xf32>,
        %scatter3A_451 = arith.constant 640 : i32
        %scatter3A_452 = tpu.memref_slice %arg10[%scatter3A_451] : memref<74880xf32, #tpu.memory_space<vmem>> -> memref<74240xf32, #tpu.memory_space<vmem>>
        tpu.vector_store_idx %scatter3A_452[%add3A_125], %get3A_450 {add = true} : memref<74240xf32, #tpu.memory_space<vmem>>[vector<16xi32>], vector<16xf32>,
        %mul3A_453 = arith.constant 1152 : i32
        %mul3A_454 = arith.muli %scan3A_118, %mul3A_453 : i32
        %add3A_455 = arith.constant 656 : i32
        %add3A_456 = arith.addi %mul3A_454, %add3A_455 : i32
        %get3A_457 = arith.index_cast %add3A_456 : i32 to index
        %get3A_458 = tpu.vector_load %arg9[%get3A_457] {strides = array<i32>} : memref<18432xf32, #tpu.memory_space<vmem>>, vector<16xf32>,
        %scatter3A_459 = arith.constant 656 : i32
        %scatter3A_460 = tpu.memref_slice %arg10[%scatter3A_459] : memref<74880xf32, #tpu.memory_space<vmem>> -> memref<74224xf32, #tpu.memory_space<vmem>>
        tpu.vector_store_idx %scatter3A_460[%add3A_125], %get3A_458 {add = true} : memref<74224xf32, #tpu.memory_space<vmem>>[vector<16xi32>], vector<16xf32>,
        %mul3A_461 = arith.constant 1152 : i32
        %mul3A_462 = arith.muli %scan3A_118, %mul3A_461 : i32
        %add3A_463 = arith.constant 672 : i32
        %add3A_464 = arith.addi %mul3A_462, %add3A_463 : i32
        %get3A_465 = arith.index_cast %add3A_464 : i32 to index
        %get3A_466 = tpu.vector_load %arg9[%get3A_465] {strides = array<i32>} : memref<18432xf32, #tpu.memory_space<vmem>>, vector<16xf32>,
        %scatter3A_467 = arith.constant 672 : i32
        %scatter3A_468 = tpu.memref_slice %arg10[%scatter3A_467] : memref<74880xf32, #tpu.memory_space<vmem>> -> memref<74208xf32, #tpu.memory_space<vmem>>
        tpu.vector_store_idx %scatter3A_468[%add3A_125], %get3A_466 {add = true} : memref<74208xf32, #tpu.memory_space<vmem>>[vector<16xi32>], vector<16xf32>,
        %mul3A_469 = arith.constant 1152 : i32
        %mul3A_470 = arith.muli %scan3A_118, %mul3A_469 : i32
        %add3A_471 = arith.constant 688 : i32
        %add3A_472 = arith.addi %mul3A_470, %add3A_471 : i32
        %get3A_473 = arith.index_cast %add3A_472 : i32 to index
        %get3A_474 = tpu.vector_load %arg9[%get3A_473] {strides = array<i32>} : memref<18432xf32, #tpu.memory_space<vmem>>, vector<16xf32>,
        %scatter3A_475 = arith.constant 688 : i32
        %scatter3A_476 = tpu.memref_slice %arg10[%scatter3A_475] : memref<74880xf32, #tpu.memory_space<vmem>> -> memref<74192xf32, #tpu.memory_space<vmem>>
        tpu.vector_store_idx %scatter3A_476[%add3A_125], %get3A_474 {add = true} : memref<74192xf32, #tpu.memory_space<vmem>>[vector<16xi32>], vector<16xf32>,
        %mul3A_477 = arith.constant 1152 : i32
        %mul3A_478 = arith.muli %scan3A_118, %mul3A_477 : i32
        %add3A_479 = arith.constant 704 : i32
        %add3A_480 = arith.addi %mul3A_478, %add3A_479 : i32
        %get3A_481 = arith.index_cast %add3A_480 : i32 to index
        %get3A_482 = tpu.vector_load %arg9[%get3A_481] {strides = array<i32>} : memref<18432xf32, #tpu.memory_space<vmem>>, vector<16xf32>,
        %scatter3A_483 = arith.constant 704 : i32
        %scatter3A_484 = tpu.memref_slice %arg10[%scatter3A_483] : memref<74880xf32, #tpu.memory_space<vmem>> -> memref<74176xf32, #tpu.memory_space<vmem>>
        tpu.vector_store_idx %scatter3A_484[%add3A_125], %get3A_482 {add = true} : memref<74176xf32, #tpu.memory_space<vmem>>[vector<16xi32>], vector<16xf32>,
        %mul3A_485 = arith.constant 1152 : i32
        %mul3A_486 = arith.muli %scan3A_118, %mul3A_485 : i32
        %add3A_487 = arith.constant 720 : i32
        %add3A_488 = arith.addi %mul3A_486, %add3A_487 : i32
        %get3A_489 = arith.index_cast %add3A_488 : i32 to index
        %get3A_490 = tpu.vector_load %arg9[%get3A_489] {strides = array<i32>} : memref<18432xf32, #tpu.memory_space<vmem>>, vector<16xf32>,
        %scatter3A_491 = arith.constant 720 : i32
        %scatter3A_492 = tpu.memref_slice %arg10[%scatter3A_491] : memref<74880xf32, #tpu.memory_space<vmem>> -> memref<74160xf32, #tpu.memory_space<vmem>>
        tpu.vector_store_idx %scatter3A_492[%add3A_125], %get3A_490 {add = true} : memref<74160xf32, #tpu.memory_space<vmem>>[vector<16xi32>], vector<16xf32>,
        %mul3A_493 = arith.constant 1152 : i32
        %mul3A_494 = arith.muli %scan3A_118, %mul3A_493 : i32
        %add3A_495 = arith.constant 736 : i32
        %add3A_496 = arith.addi %mul3A_494, %add3A_495 : i32
        %get3A_497 = arith.index_cast %add3A_496 : i32 to index
        %get3A_498 = tpu.vector_load %arg9[%get3A_497] {strides = array<i32>} : memref<18432xf32, #tpu.memory_space<vmem>>, vector<16xf32>,
        %scatter3A_499 = arith.constant 736 : i32
        %scatter3A_500 = tpu.memref_slice %arg10[%scatter3A_499] : memref<74880xf32, #tpu.memory_space<vmem>> -> memref<74144xf32, #tpu.memory_space<vmem>>
        tpu.vector_store_idx %scatter3A_500[%add3A_125], %get3A_498 {add = true} : memref<74144xf32, #tpu.memory_space<vmem>>[vector<16xi32>], vector<16xf32>,
        %mul3A_501 = arith.constant 1152 : i32
        %mul3A_502 = arith.muli %scan3A_118, %mul3A_501 : i32
        %add3A_503 = arith.constant 752 : i32
        %add3A_504 = arith.addi %mul3A_502, %add3A_503 : i32
        %get3A_505 = arith.index_cast %add3A_504 : i32 to index
        %get3A_506 = tpu.vector_load %arg9[%get3A_505] {strides = array<i32>} : memref<18432xf32, #tpu.memory_space<vmem>>, vector<16xf32>,
        %scatter3A_507 = arith.constant 752 : i32
        %scatter3A_508 = tpu.memref_slice %arg10[%scatter3A_507] : memref<74880xf32, #tpu.memory_space<vmem>> -> memref<74128xf32, #tpu.memory_space<vmem>>
        tpu.vector_store_idx %scatter3A_508[%add3A_125], %get3A_506 {add = true} : memref<74128xf32, #tpu.memory_space<vmem>>[vector<16xi32>], vector<16xf32>,
        %mul3A_509 = arith.constant 1152 : i32
        %mul3A_510 = arith.muli %scan3A_118, %mul3A_509 : i32
        %add3A_511 = arith.constant 768 : i32
        %add3A_512 = arith.addi %mul3A_510, %add3A_511 : i32
        %get3A_513 = arith.index_cast %add3A_512 : i32 to index
        %get3A_514 = tpu.vector_load %arg9[%get3A_513] {strides = array<i32>} : memref<18432xf32, #tpu.memory_space<vmem>>, vector<16xf32>,
        %scatter3A_515 = arith.constant 768 : i32
        %scatter3A_516 = tpu.memref_slice %arg10[%scatter3A_515] : memref<74880xf32, #tpu.memory_space<vmem>> -> memref<74112xf32, #tpu.memory_space<vmem>>
        tpu.vector_store_idx %scatter3A_516[%add3A_125], %get3A_514 {add = true} : memref<74112xf32, #tpu.memory_space<vmem>>[vector<16xi32>], vector<16xf32>,
        %mul3A_517 = arith.constant 1152 : i32
        %mul3A_518 = arith.muli %scan3A_118, %mul3A_517 : i32
        %add3A_519 = arith.constant 784 : i32
        %add3A_520 = arith.addi %mul3A_518, %add3A_519 : i32
        %get3A_521 = arith.index_cast %add3A_520 : i32 to index
        %get3A_522 = tpu.vector_load %arg9[%get3A_521] {strides = array<i32>} : memref<18432xf32, #tpu.memory_space<vmem>>, vector<16xf32>,
        %scatter3A_523 = arith.constant 784 : i32
        %scatter3A_524 = tpu.memref_slice %arg10[%scatter3A_523] : memref<74880xf32, #tpu.memory_space<vmem>> -> memref<74096xf32, #tpu.memory_space<vmem>>
        tpu.vector_store_idx %scatter3A_524[%add3A_125], %get3A_522 {add = true} : memref<74096xf32, #tpu.memory_space<vmem>>[vector<16xi32>], vector<16xf32>,
        %mul3A_525 = arith.constant 1152 : i32
        %mul3A_526 = arith.muli %scan3A_118, %mul3A_525 : i32
        %add3A_527 = arith.constant 800 : i32
        %add3A_528 = arith.addi %mul3A_526, %add3A_527 : i32
        %get3A_529 = arith.index_cast %add3A_528 : i32 to index
        %get3A_530 = tpu.vector_load %arg9[%get3A_529] {strides = array<i32>} : memref<18432xf32, #tpu.memory_space<vmem>>, vector<16xf32>,
        %scatter3A_531 = arith.constant 800 : i32
        %scatter3A_532 = tpu.memref_slice %arg10[%scatter3A_531] : memref<74880xf32, #tpu.memory_space<vmem>> -> memref<74080xf32, #tpu.memory_space<vmem>>
        tpu.vector_store_idx %scatter3A_532[%add3A_125], %get3A_530 {add = true} : memref<74080xf32, #tpu.memory_space<vmem>>[vector<16xi32>], vector<16xf32>,
        %mul3A_533 = arith.constant 1152 : i32
        %mul3A_534 = arith.muli %scan3A_118, %mul3A_533 : i32
        %add3A_535 = arith.constant 816 : i32
        %add3A_536 = arith.addi %mul3A_534, %add3A_535 : i32
        %get3A_537 = arith.index_cast %add3A_536 : i32 to index
        %get3A_538 = tpu.vector_load %arg9[%get3A_537] {strides = array<i32>} : memref<18432xf32, #tpu.memory_space<vmem>>, vector<16xf32>,
        %scatter3A_539 = arith.constant 816 : i32
        %scatter3A_540 = tpu.memref_slice %arg10[%scatter3A_539] : memref<74880xf32, #tpu.memory_space<vmem>> -> memref<74064xf32, #tpu.memory_space<vmem>>
        tpu.vector_store_idx %scatter3A_540[%add3A_125], %get3A_538 {add = true} : memref<74064xf32, #tpu.memory_space<vmem>>[vector<16xi32>], vector<16xf32>,
        %mul3A_541 = arith.constant 1152 : i32
        %mul3A_542 = arith.muli %scan3A_118, %mul3A_541 : i32
        %add3A_543 = arith.constant 832 : i32
        %add3A_544 = arith.addi %mul3A_542, %add3A_543 : i32
        %get3A_545 = arith.index_cast %add3A_544 : i32 to index
        %get3A_546 = tpu.vector_load %arg9[%get3A_545] {strides = array<i32>} : memref<18432xf32, #tpu.memory_space<vmem>>, vector<16xf32>,
        %scatter3A_547 = arith.constant 832 : i32
        %scatter3A_548 = tpu.memref_slice %arg10[%scatter3A_547] : memref<74880xf32, #tpu.memory_space<vmem>> -> memref<74048xf32, #tpu.memory_space<vmem>>
        tpu.vector_store_idx %scatter3A_548[%add3A_125], %get3A_546 {add = true} : memref<74048xf32, #tpu.memory_space<vmem>>[vector<16xi32>], vector<16xf32>,
        %mul3A_549 = arith.constant 1152 : i32
        %mul3A_550 = arith.muli %scan3A_118, %mul3A_549 : i32
        %add3A_551 = arith.constant 848 : i32
        %add3A_552 = arith.addi %mul3A_550, %add3A_551 : i32
        %get3A_553 = arith.index_cast %add3A_552 : i32 to index
        %get3A_554 = tpu.vector_load %arg9[%get3A_553] {strides = array<i32>} : memref<18432xf32, #tpu.memory_space<vmem>>, vector<16xf32>,
        %scatter3A_555 = arith.constant 848 : i32
        %scatter3A_556 = tpu.memref_slice %arg10[%scatter3A_555] : memref<74880xf32, #tpu.memory_space<vmem>> -> memref<74032xf32, #tpu.memory_space<vmem>>
        tpu.vector_store_idx %scatter3A_556[%add3A_125], %get3A_554 {add = true} : memref<74032xf32, #tpu.memory_space<vmem>>[vector<16xi32>], vector<16xf32>,
        %mul3A_557 = arith.constant 1152 : i32
        %mul3A_558 = arith.muli %scan3A_118, %mul3A_557 : i32
        %add3A_559 = arith.constant 864 : i32
        %add3A_560 = arith.addi %mul3A_558, %add3A_559 : i32
        %get3A_561 = arith.index_cast %add3A_560 : i32 to index
        %get3A_562 = tpu.vector_load %arg9[%get3A_561] {strides = array<i32>} : memref<18432xf32, #tpu.memory_space<vmem>>, vector<16xf32>,
        %scatter3A_563 = arith.constant 864 : i32
        %scatter3A_564 = tpu.memref_slice %arg10[%scatter3A_563] : memref<74880xf32, #tpu.memory_space<vmem>> -> memref<74016xf32, #tpu.memory_space<vmem>>
        tpu.vector_store_idx %scatter3A_564[%add3A_125], %get3A_562 {add = true} : memref<74016xf32, #tpu.memory_space<vmem>>[vector<16xi32>], vector<16xf32>,
        %mul3A_565 = arith.constant 1152 : i32
        %mul3A_566 = arith.muli %scan3A_118, %mul3A_565 : i32
        %add3A_567 = arith.constant 880 : i32
        %add3A_568 = arith.addi %mul3A_566, %add3A_567 : i32
        %get3A_569 = arith.index_cast %add3A_568 : i32 to index
        %get3A_570 = tpu.vector_load %arg9[%get3A_569] {strides = array<i32>} : memref<18432xf32, #tpu.memory_space<vmem>>, vector<16xf32>,
        %scatter3A_571 = arith.constant 880 : i32
        %scatter3A_572 = tpu.memref_slice %arg10[%scatter3A_571] : memref<74880xf32, #tpu.memory_space<vmem>> -> memref<74000xf32, #tpu.memory_space<vmem>>
        tpu.vector_store_idx %scatter3A_572[%add3A_125], %get3A_570 {add = true} : memref<74000xf32, #tpu.memory_space<vmem>>[vector<16xi32>], vector<16xf32>,
        %mul3A_573 = arith.constant 1152 : i32
        %mul3A_574 = arith.muli %scan3A_118, %mul3A_573 : i32
        %add3A_575 = arith.constant 896 : i32
        %add3A_576 = arith.addi %mul3A_574, %add3A_575 : i32
        %get3A_577 = arith.index_cast %add3A_576 : i32 to index
        %get3A_578 = tpu.vector_load %arg9[%get3A_577] {strides = array<i32>} : memref<18432xf32, #tpu.memory_space<vmem>>, vector<16xf32>,
        %scatter3A_579 = arith.constant 896 : i32
        %scatter3A_580 = tpu.memref_slice %arg10[%scatter3A_579] : memref<74880xf32, #tpu.memory_space<vmem>> -> memref<73984xf32, #tpu.memory_space<vmem>>
        tpu.vector_store_idx %scatter3A_580[%add3A_125], %get3A_578 {add = true} : memref<73984xf32, #tpu.memory_space<vmem>>[vector<16xi32>], vector<16xf32>,
        %mul3A_581 = arith.constant 1152 : i32
        %mul3A_582 = arith.muli %scan3A_118, %mul3A_581 : i32
        %add3A_583 = arith.constant 912 : i32
        %add3A_584 = arith.addi %mul3A_582, %add3A_583 : i32
        %get3A_585 = arith.index_cast %add3A_584 : i32 to index
        %get3A_586 = tpu.vector_load %arg9[%get3A_585] {strides = array<i32>} : memref<18432xf32, #tpu.memory_space<vmem>>, vector<16xf32>,
        %scatter3A_587 = arith.constant 912 : i32
        %scatter3A_588 = tpu.memref_slice %arg10[%scatter3A_587] : memref<74880xf32, #tpu.memory_space<vmem>> -> memref<73968xf32, #tpu.memory_space<vmem>>
        tpu.vector_store_idx %scatter3A_588[%add3A_125], %get3A_586 {add = true} : memref<73968xf32, #tpu.memory_space<vmem>>[vector<16xi32>], vector<16xf32>,
        %mul3A_589 = arith.constant 1152 : i32
        %mul3A_590 = arith.muli %scan3A_118, %mul3A_589 : i32
        %add3A_591 = arith.constant 928 : i32
        %add3A_592 = arith.addi %mul3A_590, %add3A_591 : i32
        %get3A_593 = arith.index_cast %add3A_592 : i32 to index
        %get3A_594 = tpu.vector_load %arg9[%get3A_593] {strides = array<i32>} : memref<18432xf32, #tpu.memory_space<vmem>>, vector<16xf32>,
        %scatter3A_595 = arith.constant 928 : i32
        %scatter3A_596 = tpu.memref_slice %arg10[%scatter3A_595] : memref<74880xf32, #tpu.memory_space<vmem>> -> memref<73952xf32, #tpu.memory_space<vmem>>
        tpu.vector_store_idx %scatter3A_596[%add3A_125], %get3A_594 {add = true} : memref<73952xf32, #tpu.memory_space<vmem>>[vector<16xi32>], vector<16xf32>,
        %mul3A_597 = arith.constant 1152 : i32
        %mul3A_598 = arith.muli %scan3A_118, %mul3A_597 : i32
        %add3A_599 = arith.constant 944 : i32
        %add3A_600 = arith.addi %mul3A_598, %add3A_599 : i32
        %get3A_601 = arith.index_cast %add3A_600 : i32 to index
        %get3A_602 = tpu.vector_load %arg9[%get3A_601] {strides = array<i32>} : memref<18432xf32, #tpu.memory_space<vmem>>, vector<16xf32>,
        %scatter3A_603 = arith.constant 944 : i32
        %scatter3A_604 = tpu.memref_slice %arg10[%scatter3A_603] : memref<74880xf32, #tpu.memory_space<vmem>> -> memref<73936xf32, #tpu.memory_space<vmem>>
        tpu.vector_store_idx %scatter3A_604[%add3A_125], %get3A_602 {add = true} : memref<73936xf32, #tpu.memory_space<vmem>>[vector<16xi32>], vector<16xf32>,
        %mul3A_605 = arith.constant 1152 : i32
        %mul3A_606 = arith.muli %scan3A_118, %mul3A_605 : i32
        %add3A_607 = arith.constant 960 : i32
        %add3A_608 = arith.addi %mul3A_606, %add3A_607 : i32
        %get3A_609 = arith.index_cast %add3A_608 : i32 to index
        %get3A_610 = tpu.vector_load %arg9[%get3A_609] {strides = array<i32>} : memref<18432xf32, #tpu.memory_space<vmem>>, vector<16xf32>,
        %scatter3A_611 = arith.constant 960 : i32
        %scatter3A_612 = tpu.memref_slice %arg10[%scatter3A_611] : memref<74880xf32, #tpu.memory_space<vmem>> -> memref<73920xf32, #tpu.memory_space<vmem>>
        tpu.vector_store_idx %scatter3A_612[%add3A_125], %get3A_610 {add = true} : memref<73920xf32, #tpu.memory_space<vmem>>[vector<16xi32>], vector<16xf32>,
        %mul3A_613 = arith.constant 1152 : i32
        %mul3A_614 = arith.muli %scan3A_118, %mul3A_613 : i32
        %add3A_615 = arith.constant 976 : i32
        %add3A_616 = arith.addi %mul3A_614, %add3A_615 : i32
        %get3A_617 = arith.index_cast %add3A_616 : i32 to index
        %get3A_618 = tpu.vector_load %arg9[%get3A_617] {strides = array<i32>} : memref<18432xf32, #tpu.memory_space<vmem>>, vector<16xf32>,
        %scatter3A_619 = arith.constant 976 : i32
        %scatter3A_620 = tpu.memref_slice %arg10[%scatter3A_619] : memref<74880xf32, #tpu.memory_space<vmem>> -> memref<73904xf32, #tpu.memory_space<vmem>>
        tpu.vector_store_idx %scatter3A_620[%add3A_125], %get3A_618 {add = true} : memref<73904xf32, #tpu.memory_space<vmem>>[vector<16xi32>], vector<16xf32>,
        %mul3A_621 = arith.constant 1152 : i32
        %mul3A_622 = arith.muli %scan3A_118, %mul3A_621 : i32
        %add3A_623 = arith.constant 992 : i32
        %add3A_624 = arith.addi %mul3A_622, %add3A_623 : i32
        %get3A_625 = arith.index_cast %add3A_624 : i32 to index
        %get3A_626 = tpu.vector_load %arg9[%get3A_625] {strides = array<i32>} : memref<18432xf32, #tpu.memory_space<vmem>>, vector<16xf32>,
        %scatter3A_627 = arith.constant 992 : i32
        %scatter3A_628 = tpu.memref_slice %arg10[%scatter3A_627] : memref<74880xf32, #tpu.memory_space<vmem>> -> memref<73888xf32, #tpu.memory_space<vmem>>
        tpu.vector_store_idx %scatter3A_628[%add3A_125], %get3A_626 {add = true} : memref<73888xf32, #tpu.memory_space<vmem>>[vector<16xi32>], vector<16xf32>,
        %mul3A_629 = arith.constant 1152 : i32
        %mul3A_630 = arith.muli %scan3A_118, %mul3A_629 : i32
        %add3A_631 = arith.constant 1008 : i32
        %add3A_632 = arith.addi %mul3A_630, %add3A_631 : i32
        %get3A_633 = arith.index_cast %add3A_632 : i32 to index
        %get3A_634 = tpu.vector_load %arg9[%get3A_633] {strides = array<i32>} : memref<18432xf32, #tpu.memory_space<vmem>>, vector<16xf32>,
        %scatter3A_635 = arith.constant 1008 : i32
        %scatter3A_636 = tpu.memref_slice %arg10[%scatter3A_635] : memref<74880xf32, #tpu.memory_space<vmem>> -> memref<73872xf32, #tpu.memory_space<vmem>>
        tpu.vector_store_idx %scatter3A_636[%add3A_125], %get3A_634 {add = true} : memref<73872xf32, #tpu.memory_space<vmem>>[vector<16xi32>], vector<16xf32>,
        %mul3A_637 = arith.constant 1152 : i32
        %mul3A_638 = arith.muli %scan3A_118, %mul3A_637 : i32
        %add3A_639 = arith.constant 1024 : i32
        %add3A_640 = arith.addi %mul3A_638, %add3A_639 : i32
        %get3A_641 = arith.index_cast %add3A_640 : i32 to index
        %get3A_642 = tpu.vector_load %arg9[%get3A_641] {strides = array<i32>} : memref<18432xf32, #tpu.memory_space<vmem>>, vector<16xf32>,
        %scatter3A_643 = arith.constant 1024 : i32
        %scatter3A_644 = tpu.memref_slice %arg10[%scatter3A_643] : memref<74880xf32, #tpu.memory_space<vmem>> -> memref<73856xf32, #tpu.memory_space<vmem>>
        tpu.vector_store_idx %scatter3A_644[%add3A_125], %get3A_642 {add = true} : memref<73856xf32, #tpu.memory_space<vmem>>[vector<16xi32>], vector<16xf32>,
        %mul3A_645 = arith.constant 1152 : i32
        %mul3A_646 = arith.muli %scan3A_118, %mul3A_645 : i32
        %add3A_647 = arith.constant 1040 : i32
        %add3A_648 = arith.addi %mul3A_646, %add3A_647 : i32
        %get3A_649 = arith.index_cast %add3A_648 : i32 to index
        %get3A_650 = tpu.vector_load %arg9[%get3A_649] {strides = array<i32>} : memref<18432xf32, #tpu.memory_space<vmem>>, vector<16xf32>,
        %scatter3A_651 = arith.constant 1040 : i32
        %scatter3A_652 = tpu.memref_slice %arg10[%scatter3A_651] : memref<74880xf32, #tpu.memory_space<vmem>> -> memref<73840xf32, #tpu.memory_space<vmem>>
        tpu.vector_store_idx %scatter3A_652[%add3A_125], %get3A_650 {add = true} : memref<73840xf32, #tpu.memory_space<vmem>>[vector<16xi32>], vector<16xf32>,
        %mul3A_653 = arith.constant 1152 : i32
        %mul3A_654 = arith.muli %scan3A_118, %mul3A_653 : i32
        %add3A_655 = arith.constant 1056 : i32
        %add3A_656 = arith.addi %mul3A_654, %add3A_655 : i32
        %get3A_657 = arith.index_cast %add3A_656 : i32 to index
        %get3A_658 = tpu.vector_load %arg9[%get3A_657] {strides = array<i32>} : memref<18432xf32, #tpu.memory_space<vmem>>, vector<16xf32>,
        %scatter3A_659 = arith.constant 1056 : i32
        %scatter3A_660 = tpu.memref_slice %arg10[%scatter3A_659] : memref<74880xf32, #tpu.memory_space<vmem>> -> memref<73824xf32, #tpu.memory_space<vmem>>
        tpu.vector_store_idx %scatter3A_660[%add3A_125], %get3A_658 {add = true} : memref<73824xf32, #tpu.memory_space<vmem>>[vector<16xi32>], vector<16xf32>,
        %mul3A_661 = arith.constant 1152 : i32
        %mul3A_662 = arith.muli %scan3A_118, %mul3A_661 : i32
        %add3A_663 = arith.constant 1072 : i32
        %add3A_664 = arith.addi %mul3A_662, %add3A_663 : i32
        %get3A_665 = arith.index_cast %add3A_664 : i32 to index
        %get3A_666 = tpu.vector_load %arg9[%get3A_665] {strides = array<i32>} : memref<18432xf32, #tpu.memory_space<vmem>>, vector<16xf32>,
        %scatter3A_667 = arith.constant 1072 : i32
        %scatter3A_668 = tpu.memref_slice %arg10[%scatter3A_667] : memref<74880xf32, #tpu.memory_space<vmem>> -> memref<73808xf32, #tpu.memory_space<vmem>>
        tpu.vector_store_idx %scatter3A_668[%add3A_125], %get3A_666 {add = true} : memref<73808xf32, #tpu.memory_space<vmem>>[vector<16xi32>], vector<16xf32>,
        %mul3A_669 = arith.constant 1152 : i32
        %mul3A_670 = arith.muli %scan3A_118, %mul3A_669 : i32
        %add3A_671 = arith.constant 1088 : i32
        %add3A_672 = arith.addi %mul3A_670, %add3A_671 : i32
        %get3A_673 = arith.index_cast %add3A_672 : i32 to index
        %get3A_674 = tpu.vector_load %arg9[%get3A_673] {strides = array<i32>} : memref<18432xf32, #tpu.memory_space<vmem>>, vector<16xf32>,
        %scatter3A_675 = arith.constant 1088 : i32
        %scatter3A_676 = tpu.memref_slice %arg10[%scatter3A_675] : memref<74880xf32, #tpu.memory_space<vmem>> -> memref<73792xf32, #tpu.memory_space<vmem>>
        tpu.vector_store_idx %scatter3A_676[%add3A_125], %get3A_674 {add = true} : memref<73792xf32, #tpu.memory_space<vmem>>[vector<16xi32>], vector<16xf32>,
        %mul3A_677 = arith.constant 1152 : i32
        %mul3A_678 = arith.muli %scan3A_118, %mul3A_677 : i32
        %add3A_679 = arith.constant 1104 : i32
        %add3A_680 = arith.addi %mul3A_678, %add3A_679 : i32
        %get3A_681 = arith.index_cast %add3A_680 : i32 to index
        %get3A_682 = tpu.vector_load %arg9[%get3A_681] {strides = array<i32>} : memref<18432xf32, #tpu.memory_space<vmem>>, vector<16xf32>,
        %scatter3A_683 = arith.constant 1104 : i32
        %scatter3A_684 = tpu.memref_slice %arg10[%scatter3A_683] : memref<74880xf32, #tpu.memory_space<vmem>> -> memref<73776xf32, #tpu.memory_space<vmem>>
        tpu.vector_store_idx %scatter3A_684[%add3A_125], %get3A_682 {add = true} : memref<73776xf32, #tpu.memory_space<vmem>>[vector<16xi32>], vector<16xf32>,
        %mul3A_685 = arith.constant 1152 : i32
        %mul3A_686 = arith.muli %scan3A_118, %mul3A_685 : i32
        %add3A_687 = arith.constant 1120 : i32
        %add3A_688 = arith.addi %mul3A_686, %add3A_687 : i32
        %get3A_689 = arith.index_cast %add3A_688 : i32 to index
        %get3A_690 = tpu.vector_load %arg9[%get3A_689] {strides = array<i32>} : memref<18432xf32, #tpu.memory_space<vmem>>, vector<16xf32>,
        %scatter3A_691 = arith.constant 1120 : i32
        %scatter3A_692 = tpu.memref_slice %arg10[%scatter3A_691] : memref<74880xf32, #tpu.memory_space<vmem>> -> memref<73760xf32, #tpu.memory_space<vmem>>
        tpu.vector_store_idx %scatter3A_692[%add3A_125], %get3A_690 {add = true} : memref<73760xf32, #tpu.memory_space<vmem>>[vector<16xi32>], vector<16xf32>,
        %mul3A_693 = arith.constant 1152 : i32
        %mul3A_694 = arith.muli %scan3A_118, %mul3A_693 : i32
        %add3A_695 = arith.constant 1136 : i32
        %add3A_696 = arith.addi %mul3A_694, %add3A_695 : i32
        %get3A_697 = arith.index_cast %add3A_696 : i32 to index
        %get3A_698 = tpu.vector_load %arg9[%get3A_697] {strides = array<i32>} : memref<18432xf32, #tpu.memory_space<vmem>>, vector<16xf32>,
        %scatter3A_699 = arith.constant 1136 : i32
        %scatter3A_700 = tpu.memref_slice %arg10[%scatter3A_699] : memref<74880xf32, #tpu.memory_space<vmem>> -> memref<73744xf32, #tpu.memory_space<vmem>>
        tpu.vector_store_idx %scatter3A_700[%add3A_125], %get3A_698 {add = true} : memref<73744xf32, #tpu.memory_space<vmem>>[vector<16xi32>], vector<16xf32>,
      }
      %scan3A_99 = arith.constant 16 : i32
      %add3A_100 = arith.constant 2 : i32
      %add3A_101 = arith.addi %add3A_85, %add3A_100 : i32
      %min3A_102 = arith.constant 19 : i32
      %min3A_103 = arith.minsi %add3A_101, %min3A_102 : i32
      %mul3A_104 = arith.constant 16 : i32
      %mul3A_105 = arith.muli %min3A_103, %mul3A_104 : i32
      %add3A_106 = arith.addi %mul3A_2, %mul3A_105 : i32
      %mul3A_107 = arith.constant 16 : i32
      %mul3A_108 = arith.muli %add3A_106, %mul3A_107 : i32
      %dma_start3A_109 = tpu.memref_slice %arg3[%mul3A_108] : memref<163840xi32, #tpu.memory_space<hbm>> -> memref<256xi32, #tpu.memory_space<hbm>>
      %dma_start3A_110 = tpu.memref_slice %arg3[%mul3A_108] : memref<163840xi32, #tpu.memory_space<hbm>> -> memref<256xi32, #tpu.memory_space<hbm>>
      tpu.enqueue_dma source(%dma_start3A_110 : memref<256xi32, #tpu.memory_space<hbm>>) target(%arg7 : memref<256xi32, #tpu.memory_space<vmem>>) target_semaphore(%arg11 : memref<!tpu.dma_semaphore, #tpu.memory_space<semaphore_mem>>)
      %mul3A_111 = arith.constant 16 : i32
      %mul3A_112 = arith.muli %min3A_103, %mul3A_111 : i32
      %add3A_113 = arith.addi %mul3A_2, %mul3A_112 : i32
      %mul3A_114 = arith.constant 1152 : i32
      %mul3A_115 = arith.muli %add3A_113, %mul3A_114 : i32
      %dma_start3A_116 = tpu.memref_slice %arg2[%mul3A_115] : memref<11796480xf32, #tpu.memory_space<hbm>> -> memref<18432xf32, #tpu.memory_space<hbm>>
      %dma_start3A_117 = tpu.memref_slice %arg2[%mul3A_115] : memref<11796480xf32, #tpu.memory_space<hbm>> -> memref<18432xf32, #tpu.memory_space<hbm>>
      tpu.enqueue_dma source(%dma_start3A_117 : memref<18432xf32, #tpu.memory_space<hbm>>) target(%arg9 : memref<18432xf32, #tpu.memory_space<vmem>>) target_semaphore(%arg11 : memref<!tpu.dma_semaphore, #tpu.memory_space<semaphore_mem>>)
    }
    %scan3A_30 = arith.constant 10 : i32
    %dma_wait3A = arith.constant 0 : i32
    %dma_wait3A_31 = tpu.memref_slice %arg3[%dma_wait3A] : memref<163840xi32, #tpu.memory_space<hbm>> -> memref<256xi32, #tpu.memory_space<hbm>>
    %dma_wait3A_32 = arith.constant 0 : i32
    %dma_wait3A_33 = tpu.memref_slice %arg3[%dma_wait3A_32] : memref<163840xi32, #tpu.memory_space<hbm>> -> memref<256xi32, #tpu.memory_space<hbm>>
    tpu.wait_dma2 semaphore(%arg11 : memref<!tpu.dma_semaphore, #tpu.memory_space<semaphore_mem>>) src(%dma_wait3A_33 : memref<256xi32, #tpu.memory_space<hbm>>) dst(%arg6 : memref<256xi32, #tpu.memory_space<vmem>>)
    %dma_wait3A_34 = arith.constant 0 : i32
    %dma_wait3A_35 = tpu.memref_slice %arg2[%dma_wait3A_34] : memref<11796480xf32, #tpu.memory_space<hbm>> -> memref<18432xf32, #tpu.memory_space<hbm>>
    %dma_wait3A_36 = arith.constant 0 : i32
    %dma_wait3A_37 = tpu.memref_slice %arg2[%dma_wait3A_36] : memref<11796480xf32, #tpu.memory_space<hbm>> -> memref<18432xf32, #tpu.memory_space<hbm>>
    tpu.wait_dma2 semaphore(%arg11 : memref<!tpu.dma_semaphore, #tpu.memory_space<semaphore_mem>>) src(%dma_wait3A_37 : memref<18432xf32, #tpu.memory_space<hbm>>) dst(%arg8 : memref<18432xf32, #tpu.memory_space<vmem>>)
    %dma_wait3A_38 = arith.constant 0 : i32
    %dma_wait3A_39 = tpu.memref_slice %arg3[%dma_wait3A_38] : memref<163840xi32, #tpu.memory_space<hbm>> -> memref<256xi32, #tpu.memory_space<hbm>>
    %dma_wait3A_40 = arith.constant 0 : i32
    %dma_wait3A_41 = tpu.memref_slice %arg3[%dma_wait3A_40] : memref<163840xi32, #tpu.memory_space<hbm>> -> memref<256xi32, #tpu.memory_space<hbm>>
    tpu.wait_dma2 semaphore(%arg11 : memref<!tpu.dma_semaphore, #tpu.memory_space<semaphore_mem>>) src(%dma_wait3A_41 : memref<256xi32, #tpu.memory_space<hbm>>) dst(%arg7 : memref<256xi32, #tpu.memory_space<vmem>>)
    %dma_wait3A_42 = arith.constant 0 : i32
    %dma_wait3A_43 = tpu.memref_slice %arg2[%dma_wait3A_42] : memref<11796480xf32, #tpu.memory_space<hbm>> -> memref<18432xf32, #tpu.memory_space<hbm>>
    %dma_wait3A_44 = arith.constant 0 : i32
    %dma_wait3A_45 = tpu.memref_slice %arg2[%dma_wait3A_44] : memref<11796480xf32, #tpu.memory_space<hbm>> -> memref<18432xf32, #tpu.memory_space<hbm>>
    tpu.wait_dma2 semaphore(%arg11 : memref<!tpu.dma_semaphore, #tpu.memory_space<semaphore_mem>>) src(%dma_wait3A_45 : memref<18432xf32, #tpu.memory_space<hbm>>) dst(%arg9 : memref<18432xf32, #tpu.memory_space<vmem>>)
    "tpu.region"() ({
      %run_scoped3A = tpu.sem_alloc : memref<!tpu.dma_semaphore, #tpu.memory_space<semaphore_mem>>
      %dma_start3A_46 = arith.constant 0 : i32
      %dma_start3A_47 = tpu.memref_slice %arg5[%add3A, %dma_start3A_46] : memref<32x74880xf32, #tpu.memory_space<hbm>> -> memref<1x74880xf32, #tpu.memory_space<hbm>>
      %dma_start3A_48 = tpu.memref_squeeze %dma_start3A_47 : memref<1x74880xf32, #tpu.memory_space<hbm>> -> memref<74880xf32, #tpu.memory_space<hbm>>
      %dma_start3A_49 = arith.constant 0 : i32
      %dma_start3A_50 = tpu.memref_slice %arg5[%add3A, %dma_start3A_49] : memref<32x74880xf32, #tpu.memory_space<hbm>> -> memref<1x74880xf32, #tpu.memory_space<hbm>>
      %dma_start3A_51 = tpu.memref_squeeze %dma_start3A_50 : memref<1x74880xf32, #tpu.memory_space<hbm>> -> memref<74880xf32, #tpu.memory_space<hbm>>
      tpu.enqueue_dma source(%arg10 : memref<74880xf32, #tpu.memory_space<vmem>>) target(%dma_start3A_51 : memref<74880xf32, #tpu.memory_space<hbm>>) target_semaphore(%run_scoped3A : memref<!tpu.dma_semaphore, #tpu.memory_space<semaphore_mem>>)
      %dma_wait3A_52 = arith.constant 0 : i32
      %dma_wait3A_53 = tpu.memref_slice %arg5[%add3A, %dma_wait3A_52] : memref<32x74880xf32, #tpu.memory_space<hbm>> -> memref<1x74880xf32, #tpu.memory_space<hbm>>
      %dma_wait3A_54 = tpu.memref_squeeze %dma_wait3A_53 : memref<1x74880xf32, #tpu.memory_space<hbm>> -> memref<74880xf32, #tpu.memory_space<hbm>>
      %dma_wait3A_55 = arith.constant 0 : i32
      %dma_wait3A_56 = tpu.memref_slice %arg5[%add3A, %dma_wait3A_55] : memref<32x74880xf32, #tpu.memory_space<hbm>> -> memref<1x74880xf32, #tpu.memory_space<hbm>>
      %dma_wait3A_57 = tpu.memref_squeeze %dma_wait3A_56 : memref<1x74880xf32, #tpu.memory_space<hbm>> -> memref<74880xf32, #tpu.memory_space<hbm>>
      tpu.wait_dma2 semaphore(%run_scoped3A : memref<!tpu.dma_semaphore, #tpu.memory_space<semaphore_mem>>) src(%arg10 : memref<74880xf32, #tpu.memory_space<vmem>>) dst(%dma_wait3A_57 : memref<74880xf32, #tpu.memory_space<hbm>>)
      tpu.yield
    }) : () -> ()
    return
  }
}

module attributes {stable_mosaic.version = 14 : i64} {
  func.func @_encoder_kernel(%arg0: i32, %arg1: memref<1024x512xf32, #tpu.memory_space<vmem>>, %arg2: memref<512x512xf32, #tpu.memory_space<vmem>>, %arg3: memref<1x512xf32, #tpu.memory_space<vmem>>, %arg4: memref<512x512xf32, #tpu.memory_space<vmem>>, %arg5: memref<1x512xf32, #tpu.memory_space<vmem>>, %arg6: memref<1x512xf32, #tpu.memory_space<vmem>>, %arg7: memref<1xf32, #tpu.memory_space<smem>>, %arg8: memref<1024x1152xf32, #tpu.memory_space<vmem>>) attributes {dimension_semantics = [#tpu.dimension_semantics<arbitrary>], iteration_bounds = array<i64: 10>, scalar_prefetch = 0 : i64, scratch_operands = 0 : i64, tpu.core_type = #tpu.core_type<tc>, window_params = [{transform_indices = @transform_0, window_bounds = array<i64: 1024, 512>}, {pipeline_mode = #tpu.pipeline_mode<synchronous>, transform_indices = @transform_1, window_bounds = array<i64: 512, 512>}, {pipeline_mode = #tpu.pipeline_mode<synchronous>, transform_indices = @transform_2, window_bounds = array<i64: 1, 512>}, {pipeline_mode = #tpu.pipeline_mode<synchronous>, transform_indices = @transform_3, window_bounds = array<i64: 512, 512>}, {pipeline_mode = #tpu.pipeline_mode<synchronous>, transform_indices = @transform_4, window_bounds = array<i64: 1, 512>}, {pipeline_mode = #tpu.pipeline_mode<synchronous>, transform_indices = @transform_5, window_bounds = array<i64: 1, 512>}, {transform_indices = @transform_6, window_bounds = array<i64: 1>}, {transform_indices = @transform_7, window_bounds = array<i64: 1024, 1152>}]} {
    %get3A = arith.constant 0 : index
    %get3A_0 = arith.constant 0 : index
    %get3A_1 = vector.load %arg1[%get3A, %get3A_0] : memref<1024x512xf32, #tpu.memory_space<vmem>>, vector<1024x512xf32>
    %get3A_2 = arith.constant 0 : index
    %get3A_3 = arith.constant 0 : index
    %get3A_4 = vector.load %arg2[%get3A_2, %get3A_3] : memref<512x512xf32, #tpu.memory_space<vmem>>, vector<512x512xf32>
    %dot_general3A = arith.constant dense<0.000000e+00> : vector<1024x512xf32>
    %dot_general3A_5 = tpu.matmul %get3A_1, %get3A_4, %dot_general3A {dimension_numbers = #tpu.dot_dimension_numbers<[1], [1], [0], [0], [0, 0, 1, 0], [], []>, transpose_lhs_hint = false} : vector<1024x512xf32>, vector<512x512xf32>, vector<1024x512xf32> -> vector<1024x512xf32>
    %get3A_6 = arith.constant 0 : index
    %get3A_7 = arith.constant 0 : index
    %get3A_8 = vector.load %arg3[%get3A_6, %get3A_7] : memref<1x512xf32, #tpu.memory_space<vmem>>, vector<1x512xf32>
    %add3A = vector.broadcast %get3A_8 : vector<1x512xf32> to vector<1024x512xf32>
    %add3A_9 = arith.addf %dot_general3A_5, %add3A : vector<1024x512xf32>
    %max3A = arith.constant 0.000000e+00 : f32
    %max3A_10 = vector.broadcast %max3A : f32 to vector<1024x512xf32>
    %max3A_11 = arith.maximumf %add3A_9, %max3A_10 : vector<1024x512xf32>
    %get3A_12 = arith.constant 0 : index
    %get3A_13 = arith.constant 0 : index
    %get3A_14 = vector.load %arg4[%get3A_12, %get3A_13] : memref<512x512xf32, #tpu.memory_space<vmem>>, vector<512x512xf32>
    %dot_general3A_15 = arith.constant dense<0.000000e+00> : vector<1024x512xf32>
    %dot_general3A_16 = tpu.matmul %max3A_11, %get3A_14, %dot_general3A_15 {dimension_numbers = #tpu.dot_dimension_numbers<[1], [1], [0], [0], [0, 0, 1, 0], [], []>, transpose_lhs_hint = false} : vector<1024x512xf32>, vector<512x512xf32>, vector<1024x512xf32> -> vector<1024x512xf32>
    %get3A_17 = arith.constant 0 : index
    %get3A_18 = arith.constant 0 : index
    %get3A_19 = vector.load %arg5[%get3A_17, %get3A_18] : memref<1x512xf32, #tpu.memory_space<vmem>>, vector<1x512xf32>
    %add3A_20 = vector.broadcast %get3A_19 : vector<1x512xf32> to vector<1024x512xf32>
    %add3A_21 = arith.addf %dot_general3A_16, %add3A_20 : vector<1024x512xf32>
    %get3A_22 = arith.constant 0 : index
    %get3A_23 = arith.constant 0 : index
    %get3A_24 = vector.load %arg6[%get3A_22, %get3A_23] : memref<1x512xf32, #tpu.memory_space<vmem>>, vector<1x512xf32>
    %mul3A = vector.broadcast %get3A_24 : vector<1x512xf32> to vector<1024x512xf32>
    %mul3A_25 = arith.mulf %add3A_21, %mul3A : vector<1024x512xf32>
    %reduce_sum3A = arith.constant dense<0.000000e+00> : vector<1024xf32>
    %reduce_sum3A_26 = vector.multi_reduction <add>, %mul3A_25, %reduce_sum3A [1] : vector<1024x512xf32> to vector<1024xf32>
    %broadcast_in_dim3A = vector.shape_cast %reduce_sum3A_26 : vector<1024xf32> to vector<1024x1xf32>
    %get3A_27 = arith.constant 0 : index
    %get3A_28 = memref.load %arg7[%get3A_27] : memref<1xf32, #tpu.memory_space<smem>>
    %add3A_29 = vector.broadcast %get3A_28 : f32 to vector<1024x1xf32>
    %add3A_30 = arith.addf %broadcast_in_dim3A, %add3A_29 : vector<1024x1xf32>
    %mul3A_31 = arith.mulf %add3A_21, %add3A_21 : vector<1024x512xf32>
    %mul3A_32 = vector.broadcast %add3A_30 : vector<1024x1xf32> to vector<1024x512xf32>
    %mul3A_33 = arith.mulf %add3A_21, %mul3A_32 : vector<1024x512xf32>
    %mul3A_34 = arith.mulf %add3A_30, %add3A_30 : vector<1024x1xf32>
    %broadcast_in_dim3A_35 = vector.shape_cast %mul3A_34 : vector<1024x1xf32> to vector<1024x1xf32>
    %broadcast_in_dim3A_36 = vector.broadcast %broadcast_in_dim3A_35 : vector<1024x1xf32> to vector<1024x128xf32>
    %concatenate3A = tpu.concatenate %mul3A_31, %mul3A_33, %broadcast_in_dim3A_36 in 1 : vector<1024x512xf32>, vector<1024x512xf32>, vector<1024x128xf32> -> vector<1024x1152xf32>
    %swap3A = arith.constant 0 : index
    %swap3A_37 = arith.constant 0 : index
    %swap3A_38 = vector.load %arg8[%swap3A, %swap3A_37] : memref<1024x1152xf32, #tpu.memory_space<vmem>>, vector<1024x1152xf32>
    tpu.vector_store %arg8[%swap3A, %swap3A_37], %concatenate3A {strides = array<i32>} : memref<1024x1152xf32, #tpu.memory_space<vmem>>, vector<1024x1152xf32>,
    return
  }
  func.func @transform_0(%arg0: i32) -> (i32, i32) {
    %c0_i32 = arith.constant 0 : i32
    %c0_i32_0 = arith.constant 0 : i32
    return %arg0, %c0_i32 : i32, i32
  }
  func.func @transform_1(%arg0: i32) -> (i32, i32) {
    %c0_i32 = arith.constant 0 : i32
    %c0_i32_0 = arith.constant 0 : i32
    %c0_i32_1 = arith.constant 0 : i32
    return %c0_i32, %c0_i32_0 : i32, i32
  }
  func.func @transform_2(%arg0: i32) -> (i32, i32) {
    %c0_i32 = arith.constant 0 : i32
    %c0_i32_0 = arith.constant 0 : i32
    %c0_i32_1 = arith.constant 0 : i32
    return %c0_i32, %c0_i32_0 : i32, i32
  }
  func.func @transform_3(%arg0: i32) -> (i32, i32) {
    %c0_i32 = arith.constant 0 : i32
    %c0_i32_0 = arith.constant 0 : i32
    %c0_i32_1 = arith.constant 0 : i32
    return %c0_i32, %c0_i32_0 : i32, i32
  }
  func.func @transform_4(%arg0: i32) -> (i32, i32) {
    %c0_i32 = arith.constant 0 : i32
    %c0_i32_0 = arith.constant 0 : i32
    %c0_i32_1 = arith.constant 0 : i32
    return %c0_i32, %c0_i32_0 : i32, i32
  }
  func.func @transform_5(%arg0: i32) -> (i32, i32) {
    %c0_i32 = arith.constant 0 : i32
    %c0_i32_0 = arith.constant 0 : i32
    %c0_i32_1 = arith.constant 0 : i32
    return %c0_i32, %c0_i32_0 : i32, i32
  }
  func.func @transform_6(%arg0: i32) -> i32 {
    %c0_i32 = arith.constant 0 : i32
    %c0_i32_0 = arith.constant 0 : i32
    return %c0_i32 : i32
  }
  func.func @transform_7(%arg0: i32) -> (i32, i32) {
    %c0_i32 = arith.constant 0 : i32
    %c0_i32_0 = arith.constant 0 : i32
    return %arg0, %c0_i32 : i32, i32
  }
}

module attributes {stable_mosaic.version = 14 : i64} {
  func.func @_head_kernel(%arg0: memref<2080x1152xf32, #tpu.memory_space<vmem>>, %arg1: memref<1x4xf32, #tpu.memory_space<smem>>, %arg2: memref<1x1xf32, #tpu.memory_space<smem>>, %arg3: memref<2048x2048xf32, #tpu.memory_space<vmem>>, %arg4: memref<1x2048xf32, #tpu.memory_space<vmem>>, %arg5: memref<512x2048xf32, #tpu.memory_space<vmem>>, %arg6: memref<1x512xf32, #tpu.memory_space<vmem>>, %arg7: memref<64x512xf32, #tpu.memory_space<vmem>>) attributes {dimension_semantics = [], scalar_prefetch = 0 : i64, scratch_operands = 0 : i64, tpu.core_type = #tpu.core_type<tc>} {
    %get3A = arith.constant 0 : index
    %get3A_0 = arith.constant 0 : index
    %get3A_1 = vector.load %arg0[%get3A, %get3A_0] : memref<2080x1152xf32, #tpu.memory_space<vmem>>, vector<64x1152xf32>
    %get3A_2 = arith.constant 65 : index
    %get3A_3 = arith.constant 0 : index
    %get3A_4 = vector.load %arg0[%get3A_2, %get3A_3] : memref<2080x1152xf32, #tpu.memory_space<vmem>>, vector<64x1152xf32>
    %add3A = arith.addf %get3A_1, %get3A_4 : vector<64x1152xf32>
    %get3A_5 = arith.constant 130 : index
    %get3A_6 = arith.constant 0 : index
    %get3A_7 = vector.load %arg0[%get3A_5, %get3A_6] : memref<2080x1152xf32, #tpu.memory_space<vmem>>, vector<64x1152xf32>
    %add3A_8 = arith.addf %add3A, %get3A_7 : vector<64x1152xf32>
    %get3A_9 = arith.constant 195 : index
    %get3A_10 = arith.constant 0 : index
    %get3A_11 = vector.load %arg0[%get3A_9, %get3A_10] : memref<2080x1152xf32, #tpu.memory_space<vmem>>, vector<64x1152xf32>
    %add3A_12 = arith.addf %add3A_8, %get3A_11 : vector<64x1152xf32>
    %get3A_13 = arith.constant 260 : index
    %get3A_14 = arith.constant 0 : index
    %get3A_15 = vector.load %arg0[%get3A_13, %get3A_14] : memref<2080x1152xf32, #tpu.memory_space<vmem>>, vector<64x1152xf32>
    %add3A_16 = arith.addf %add3A_12, %get3A_15 : vector<64x1152xf32>
    %get3A_17 = arith.constant 325 : index
    %get3A_18 = arith.constant 0 : index
    %get3A_19 = vector.load %arg0[%get3A_17, %get3A_18] : memref<2080x1152xf32, #tpu.memory_space<vmem>>, vector<64x1152xf32>
    %add3A_20 = arith.addf %add3A_16, %get3A_19 : vector<64x1152xf32>
    %get3A_21 = arith.constant 390 : index
    %get3A_22 = arith.constant 0 : index
    %get3A_23 = vector.load %arg0[%get3A_21, %get3A_22] : memref<2080x1152xf32, #tpu.memory_space<vmem>>, vector<64x1152xf32>
    %add3A_24 = arith.addf %add3A_20, %get3A_23 : vector<64x1152xf32>
    %get3A_25 = arith.constant 455 : index
    %get3A_26 = arith.constant 0 : index
    %get3A_27 = vector.load %arg0[%get3A_25, %get3A_26] : memref<2080x1152xf32, #tpu.memory_space<vmem>>, vector<64x1152xf32>
    %add3A_28 = arith.addf %add3A_24, %get3A_27 : vector<64x1152xf32>
    %get3A_29 = arith.constant 520 : index
    %get3A_30 = arith.constant 0 : index
    %get3A_31 = vector.load %arg0[%get3A_29, %get3A_30] : memref<2080x1152xf32, #tpu.memory_space<vmem>>, vector<64x1152xf32>
    %add3A_32 = arith.addf %add3A_28, %get3A_31 : vector<64x1152xf32>
    %get3A_33 = arith.constant 585 : index
    %get3A_34 = arith.constant 0 : index
    %get3A_35 = vector.load %arg0[%get3A_33, %get3A_34] : memref<2080x1152xf32, #tpu.memory_space<vmem>>, vector<64x1152xf32>
    %add3A_36 = arith.addf %add3A_32, %get3A_35 : vector<64x1152xf32>
    %get3A_37 = arith.constant 650 : index
    %get3A_38 = arith.constant 0 : index
    %get3A_39 = vector.load %arg0[%get3A_37, %get3A_38] : memref<2080x1152xf32, #tpu.memory_space<vmem>>, vector<64x1152xf32>
    %add3A_40 = arith.addf %add3A_36, %get3A_39 : vector<64x1152xf32>
    %get3A_41 = arith.constant 715 : index
    %get3A_42 = arith.constant 0 : index
    %get3A_43 = vector.load %arg0[%get3A_41, %get3A_42] : memref<2080x1152xf32, #tpu.memory_space<vmem>>, vector<64x1152xf32>
    %add3A_44 = arith.addf %add3A_40, %get3A_43 : vector<64x1152xf32>
    %get3A_45 = arith.constant 780 : index
    %get3A_46 = arith.constant 0 : index
    %get3A_47 = vector.load %arg0[%get3A_45, %get3A_46] : memref<2080x1152xf32, #tpu.memory_space<vmem>>, vector<64x1152xf32>
    %add3A_48 = arith.addf %add3A_44, %get3A_47 : vector<64x1152xf32>
    %get3A_49 = arith.constant 845 : index
    %get3A_50 = arith.constant 0 : index
    %get3A_51 = vector.load %arg0[%get3A_49, %get3A_50] : memref<2080x1152xf32, #tpu.memory_space<vmem>>, vector<64x1152xf32>
    %add3A_52 = arith.addf %add3A_48, %get3A_51 : vector<64x1152xf32>
    %get3A_53 = arith.constant 910 : index
    %get3A_54 = arith.constant 0 : index
    %get3A_55 = vector.load %arg0[%get3A_53, %get3A_54] : memref<2080x1152xf32, #tpu.memory_space<vmem>>, vector<64x1152xf32>
    %add3A_56 = arith.addf %add3A_52, %get3A_55 : vector<64x1152xf32>
    %get3A_57 = arith.constant 975 : index
    %get3A_58 = arith.constant 0 : index
    %get3A_59 = vector.load %arg0[%get3A_57, %get3A_58] : memref<2080x1152xf32, #tpu.memory_space<vmem>>, vector<64x1152xf32>
    %add3A_60 = arith.addf %add3A_56, %get3A_59 : vector<64x1152xf32>
    %get3A_61 = arith.constant 1040 : index
    %get3A_62 = arith.constant 0 : index
    %get3A_63 = vector.load %arg0[%get3A_61, %get3A_62] : memref<2080x1152xf32, #tpu.memory_space<vmem>>, vector<64x1152xf32>
    %add3A_64 = arith.addf %add3A_60, %get3A_63 : vector<64x1152xf32>
    %get3A_65 = arith.constant 1105 : index
    %get3A_66 = arith.constant 0 : index
    %get3A_67 = vector.load %arg0[%get3A_65, %get3A_66] : memref<2080x1152xf32, #tpu.memory_space<vmem>>, vector<64x1152xf32>
    %add3A_68 = arith.addf %add3A_64, %get3A_67 : vector<64x1152xf32>
    %get3A_69 = arith.constant 1170 : index
    %get3A_70 = arith.constant 0 : index
    %get3A_71 = vector.load %arg0[%get3A_69, %get3A_70] : memref<2080x1152xf32, #tpu.memory_space<vmem>>, vector<64x1152xf32>
    %add3A_72 = arith.addf %add3A_68, %get3A_71 : vector<64x1152xf32>
    %get3A_73 = arith.constant 1235 : index
    %get3A_74 = arith.constant 0 : index
    %get3A_75 = vector.load %arg0[%get3A_73, %get3A_74] : memref<2080x1152xf32, #tpu.memory_space<vmem>>, vector<64x1152xf32>
    %add3A_76 = arith.addf %add3A_72, %get3A_75 : vector<64x1152xf32>
    %get3A_77 = arith.constant 1300 : index
    %get3A_78 = arith.constant 0 : index
    %get3A_79 = vector.load %arg0[%get3A_77, %get3A_78] : memref<2080x1152xf32, #tpu.memory_space<vmem>>, vector<64x1152xf32>
    %add3A_80 = arith.addf %add3A_76, %get3A_79 : vector<64x1152xf32>
    %get3A_81 = arith.constant 1365 : index
    %get3A_82 = arith.constant 0 : index
    %get3A_83 = vector.load %arg0[%get3A_81, %get3A_82] : memref<2080x1152xf32, #tpu.memory_space<vmem>>, vector<64x1152xf32>
    %add3A_84 = arith.addf %add3A_80, %get3A_83 : vector<64x1152xf32>
    %get3A_85 = arith.constant 1430 : index
    %get3A_86 = arith.constant 0 : index
    %get3A_87 = vector.load %arg0[%get3A_85, %get3A_86] : memref<2080x1152xf32, #tpu.memory_space<vmem>>, vector<64x1152xf32>
    %add3A_88 = arith.addf %add3A_84, %get3A_87 : vector<64x1152xf32>
    %get3A_89 = arith.constant 1495 : index
    %get3A_90 = arith.constant 0 : index
    %get3A_91 = vector.load %arg0[%get3A_89, %get3A_90] : memref<2080x1152xf32, #tpu.memory_space<vmem>>, vector<64x1152xf32>
    %add3A_92 = arith.addf %add3A_88, %get3A_91 : vector<64x1152xf32>
    %get3A_93 = arith.constant 1560 : index
    %get3A_94 = arith.constant 0 : index
    %get3A_95 = vector.load %arg0[%get3A_93, %get3A_94] : memref<2080x1152xf32, #tpu.memory_space<vmem>>, vector<64x1152xf32>
    %add3A_96 = arith.addf %add3A_92, %get3A_95 : vector<64x1152xf32>
    %get3A_97 = arith.constant 1625 : index
    %get3A_98 = arith.constant 0 : index
    %get3A_99 = vector.load %arg0[%get3A_97, %get3A_98] : memref<2080x1152xf32, #tpu.memory_space<vmem>>, vector<64x1152xf32>
    %add3A_100 = arith.addf %add3A_96, %get3A_99 : vector<64x1152xf32>
    %get3A_101 = arith.constant 1690 : index
    %get3A_102 = arith.constant 0 : index
    %get3A_103 = vector.load %arg0[%get3A_101, %get3A_102] : memref<2080x1152xf32, #tpu.memory_space<vmem>>, vector<64x1152xf32>
    %add3A_104 = arith.addf %add3A_100, %get3A_103 : vector<64x1152xf32>
    %get3A_105 = arith.constant 1755 : index
    %get3A_106 = arith.constant 0 : index
    %get3A_107 = vector.load %arg0[%get3A_105, %get3A_106] : memref<2080x1152xf32, #tpu.memory_space<vmem>>, vector<64x1152xf32>
    %add3A_108 = arith.addf %add3A_104, %get3A_107 : vector<64x1152xf32>
    %get3A_109 = arith.constant 1820 : index
    %get3A_110 = arith.constant 0 : index
    %get3A_111 = vector.load %arg0[%get3A_109, %get3A_110] : memref<2080x1152xf32, #tpu.memory_space<vmem>>, vector<64x1152xf32>
    %add3A_112 = arith.addf %add3A_108, %get3A_111 : vector<64x1152xf32>
    %get3A_113 = arith.constant 1885 : index
    %get3A_114 = arith.constant 0 : index
    %get3A_115 = vector.load %arg0[%get3A_113, %get3A_114] : memref<2080x1152xf32, #tpu.memory_space<vmem>>, vector<64x1152xf32>
    %add3A_116 = arith.addf %add3A_112, %get3A_115 : vector<64x1152xf32>
    %get3A_117 = arith.constant 1950 : index
    %get3A_118 = arith.constant 0 : index
    %get3A_119 = vector.load %arg0[%get3A_117, %get3A_118] : memref<2080x1152xf32, #tpu.memory_space<vmem>>, vector<64x1152xf32>
    %add3A_120 = arith.addf %add3A_116, %get3A_119 : vector<64x1152xf32>
    %get3A_121 = arith.constant 2015 : index
    %get3A_122 = arith.constant 0 : index
    %get3A_123 = vector.load %arg0[%get3A_121, %get3A_122] : memref<2080x1152xf32, #tpu.memory_space<vmem>>, vector<64x1152xf32>
    %add3A_124 = arith.addf %add3A_120, %get3A_123 : vector<64x1152xf32>
    %slice3A = vector.extract_strided_slice %add3A_124 {offsets = [0, 0], sizes = [64, 512], strides = [1, 1]} : vector<64x1152xf32> to vector<64x512xf32>
    %slice3A_125 = vector.extract_strided_slice %add3A_124 {offsets = [0, 512], sizes = [64, 512], strides = [1, 1]} : vector<64x1152xf32> to vector<64x512xf32>
    %slice3A_126 = vector.extract_strided_slice %add3A_124 {offsets = [0, 1024], sizes = [64, 1], strides = [1, 1]} : vector<64x1152xf32> to vector<64x1xf32>
    %get3A_127 = arith.constant 0 : index
    %get3A_128 = arith.constant 0 : index
    %get3A_129 = memref.load %arg2[%get3A_127, %get3A_128] : memref<1x1xf32, #tpu.memory_space<smem>>
    %div3A = arith.constant 1.000000e+00 : f32
    %div3A_130 = arith.divf %div3A, %get3A_129 : f32
    %get3A_131 = arith.constant 0 : index
    %get3A_132 = arith.constant 0 : index
    %get3A_133 = memref.load %arg1[%get3A_131, %get3A_132] : memref<1x4xf32, #tpu.memory_space<smem>>
    %mul3A = arith.constant 2.000000e+00 : f32
    %mul3A_134 = arith.mulf %mul3A, %get3A_133 : f32
    %mul3A_135 = vector.broadcast %mul3A_134 : f32 to vector<64x512xf32>
    %mul3A_136 = arith.mulf %mul3A_135, %slice3A_125 : vector<64x512xf32>
    %sub3A = arith.subf %slice3A, %mul3A_136 : vector<64x512xf32>
    %mul3A_137 = arith.mulf %get3A_133, %get3A_133 : f32
    %mul3A_138 = vector.broadcast %mul3A_137 : f32 to vector<64x1xf32>
    %mul3A_139 = arith.mulf %mul3A_138, %slice3A_126 : vector<64x1xf32>
    %add3A_140 = vector.broadcast %mul3A_139 : vector<64x1xf32> to vector<64x512xf32>
    %add3A_141 = arith.addf %sub3A, %add3A_140 : vector<64x512xf32>
    %max3A = arith.constant 0.000000e+00 : f32
    %max3A_142 = vector.broadcast %max3A : f32 to vector<64x512xf32>
    %max3A_143 = arith.maximumf %add3A_141, %max3A_142 : vector<64x512xf32>
    %sqrt3A = math.sqrt %max3A_143 : vector<64x512xf32>
    %neg3A = arith.constant 0.000000e+00 : f32
    %neg3A_144 = vector.broadcast %neg3A : f32 to vector<64x512xf32>
    %neg3A_145 = arith.subf %neg3A_144, %sqrt3A : vector<64x512xf32>
    %mul3A_146 = vector.broadcast %div3A_130 : f32 to vector<64x512xf32>
    %mul3A_147 = arith.mulf %neg3A_145, %mul3A_146 : vector<64x512xf32>
    %exp3A = math.exp %mul3A_147 : vector<64x512xf32>
    %get3A_148 = arith.constant 0 : index
    %get3A_149 = arith.constant 1 : index
    %get3A_150 = memref.load %arg1[%get3A_148, %get3A_149] : memref<1x4xf32, #tpu.memory_space<smem>>
    %mul3A_151 = arith.constant 2.000000e+00 : f32
    %mul3A_152 = arith.mulf %mul3A_151, %get3A_150 : f32
    %mul3A_153 = vector.broadcast %mul3A_152 : f32 to vector<64x512xf32>
    %mul3A_154 = arith.mulf %mul3A_153, %slice3A_125 : vector<64x512xf32>
    %sub3A_155 = arith.subf %slice3A, %mul3A_154 : vector<64x512xf32>
    %mul3A_156 = arith.mulf %get3A_150, %get3A_150 : f32
    %mul3A_157 = vector.broadcast %mul3A_156 : f32 to vector<64x1xf32>
    %mul3A_158 = arith.mulf %mul3A_157, %slice3A_126 : vector<64x1xf32>
    %add3A_159 = vector.broadcast %mul3A_158 : vector<64x1xf32> to vector<64x512xf32>
    %add3A_160 = arith.addf %sub3A_155, %add3A_159 : vector<64x512xf32>
    %max3A_161 = arith.constant 0.000000e+00 : f32
    %max3A_162 = vector.broadcast %max3A_161 : f32 to vector<64x512xf32>
    %max3A_163 = arith.maximumf %add3A_160, %max3A_162 : vector<64x512xf32>
    %sqrt3A_164 = math.sqrt %max3A_163 : vector<64x512xf32>
    %neg3A_165 = arith.constant 0.000000e+00 : f32
    %neg3A_166 = vector.broadcast %neg3A_165 : f32 to vector<64x512xf32>
    %neg3A_167 = arith.subf %neg3A_166, %sqrt3A_164 : vector<64x512xf32>
    %mul3A_168 = vector.broadcast %div3A_130 : f32 to vector<64x512xf32>
    %mul3A_169 = arith.mulf %neg3A_167, %mul3A_168 : vector<64x512xf32>
    %exp3A_170 = math.exp %mul3A_169 : vector<64x512xf32>
    %get3A_171 = arith.constant 0 : index
    %get3A_172 = arith.constant 2 : index
    %get3A_173 = memref.load %arg1[%get3A_171, %get3A_172] : memref<1x4xf32, #tpu.memory_space<smem>>
    %mul3A_174 = arith.constant 2.000000e+00 : f32
    %mul3A_175 = arith.mulf %mul3A_174, %get3A_173 : f32
    %mul3A_176 = vector.broadcast %mul3A_175 : f32 to vector<64x512xf32>
    %mul3A_177 = arith.mulf %mul3A_176, %slice3A_125 : vector<64x512xf32>
    %sub3A_178 = arith.subf %slice3A, %mul3A_177 : vector<64x512xf32>
    %mul3A_179 = arith.mulf %get3A_173, %get3A_173 : f32
    %mul3A_180 = vector.broadcast %mul3A_179 : f32 to vector<64x1xf32>
    %mul3A_181 = arith.mulf %mul3A_180, %slice3A_126 : vector<64x1xf32>
    %add3A_182 = vector.broadcast %mul3A_181 : vector<64x1xf32> to vector<64x512xf32>
    %add3A_183 = arith.addf %sub3A_178, %add3A_182 : vector<64x512xf32>
    %max3A_184 = arith.constant 0.000000e+00 : f32
    %max3A_185 = vector.broadcast %max3A_184 : f32 to vector<64x512xf32>
    %max3A_186 = arith.maximumf %add3A_183, %max3A_185 : vector<64x512xf32>
    %sqrt3A_187 = math.sqrt %max3A_186 : vector<64x512xf32>
    %neg3A_188 = arith.constant 0.000000e+00 : f32
    %neg3A_189 = vector.broadcast %neg3A_188 : f32 to vector<64x512xf32>
    %neg3A_190 = arith.subf %neg3A_189, %sqrt3A_187 : vector<64x512xf32>
    %mul3A_191 = vector.broadcast %div3A_130 : f32 to vector<64x512xf32>
    %mul3A_192 = arith.mulf %neg3A_190, %mul3A_191 : vector<64x512xf32>
    %exp3A_193 = math.exp %mul3A_192 : vector<64x512xf32>
    %get3A_194 = arith.constant 0 : index
    %get3A_195 = arith.constant 3 : index
    %get3A_196 = memref.load %arg1[%get3A_194, %get3A_195] : memref<1x4xf32, #tpu.memory_space<smem>>
    %mul3A_197 = arith.constant 2.000000e+00 : f32
    %mul3A_198 = arith.mulf %mul3A_197, %get3A_196 : f32
    %mul3A_199 = vector.broadcast %mul3A_198 : f32 to vector<64x512xf32>
    %mul3A_200 = arith.mulf %mul3A_199, %slice3A_125 : vector<64x512xf32>
    %sub3A_201 = arith.subf %slice3A, %mul3A_200 : vector<64x512xf32>
    %mul3A_202 = arith.mulf %get3A_196, %get3A_196 : f32
    %mul3A_203 = vector.broadcast %mul3A_202 : f32 to vector<64x1xf32>
    %mul3A_204 = arith.mulf %mul3A_203, %slice3A_126 : vector<64x1xf32>
    %add3A_205 = vector.broadcast %mul3A_204 : vector<64x1xf32> to vector<64x512xf32>
    %add3A_206 = arith.addf %sub3A_201, %add3A_205 : vector<64x512xf32>
    %max3A_207 = arith.constant 0.000000e+00 : f32
    %max3A_208 = vector.broadcast %max3A_207 : f32 to vector<64x512xf32>
    %max3A_209 = arith.maximumf %add3A_206, %max3A_208 : vector<64x512xf32>
    %sqrt3A_210 = math.sqrt %max3A_209 : vector<64x512xf32>
    %neg3A_211 = arith.constant 0.000000e+00 : f32
    %neg3A_212 = vector.broadcast %neg3A_211 : f32 to vector<64x512xf32>
    %neg3A_213 = arith.subf %neg3A_212, %sqrt3A_210 : vector<64x512xf32>
    %mul3A_214 = vector.broadcast %div3A_130 : f32 to vector<64x512xf32>
    %mul3A_215 = arith.mulf %neg3A_213, %mul3A_214 : vector<64x512xf32>
    %exp3A_216 = math.exp %mul3A_215 : vector<64x512xf32>
    %concatenate3A = tpu.concatenate %exp3A, %exp3A_170, %exp3A_193, %exp3A_216 in 1 : vector<64x512xf32>, vector<64x512xf32>, vector<64x512xf32>, vector<64x512xf32> -> vector<64x2048xf32>
    %mul3A_217 = arith.mulf %concatenate3A, %concatenate3A : vector<64x2048xf32>
    %reduce_sum3A = arith.constant dense<0.000000e+00> : vector<64xf32>
    %reduce_sum3A_218 = vector.multi_reduction <add>, %mul3A_217, %reduce_sum3A [1] : vector<64x2048xf32> to vector<64xf32>
    %broadcast_in_dim3A = vector.shape_cast %reduce_sum3A_218 : vector<64xf32> to vector<64x1xf32>
    %sqrt3A_219 = math.sqrt %broadcast_in_dim3A : vector<64x1xf32>
    %max3A_220 = arith.constant 9.99999996E-13 : f32
    %max3A_221 = vector.broadcast %max3A_220 : f32 to vector<64x1xf32>
    %max3A_222 = arith.maximumf %sqrt3A_219, %max3A_221 : vector<64x1xf32>
    %div3A_223 = arith.constant 1.000000e+00 : f32
    %div3A_224 = vector.broadcast %div3A_223 : f32 to vector<64x1xf32>
    %div3A_225 = arith.divf %div3A_224, %max3A_222 : vector<64x1xf32>
    %mul3A_226 = vector.broadcast %div3A_225 : vector<64x1xf32> to vector<64x2048xf32>
    %mul3A_227 = arith.mulf %concatenate3A, %mul3A_226 : vector<64x2048xf32>
    %get3A_228 = arith.constant 0 : index
    %get3A_229 = arith.constant 0 : index
    %get3A_230 = vector.load %arg3[%get3A_228, %get3A_229] : memref<2048x2048xf32, #tpu.memory_space<vmem>>, vector<2048x2048xf32>
    %dot_general3A = arith.constant dense<0.000000e+00> : vector<64x2048xf32>
    %dot_general3A_231 = tpu.matmul %mul3A_227, %get3A_230, %dot_general3A {dimension_numbers = #tpu.dot_dimension_numbers<[1], [1], [0], [0], [0, 0, 1, 0], [], []>, transpose_lhs_hint = false} : vector<64x2048xf32>, vector<2048x2048xf32>, vector<64x2048xf32> -> vector<64x2048xf32>
    %get3A_232 = arith.constant 0 : index
    %get3A_233 = arith.constant 0 : index
    %get3A_234 = vector.load %arg4[%get3A_232, %get3A_233] : memref<1x2048xf32, #tpu.memory_space<vmem>>, vector<1x2048xf32>
    %add3A_235 = vector.broadcast %get3A_234 : vector<1x2048xf32> to vector<64x2048xf32>
    %add3A_236 = arith.addf %dot_general3A_231, %add3A_235 : vector<64x2048xf32>
    %max3A_237 = arith.constant 0.000000e+00 : f32
    %max3A_238 = vector.broadcast %max3A_237 : f32 to vector<64x2048xf32>
    %max3A_239 = arith.maximumf %add3A_236, %max3A_238 : vector<64x2048xf32>
    %get3A_240 = arith.constant 0 : index
    %get3A_241 = arith.constant 0 : index
    %get3A_242 = vector.load %arg5[%get3A_240, %get3A_241] : memref<512x2048xf32, #tpu.memory_space<vmem>>, vector<512x2048xf32>
    %dot_general3A_243 = arith.constant dense<0.000000e+00> : vector<64x512xf32>
    %dot_general3A_244 = tpu.matmul %max3A_239, %get3A_242, %dot_general3A_243 {dimension_numbers = #tpu.dot_dimension_numbers<[1], [1], [0], [0], [0, 0, 1, 0], [], []>, transpose_lhs_hint = false} : vector<64x2048xf32>, vector<512x2048xf32>, vector<64x512xf32> -> vector<64x512xf32>
    %get3A_245 = arith.constant 0 : index
    %get3A_246 = arith.constant 0 : index
    %get3A_247 = vector.load %arg6[%get3A_245, %get3A_246] : memref<1x512xf32, #tpu.memory_space<vmem>>, vector<1x512xf32>
    %add3A_248 = vector.broadcast %get3A_247 : vector<1x512xf32> to vector<64x512xf32>
    %add3A_249 = arith.addf %dot_general3A_244, %add3A_248 : vector<64x512xf32>
    %swap3A = arith.constant 0 : index
    %swap3A_250 = arith.constant 0 : index
    %swap3A_251 = vector.load %arg7[%swap3A, %swap3A_250] : memref<64x512xf32, #tpu.memory_space<vmem>>, vector<64x512xf32>
    tpu.vector_store %arg7[%swap3A, %swap3A_250], %add3A_249 {strides = array<i32>} : memref<64x512xf32, #tpu.memory_space<vmem>>, vector<64x512xf32>,
    return
  }
}

</mosaic_0001>

<sc_bundles>
// kernel: kernel.5.cloned.1.call-start
scs
__scs_entry_jumppad:
0x0: {  	(pc) =	sbr.rel $0x88, $3  }
0x1: {  	(tag) =	ssettag $0x0;
	lr =	simm.s32 $0x1  }
0x2: {  	[smem:$0x3F93] =	sst lr;
	_ =	strace $0xD0000000  }
0x3: {  	_ = 	snop  }
0x4: {  	_ = 	snop  }
0x5: {  	_ = 	snop  }
0x6: {  	_ = 	snop  }
0x7: {  	_ = 	snop  }
__scs_overlays_trampoline_lowered:
0x8: {  	[smem:$0x3FA2] =	sst s0  }
0x9: {  	[smem:$0x3FA3] =	sst s1  }
0xa: {  	[smem:$0x3FA4] =	sst s2  }
0xb: {  	[smem:$0x3FA5] =	sst s3  }
0xc: {  	[smem:$0x3FA6] =	sst s4  }
0xd: {  	[smem:$0x3FA7] =	sst s5  }
0xe: {  	[smem:$0x3FA8] =	sst s6  }
0xf: {  	[smem:$0x3FA9] =	sst s7  }
0x10: {  	[smem:$0x3FAA] =	sst s8  }
0x11: {  	[smem:$0x3FAB] =	sst s9;
	s0 =	simm.s32 @!p0 $0x0  }
0x12: {  	s1 =	sld [smem:$0x3F91];
	s0 =	simm.s32 @p0 $0x1  }
0x13: {  	[smem:$0x3FAC] =	sst s0;
	s0 =	simm.s32 @!p1 $0x0  }
0x14: {  	s2 =	sld [smem:$0x3F90];
	s0 =	simm.s32 @p1 $0x1  }
0x15: {  	[smem:$0x3FAD] =	sst s0;
	s0 =	simm.s32 @!p2 $0x0  }
0x16: {  	s3 =	sld [smem:$0x3FDB];
	s0 =	simm.s32 @p2 $0x1  }
0x17: {  	s4 =	simm.s32 $0x1BF5;
	[smem:$0x3FAF] =	sst s0  }
0x18: {  	s0 =	sld [smem:$0x3F92];
	_ =	swait.ge [sflag:s4], $0x0  }
0x19: {  	s7 =	sld [smem:$0x3F93]  }
0x1a: {  	s8 =	sadd.s32 $0xFFFFE003, lr  }
0x1b: {  	s9 =	sadd.s32 $0xFFFFFEF7, lr;
	s5 =	simm.s32 $0xFFFFFFFF;
	p2 =	slt.u32 s8, $0xFFFFF086  }
0x1c: {  	p1 =	slt.u32 s9, $0xF7A;
	s5 =	simm.s32 @!p2 $0x0  }
0x1d: {  	s5 =	simm.s32 @p1 $0x1;
	p0 =	seq.s32 s7, s2  }
0x1e: {  	s7 =	smul.u32 @!p0 $0xF7A, s2;
	p2 =	seq.s32 @!p0 s5, $0x0  }
0x1f: {  	s9 =	smul.u32 $0xF7A, s1;
	s8 =	simm.s32 @!p0 $0x1BF5;
	p2 =	por !p2, p0  }
0x20: {  	[sflag:s8] =	ssyncset.s32 @!p0 $0xFFFFF086;
	s6 =	sadd.s32 @!p0 s3, s7;
	s7 =	simm.s32 @!p0 $0x108  }
0x21: {  	s3 =	sadd.s32 s3, s9;
	s6 =	sadd.s32 @!p0 $0x88, s6;
	s7 =	simm.s32 @p2 $0x1082  }
0x22: {  	[simem:s7], [sflag:s8] =	dma.local @!p0 [hbm:s6], $0xF7A  }
0x23: {  	s9 =	sor.u32 $0xD0000000, s2;
	s6 =	simm.s32 $0x108;
	_ =	swait.ge @!p0 [sflag:s8], $0x0  }
0x24: {  	s3 =	sadd.s32 $0x88, s3;
	s6 =	simm.s32 @!p1 $0x1082;
	[sflag:s4] =	ssyncset.s32 $0xFFFFF086  }
0x25: {  	[simem:s6], [sflag:s4] =	dma.local [hbm:s3], $0xF7A  }
0x26: {  	[smem:$0x3F93] =	sst s1;
	(tag) =	ssettag s2;
	_ =	strace s9  }
0x27: {  	s1 =	sld [smem:$0x3FA3]  }
0x28: {  	s2 =	sld [smem:$0x3FA4]  }
0x29: {  	s4 =	sld [smem:$0x3FA6]  }
0x2a: {  	p0 =	seq.s32 s5, $0x0;
	s5 =	sld [smem:$0x3FA7]  }
0x2b: {  	s6 =	sld [smem:$0x3FA8]  }
0x2c: {  	s7 =	sld [smem:$0x3FA9]  }
0x2d: {  	s3 =	simm.s32 $0x108;
	s8 =	sld [smem:$0x3FAA]  }
0x2e: {  	s3 =	simm.s32 @!p0 $0x1082;
	s9 =	sld [smem:$0x3FAB]  }
0x2f: {  	lr =	sadd.s32 s0, s3;
	s0 =	sld [smem:$0x3FA2]  }
0x30: {  	s3 =	sld [smem:$0x3FA5]  }
0x31: {  	[smem:$0x3FAE] =	sst s10  }
0x32: {  	s10 =	sld [smem:$0x3FAC];
	_ =	sdelay $0x3  }
0x33: {  	p0 =	seq.s32 s10, $0x1;
	s10 =	sld [smem:$0x3FAE];
	_ =	sdelay $0x3  }
0x34: {  	[smem:$0x3FAE] =	sst s10  }
0x35: {  	s10 =	sld [smem:$0x3FAD];
	_ =	sdelay $0x3  }
0x36: {  	p1 =	seq.s32 s10, $0x1;
	s10 =	sld [smem:$0x3FAE];
	_ =	sdelay $0x3  }
0x37: {  	[smem:$0x3FAE] =	sst s10  }
0x38: {  	s10 =	sld [smem:$0x3FAF]  }
0x39: {  	_ = 	snop;
	(pc) =	sbr.ind lr, $3  }
0x3a: {  	_ = 	snop  }
0x3b: {  	_ = 	snop  }
0x3c: {  	p2 =	seq.s32 s10, $0x1;
	s10 =	sld [smem:$0x3FAE]  }
0x3d: {  	_ =	shalt  }
0x3e: {  	_ =	shalt  }
0x3f: {  	_ =	shalt  }
0x40: {  	_ =	shalt  }
0x41: {  	_ =	shalt  }
0x42: {  	_ =	shalt  }
0x43: {  	_ =	shalt  }
0x44: {  	_ =	shalt  }
0x45: {  	_ =	shalt  }
0x46: {  	_ =	shalt  }
0x47: {  	_ =	shalt  }
0x48: {  	_ =	shalt  }
0x49: {  	_ =	shalt  }
0x4a: {  	_ =	shalt  }
0x4b: {  	_ =	shalt  }
0x4c: {  	_ =	shalt  }
0x4d: {  	_ =	shalt  }
0x4e: {  	_ =	shalt  }
0x4f: {  	_ =	shalt  }
0x50: {  	_ =	shalt  }
0x51: {  	_ =	shalt  }
0x52: {  	_ =	shalt  }
0x53: {  	_ =	shalt  }
0x54: {  	_ =	shalt  }
0x55: {  	_ =	shalt  }
0x56: {  	_ =	shalt  }
0x57: {  	_ =	shalt  }
0x58: {  	_ =	shalt  }
0x59: {  	_ =	shalt  }
0x5a: {  	_ =	shalt  }
0x5b: {  	_ =	shalt  }
0x5c: {  	_ =	shalt  }
0x5d: {  	_ =	shalt  }
0x5e: {  	_ =	shalt  }
0x5f: {  	_ =	shalt  }
0x60: {  	_ =	shalt  }
0x61: {  	_ =	shalt  }
0x62: {  	_ =	shalt  }
0x63: {  	_ =	shalt  }
0x64: {  	_ =	shalt  }
0x65: {  	_ =	shalt  }
0x66: {  	_ =	shalt  }
0x67: {  	_ =	shalt  }
0x68: {  	_ =	shalt  }
0x69: {  	_ =	shalt  }
0x6a: {  	_ =	shalt  }
0x6b: {  	_ =	shalt  }
0x6c: {  	_ =	shalt  }
0x6d: {  	_ =	shalt  }
0x6e: {  	_ =	shalt  }
0x6f: {  	_ =	shalt  }
0x70: {  	_ =	shalt  }
0x71: {  	_ =	shalt  }
0x72: {  	_ =	shalt  }
0x73: {  	_ =	shalt  }
0x74: {  	_ =	shalt  }
0x75: {  	_ =	shalt  }
0x76: {  	_ =	shalt  }
0x77: {  	_ =	shalt  }
0x78: {  	_ =	shalt  }
0x79: {  	_ =	shalt  }
0x7a: {  	_ =	shalt  }
0x7b: {  	_ =	shalt  }
0x7c: {  	_ =	shalt  }
0x7d: {  	_ =	shalt  }
0x7e: {  	_ =	shalt  }
0x7f: {  	_ =	shalt  }
0x80: {  	_ =	shalt  }
0x81: {  	_ =	shalt  }
0x82: {  	_ =	shalt  }
0x83: {  	_ =	shalt  }
0x84: {  	_ =	shalt  }
0x85: {  	_ =	shalt  }
0x86: {  	_ =	shalt  }
0x87: {  	_ =	shalt  }
.Lfunc_end0:
.L_simem_size_0:
called_computation_lowered:
.L_overlay_start_0:
0x88: {  	s2 =	sld [smem:$0x3FD9]  }
0x89: {  	s3 =	sld [smem:$0x3FFE];
	_ =	sdelay $0x1  }
0x8a: {  	s1 =	srdreg.scid  }
0x8b: {  	s0 =	sand.u32 $0x1, s1  }
0x8c: {  	s16 =	sshll.u32 s0, $0xA;
	s2 =	sadd.s32 s3, s2  }
0x8d: {  	s2 =	sadd.s32 s2, s16  }
0x8e: {  	[smem:$0x3FBA] =	sst s2  }
0x8f: {  	_ = 	snop  }
0x90: {  	(tm) =	ssettm $0x1  }
0x91: {  	s17 =	sld [smem:$0x3FFB];
	_ =	sdelay $0x3  }
0x92: {  	_ =	strace s17  }
0x93: {  	s2 =	sld [smem:$0x3FFC];
	_ =	sdelay $0x3  }
0x94: {  	_ =	strace s2  }
0x95: {  	s2 =	sld [smem:$0x3FFD];
	_ =	sdelay $0x3  }
0x96: {  	_ =	strace s2  }
0x97: {  	_ =	strace $0x8FFFFFFF  }
0x98: {  	s18 =	sld [smem:$0x3FDB];
	_ =	sdelay $0x1  }
0x99: {  	s19 =	simm.s32 $_scs_section_size  }
0x9a: {  	s4 =	simm.s32 $_size__tile_overlayer_lowered;
	s5 =	simm.s32 $_tile_overlayer_lowered  }
0x9b: {  	s22 =	simm.s32 $0x1BFF;
	s21 =	sshll.u32 s5, $0x1;
	s2 =	sadd.s32 s19, s18  }
0x9c: {  	s6 =	simm.s32 $0x0;
	s20 =	sshll.u32 s4, $0x1;
	s4 =	sadd.s32 s21, s2  }
0x9d: {  	[timem:s6], [sflag:s22] =	dma.local [hbm:s4], s20  }
0x9e: {  	_ =	swait.ge [sflag:s22], s20  }
0x9f: {  	s3 =	ssub.s32 $0x0, s20;
	[sflag:s22] =	ssyncset.done $0x0  }
0xa0: {  	[sflag:s22] =	ssyncadd.s32 s3;
	_ =	sdelay $0x1  }
0xa1: {  	s23 =	simm.s32 $0x1B8B  }
0xa2: {  	_ =	swait.ge [sflag:s23], $0x1  }
0xa3: {  	[sflag:s23] =	ssyncset.done $0x0  }
0xa4: {  	s25 =	simm.s32 $0x1B8E;
	s24 =	sld [smem:$0x3FFE];
	[sflag:s23] =	ssyncadd.s32 $0xFFFFFFFF  }
0xa5: {  	s26 =	simm.s32 $execute0_lowered;
	[smem:$0x3FD2] =	sst s25  }
0xa6: {  	s4 =	sshll.u32 s26, $0x1;
	_ =	strace $0x80000046;
	[dreg:$0x1] =	wrdreg $0xFFFFFFFF  }
0xa7: {  	s28 =	simm.s32 $_size_execute0_lowered;
	s2 =	sadd.s32 s2, s4;
	[dreg:$0x0] =	wrdreg $0x0  }
0xa8: {  	s4 =	sshll.u32 s28, $0x1;
	[dreg:$0x2] =	wrdreg s2  }
0xa9: {  	[dreg:$0x3] =	wrdreg s4  }
0xaa: {  	[dreg:$0x4] =	wrdreg $0xC0  }
0xab: {  	_ =	task [dreg:s6], $0x5FFFF  }
0xac: {  	[dreg:$0x1] =	wrdreg $0xFFFFFFFF  }
0xad: {  	[dreg:$0x0] =	wrdreg $0x60  }
0xae: {  	[dreg:$0x2] =	wrdreg s24  }
0xaf: {  	[dreg:$0x3] =	wrdreg $0x9  }
0xb0: {  	_ =	task.clear_ibuf [dreg:s6], $0x4FFFF;
	_ =	strace $0x90000046  }
0xb1: {  	s29 =	simm.s32 $0x9;
	_ =	strace $0x80000048  }
0xb2: {  	_ =	swait.ge [sflag:s29], $0x1  }
0xb3: {  	[sflag:s29] =	ssyncadd.s32 $0xFFFFFFFF  }
0xb4: {  	_ =	strace $0x90000048  }
0xb5: {  	_ =	sfence  }
0xb6: {  	s30 =	sld [smem:$0x0];
	_ =	sdelay $0x2  }
0xb7: {  	s31 =	sshll.u32 s1, $0xD;
	s1 =	sshrl.u32 s1, $0x2  }
0xb8: {  	s3 =	sand.u32 $0x4000, s31;
	s1 =	sadd.s32 s1, s30  }
0xb9: {  	s0 =	sor.u32 s3, s0;
	s1 =	sshll.u32 s1, $0x11  }
0xba: {  	s0 =	sor.u32 s1, s0  }
0xbb: {  	s0 =	sadd.s32 $0x8F2B, s0  }
0xbc: {  	[sflag:s0] =	ssyncadd.remote.s32 $0x1  }
0xbd: {  	_ =	sfence.sel $0xFFFF  }
0xbe: {  	[dreg:$0x0] =	wrdreg $0xFFFFFFFF;
	(pc) =	sbr.abs _section_cstart, $3  }
0xbf: {  	[dreg:$0x1] =	wrdreg $0xFFFFFFFF  }
0xc0: {  	_ =	task.clear_ibuf [dreg:s6], $0x2FFFF;
	_ =	strace $0x9FFFFFFF  }
0xc1: {  	(tm) =	ssettm $0x7FFFFFFF  }
tec
execute0_lowered:
.L_overlay_start_1:
0x0: {  	(tag) =	ssettag $0x1  }
0x1: {  	s0 =	srdreg.scid;
	s1 =	rddreg [dreg:$0x0]  }
0x2: {  	s4 =	stileid.u32;
	s3 =	simm.s32 $0x0;
	s0 =	sand.u32 $0x1, s0  }
0x3: {  	[smem:$0x7FF] =	sst s3;
	s9 =	sadd.s32 $0x1800, s1;
	s5 =	sadd.s32 $0x6800, s1  }
0x4: {  	s2 =	sshll.u32 s0, $0x4;
	_ =	strace $0x80000047;
	[dreg:$0x4] =	wrdreg s5  }
0x5: {  	s8 =	sadd.s32 $0x209800, s1;
	[dreg:$0x3] =	wrdreg s9;
	s2 =	sor.u32 s4, s2  }
0x6: {  	s0 =	ssub.s32 $0x2, s0;
	[dreg:$0x2] =	wrdreg s8;
	s21 =	smul.u32 $0x140, s2  }
0x7: {  	s4 =	sshll.u32 s4, $0x7;
	s23 =	sshrl.u32 s0, $0x1;
	s22 =	smul.u32 $0x280, s2  }
0x8: {  	s20 =	sshrl.u32 s2, $0x3;
	s2 =	smul.u32 $0xB400, s2;
	s0 =	ssub.s32 s0, s23  }
0x9: {  	s4 =	sand.u32 $0x380, s4;
	s3 =	smul.u32 $0x92400, s20;
	s0 =	smax.u32 s0, $0x1  }
0xa: {  	s6 =	sor.u32 $0x10, s21;
	s24 =	sadd.s32 s9, s22;
	[dreg:$0xc] =	wrdreg s0  }
0xb: {  	s2 =	sadd.s32 s8, s2;
	s29 =	sor.u32 $0x20, s21;
	[dreg:$0x5] =	wrdreg s24  }
0xc: {  	s30 =	sor.u32 $0x30, s21;
	s3 =	sor.u32 s4, s3;
	[dreg:$0x6] =	wrdreg s2  }
0xd: {  	s7 =	smul.u32 $0x90, s6;
	s25 =	sshll.u32 s6, $0x1;
	[dreg:$0x9] =	wrdreg s29  }
0xe: {  	[dreg:$0xa] =	wrdreg s30;
	s3 =	sshrl.u32 s3, $0x3;
	s26 =	sadd.s32 s9, s25  }
0xf: {  	s1 =	sadd.s32 s3, s1;
	[dreg:$0x7] =	wrdreg s26;
	s28 =	sadd.s32 s8, s7  }
0x10: {  	[dreg:$0x8] =	wrdreg s28;
	s1 =	sadd.s32 $0x8E00, s1  }
0x11: {  	s31 =	simm.s32 $0x2;
	v0 =	vlaneseq.u32;
	s2 =	simm.s32 $0x0;
	[dreg:$0xb] =	wrdreg s1  }
.LBB2_1:
0x12: {  	[dreg:$0xd] =	wrdreg s2  }
0x13: {  	s0 =	simm.s32 $0x0;
	s30 =	rddreg [dreg:$0x4];
	s1 =	simm.s32 $0x9200  }
0x14: {  	s22 =	simm.s32 $0x200;
	s24 =	simm.s32 $0x100;
	s26 =	simm.s32 $0x4A00  }
0x15: {  	s13 =	simm.s32 $0x94D0;
	s15 =	simm.s32 $0x94E0;
	s16 =	simm.s32 $0x94F0  }
0x16: {  	s17 =	simm.s32 $0x9500;
	s18 =	simm.s32 $0x9510;
	s10 =	simm.s32 $0x9520  }
0x17: {  	s11 =	simm.s32 $0x9530;
	s2 =	simm.s32 $0x9540;
	s3 =	simm.s32 $0x9550  }
0x18: {  	s4 =	simm.s32 $0x9560;
	s19 =	simm.s32 $0x9570;
	s14 =	simm.s32 $0x9590  }
0x19: {  	[tilespmem:s1], [sflag:$0x2] =	stream.linear.gather [hbm4b:s30+s0], $0x12480, $0x38;
	[tilespmem:$0x1B680] =	vst v63  }
0x1a: {  	s28 =	simm.s32 $0x9610;
	s29 =	simm.s32 $0x9620;
	_ =	swait.ge [sflag:s31], $0x12480  }
0x1b: {  	s5 =	simm.s32 $0x9630;
	s6 =	simm.s32 $0x9640;
	s20 =	rddreg [dreg:$0x5]  }
0x1c: {  	s7 =	simm.s32 $0x9650;
	[sflag:s31] =	ssyncset.done $0x0;
	s21 =	rddreg [dreg:$0x6]  }
0x1d: {  	s8 =	simm.s32 $0x9660;
	s23 =	rddreg [dreg:$0x7];
	[sflag:s31] =	ssyncadd.s32 $0xFFFEDB80  }
0x1e: {  	[tilespmem:s0], [sflag:$0x1] =	stream.linear.gather [hbm4b:s20+s0], $0x100, $0x38;
	[tilespmem:$0x1B680] =	vst v63  }
0x1f: {  	s9 =	simm.s32 $0x9670;
	s25 =	rddreg [dreg:$0x8];
	s31 =	simm.s32 $0x0  }
0x20: {  	[tilespmem:s22], [sflag:$0x1] =	stream.linear.gather [hbm4b:s21+s0], $0x4800, $0x38;
	[tilespmem:$0x1B680] =	vst v63  }
0x21: {  	s1 =	simm.s32 $0x9580;
	[dreg:$0xe] =	wrdreg s31;
	s20 =	simm.s32 $0x95A0  }
0x22: {  	[tilespmem:s24], [sflag:$0x1] =	stream.linear.gather [hbm4b:s23+s0], $0x100, $0x38;
	[tilespmem:$0x1B680] =	vst v63  }
0x23: {  	s21 =	simm.s32 $0x95B0;
	s22 =	simm.s32 $0x95C0;
	s23 =	simm.s32 $0x95D0  }
0x24: {  	[tilespmem:s26], [sflag:$0x1] =	stream.linear.gather [hbm4b:s25+s0], $0x4800, $0x38;
	[tilespmem:$0x1B680] =	vst v63  }
0x25: {  	s24 =	simm.s32 $0x95E0;
	s25 =	simm.s32 $0x95F0;
	s26 =	simm.s32 $0x9600  }
.LBB2_2:
0x26: {  	s0 =	simm.s32 $0x1  }
0x27: {  	_ =	swait.ge [sflag:s0], $0x100  }
0x28: {  	[sflag:s0] =	ssyncset.done $0x0  }
0x29: {  	[sflag:s0] =	ssyncadd.s32 $0xFFFFFF00  }
0x2a: {  	_ =	swait.ge [sflag:s0], $0x4800  }
0x2b: {  	[sflag:s0] =	ssyncset.done $0x0  }
0x2c: {  	s12 =	simm.s32 $0x0;
	[sflag:s0] =	ssyncadd.s32 $0xFFFFB800  }
0x2d: {  	v1 =	vld [tilespmem:s12+$0x0];
	_ =	sdelay $0x4  }
0x2e: {  	v1 =	vmul.u32 $0x480, v1  }
0x2f: {  	s30 =	simm.s32 $0x440  }
0x30: {  	v2 =	vld [tilespmem:s30+$0xFFFFFDC0];
	v1 =	vor.u32 v0, v1;
	_ =	sdelay $0x3  }
0x31: {  	s12 =	simm.s32 $0x9200  }
0x32: {  	[tilespmem:v1+s12+$0x0] =	vst.idx.add.f32.msk $0xffff, v2  }
0x33: {  	v2 =	vld [tilespmem:s30+$0xFFFFFDD0];
	_ =	sdelay $0x3  }
0x34: {  	s12 =	simm.s32 $0x9210  }
0x35: {  	[tilespmem:v1+s12+$0x0] =	vst.idx.add.f32.msk $0xffff, v2  }
0x36: {  	v2 =	vld [tilespmem:s30+$0xFFFFFDE0];
	_ =	sdelay $0x3  }
0x37: {  	s12 =	simm.s32 $0x9220  }
0x38: {  	[tilespmem:v1+s12+$0x0] =	vst.idx.add.f32.msk $0xffff, v2  }
0x39: {  	v2 =	vld [tilespmem:s30+$0xFFFFFDF0];
	_ =	sdelay $0x3  }
0x3a: {  	s12 =	simm.s32 $0x9230  }
0x3b: {  	[tilespmem:v1+s12+$0x0] =	vst.idx.add.f32.msk $0xffff, v2  }
0x3c: {  	v2 =	vld [tilespmem:s30+$0xFFFFFE00];
	_ =	sdelay $0x3  }
0x3d: {  	s12 =	simm.s32 $0x9240  }
0x3e: {  	[tilespmem:v1+s12+$0x0] =	vst.idx.add.f32.msk $0xffff, v2  }
0x3f: {  	v2 =	vld [tilespmem:s30+$0xFFFFFE10];
	_ =	sdelay $0x3  }
0x40: {  	s12 =	simm.s32 $0x9250  }
0x41: {  	[tilespmem:v1+s12+$0x0] =	vst.idx.add.f32.msk $0xffff, v2  }
0x42: {  	v2 =	vld [tilespmem:s30+$0xFFFFFE20];
	_ =	sdelay $0x3  }
0x43: {  	s12 =	simm.s32 $0x9260  }
0x44: {  	[tilespmem:v1+s12+$0x0] =	vst.idx.add.f32.msk $0xffff, v2  }
0x45: {  	v2 =	vld [tilespmem:s30+$0xFFFFFE30];
	_ =	sdelay $0x3  }
0x46: {  	s12 =	simm.s32 $0x9270  }
0x47: {  	[tilespmem:v1+s12+$0x0] =	vst.idx.add.f32.msk $0xffff, v2  }
0x48: {  	v2 =	vld [tilespmem:s30+$0xFFFFFE40];
	_ =	sdelay $0x3  }
0x49: {  	s12 =	simm.s32 $0x9280  }
0x4a: {  	[tilespmem:v1+s12+$0x0] =	vst.idx.add.f32.msk $0xffff, v2  }
0x4b: {  	v2 =	vld [tilespmem:s30+$0xFFFFFE50];
	_ =	sdelay $0x3  }
0x4c: {  	s12 =	simm.s32 $0x9290  }
0x4d: {  	[tilespmem:v1+s12+$0x0] =	vst.idx.add.f32.msk $0xffff, v2  }
0x4e: {  	v2 =	vld [tilespmem:s30+$0xFFFFFE60];
	_ =	sdelay $0x3  }
0x4f: {  	s12 =	simm.s32 $0x92A0  }
0x50: {  	[tilespmem:v1+s12+$0x0] =	vst.idx.add.f32.msk $0xffff, v2  }
0x51: {  	v2 =	vld [tilespmem:s30+$0xFFFFFE70];
	_ =	sdelay $0x3  }
0x52: {  	s12 =	simm.s32 $0x92B0  }
0x53: {  	[tilespmem:v1+s12+$0x0] =	vst.idx.add.f32.msk $0xffff, v2  }
0x54: {  	v2 =	vld [tilespmem:s30+$0xFFFFFE80];
	_ =	sdelay $0x3  }
0x55: {  	s12 =	simm.s32 $0x92C0  }
0x56: {  	[tilespmem:v1+s12+$0x0] =	vst.idx.add.f32.msk $0xffff, v2  }
0x57: {  	v2 =	vld [tilespmem:s30+$0xFFFFFE90];
	_ =	sdelay $0x3  }
0x58: {  	s12 =	simm.s32 $0x92D0  }
0x59: {  	[tilespmem:v1+s12+$0x0] =	vst.idx.add.f32.msk $0xffff, v2  }
0x5a: {  	v2 =	vld [tilespmem:s30+$0xFFFFFEA0];
	_ =	sdelay $0x3  }
0x5b: {  	s12 =	simm.s32 $0x92E0  }
0x5c: {  	[tilespmem:v1+s12+$0x0] =	vst.idx.add.f32.msk $0xffff, v2  }
0x5d: {  	v2 =	vld [tilespmem:s30+$0xFFFFFEB0];
	_ =	sdelay $0x3  }
0x5e: {  	s12 =	simm.s32 $0x92F0  }
0x5f: {  	[tilespmem:v1+s12+$0x0] =	vst.idx.add.f32.msk $0xffff, v2  }
0x60: {  	v2 =	vld [tilespmem:s30+$0xFFFFFEC0];
	_ =	sdelay $0x3  }
0x61: {  	s12 =	simm.s32 $0x9300  }
0x62: {  	[tilespmem:v1+s12+$0x0] =	vst.idx.add.f32.msk $0xffff, v2  }
0x63: {  	v2 =	vld [tilespmem:s30+$0xFFFFFED0];
	_ =	sdelay $0x3  }
0x64: {  	s12 =	simm.s32 $0x9310  }
0x65: {  	[tilespmem:v1+s12+$0x0] =	vst.idx.add.f32.msk $0xffff, v2  }
0x66: {  	v2 =	vld [tilespmem:s30+$0xFFFFFEE0];
	_ =	sdelay $0x3  }
0x67: {  	s12 =	simm.s32 $0x9320  }
0x68: {  	[tilespmem:v1+s12+$0x0] =	vst.idx.add.f32.msk $0xffff, v2  }
0x69: {  	v2 =	vld [tilespmem:s30+$0xFFFFFEF0];
	_ =	sdelay $0x3  }
0x6a: {  	s12 =	simm.s32 $0x9330  }
0x6b: {  	[tilespmem:v1+s12+$0x0] =	vst.idx.add.f32.msk $0xffff, v2  }
0x6c: {  	v2 =	vld [tilespmem:s30+$0xFFFFFF00];
	_ =	sdelay $0x3  }
0x6d: {  	s12 =	simm.s32 $0x9340  }
0x6e: {  	[tilespmem:v1+s12+$0x0] =	vst.idx.add.f32.msk $0xffff, v2  }
0x6f: {  	v2 =	vld [tilespmem:s30+$0xFFFFFF10];
	_ =	sdelay $0x3  }
0x70: {  	s12 =	simm.s32 $0x9350  }
0x71: {  	[tilespmem:v1+s12+$0x0] =	vst.idx.add.f32.msk $0xffff, v2  }
0x72: {  	v2 =	vld [tilespmem:s30+$0xFFFFFF20];
	_ =	sdelay $0x3  }
0x73: {  	s12 =	simm.s32 $0x9360  }
0x74: {  	[tilespmem:v1+s12+$0x0] =	vst.idx.add.f32.msk $0xffff, v2  }
0x75: {  	v2 =	vld [tilespmem:s30+$0xFFFFFF30];
	_ =	sdelay $0x3  }
0x76: {  	s12 =	simm.s32 $0x9370  }
0x77: {  	[tilespmem:v1+s12+$0x0] =	vst.idx.add.f32.msk $0xffff, v2  }
0x78: {  	v2 =	vld [tilespmem:s30+$0xFFFFFF40];
	_ =	sdelay $0x3  }
0x79: {  	s12 =	simm.s32 $0x9380  }
0x7a: {  	[tilespmem:v1+s12+$0x0] =	vst.idx.add.f32.msk $0xffff, v2  }
0x7b: {  	v2 =	vld [tilespmem:s30+$0xFFFFFF50];
	_ =	sdelay $0x3  }
0x7c: {  	s12 =	simm.s32 $0x9390  }
0x7d: {  	[tilespmem:v1+s12+$0x0] =	vst.idx.add.f32.msk $0xffff, v2  }
0x7e: {  	v2 =	vld [tilespmem:s30+$0xFFFFFF60];
	_ =	sdelay $0x3  }
0x7f: {  	s12 =	simm.s32 $0x93A0  }
0x80: {  	[tilespmem:v1+s12+$0x0] =	vst.idx.add.f32.msk $0xffff, v2  }
0x81: {  	v2 =	vld [tilespmem:s30+$0xFFFFFF70];
	_ =	sdelay $0x3  }
0x82: {  	s12 =	simm.s32 $0x93B0  }
0x83: {  	[tilespmem:v1+s12+$0x0] =	vst.idx.add.f32.msk $0xffff, v2  }
0x84: {  	v2 =	vld [tilespmem:s30+$0xFFFFFF80];
	_ =	sdelay $0x3  }
0x85: {  	s12 =	simm.s32 $0x93C0  }
0x86: {  	[tilespmem:v1+s12+$0x0] =	vst.idx.add.f32.msk $0xffff, v2  }
0x87: {  	v2 =	vld [tilespmem:s30+$0xFFFFFF90];
	_ =	sdelay $0x3  }
0x88: {  	s12 =	simm.s32 $0x93D0  }
0x89: {  	[tilespmem:v1+s12+$0x0] =	vst.idx.add.f32.msk $0xffff, v2  }
0x8a: {  	v2 =	vld [tilespmem:s30+$0xFFFFFFA0];
	_ =	sdelay $0x3  }
0x8b: {  	s12 =	simm.s32 $0x93E0  }
0x8c: {  	[tilespmem:v1+s12+$0x0] =	vst.idx.add.f32.msk $0xffff, v2  }
0x8d: {  	v2 =	vld [tilespmem:s30+$0xFFFFFFB0];
	_ =	sdelay $0x3  }
0x8e: {  	s12 =	simm.s32 $0x93F0  }
0x8f: {  	[tilespmem:v1+s12+$0x0] =	vst.idx.add.f32.msk $0xffff, v2  }
0x90: {  	v2 =	vld [tilespmem:s30+$0xFFFFFFC0];
	_ =	sdelay $0x3  }
0x91: {  	s12 =	simm.s32 $0x9400  }
0x92: {  	[tilespmem:v1+s12+$0x0] =	vst.idx.add.f32.msk $0xffff, v2  }
0x93: {  	v2 =	vld [tilespmem:s30+$0xFFFFFFD0];
	_ =	sdelay $0x3  }
0x94: {  	s12 =	simm.s32 $0x9410  }
0x95: {  	[tilespmem:v1+s12+$0x0] =	vst.idx.add.f32.msk $0xffff, v2  }
0x96: {  	v2 =	vld [tilespmem:s30+$0xFFFFFFE0];
	_ =	sdelay $0x3  }
0x97: {  	s12 =	simm.s32 $0x9420  }
0x98: {  	[tilespmem:v1+s12+$0x0] =	vst.idx.add.f32.msk $0xffff, v2  }
0x99: {  	v2 =	vld [tilespmem:s30+$0xFFFFFFF0];
	_ =	sdelay $0x3  }
0x9a: {  	s12 =	simm.s32 $0x9430  }
0x9b: {  	[tilespmem:v1+s12+$0x0] =	vst.idx.add.f32.msk $0xffff, v2  }
0x9c: {  	v2 =	vld [tilespmem:s30+$0x0];
	_ =	sdelay $0x3  }
0x9d: {  	s12 =	simm.s32 $0x9440  }
0x9e: {  	[tilespmem:v1+s12+$0x0] =	vst.idx.add.f32.msk $0xffff, v2  }
0x9f: {  	v2 =	vld [tilespmem:s30+$0x10];
	_ =	sdelay $0x3  }
0xa0: {  	s12 =	simm.s32 $0x9450  }
0xa1: {  	[tilespmem:v1+s12+$0x0] =	vst.idx.add.f32.msk $0xffff, v2  }
0xa2: {  	v2 =	vld [tilespmem:s30+$0x20];
	_ =	sdelay $0x3  }
0xa3: {  	s12 =	simm.s32 $0x9460  }
0xa4: {  	[tilespmem:v1+s12+$0x0] =	vst.idx.add.f32.msk $0xffff, v2  }
0xa5: {  	v2 =	vld [tilespmem:s30+$0x30];
	_ =	sdelay $0x3  }
0xa6: {  	s12 =	simm.s32 $0x9470  }
0xa7: {  	[tilespmem:v1+s12+$0x0] =	vst.idx.add.f32.msk $0xffff, v2  }
0xa8: {  	v2 =	vld [tilespmem:s30+$0x40];
	_ =	sdelay $0x3  }
0xa9: {  	s12 =	simm.s32 $0x9480  }
0xaa: {  	[tilespmem:v1+s12+$0x0] =	vst.idx.add.f32.msk $0xffff, v2  }
0xab: {  	v2 =	vld [tilespmem:s30+$0x50];
	_ =	sdelay $0x3  }
0xac: {  	s12 =	simm.s32 $0x9490  }
0xad: {  	[tilespmem:v1+s12+$0x0] =	vst.idx.add.f32.msk $0xffff, v2  }
0xae: {  	v2 =	vld [tilespmem:s30+$0x60];
	_ =	sdelay $0x3  }
0xaf: {  	s12 =	simm.s32 $0x94A0  }
0xb0: {  	[tilespmem:v1+s12+$0x0] =	vst.idx.add.f32.msk $0xffff, v2  }
0xb1: {  	v2 =	vld [tilespmem:s30+$0x70];
	_ =	sdelay $0x3  }
0xb2: {  	s12 =	simm.s32 $0x94B0  }
0xb3: {  	[tilespmem:v1+s12+$0x0] =	vst.idx.add.f32.msk $0xffff, v2  }
0xb4: {  	v2 =	vld [tilespmem:s30+$0x80];
	_ =	sdelay $0x3  }
0xb5: {  	s12 =	simm.s32 $0x94C0  }
0xb6: {  	[tilespmem:v1+s12+$0x0] =	vst.idx.add.f32.msk $0xffff, v2  }
0xb7: {  	v2 =	vld [tilespmem:s30+$0x90];
	_ =	sdelay $0x4  }
0xb8: {  	[tilespmem:v1+s13+$0x0] =	vst.idx.add.f32.msk $0xffff, v2  }
0xb9: {  	v2 =	vld [tilespmem:s30+$0xA0];
	_ =	sdelay $0x4  }
0xba: {  	[tilespmem:v1+s15+$0x0] =	vst.idx.add.f32.msk $0xffff, v2  }
0xbb: {  	v2 =	vld [tilespmem:s30+$0xB0];
	_ =	sdelay $0x4  }
0xbc: {  	[tilespmem:v1+s16+$0x0] =	vst.idx.add.f32.msk $0xffff, v2  }
0xbd: {  	v2 =	vld [tilespmem:s30+$0xC0];
	_ =	sdelay $0x4  }
0xbe: {  	[tilespmem:v1+s17+$0x0] =	vst.idx.add.f32.msk $0xffff, v2  }
0xbf: {  	v2 =	vld [tilespmem:s30+$0xD0];
	_ =	sdelay $0x4  }
0xc0: {  	[tilespmem:v1+s18+$0x0] =	vst.idx.add.f32.msk $0xffff, v2  }
0xc1: {  	v2 =	vld [tilespmem:s30+$0xE0];
	_ =	sdelay $0x4  }
0xc2: {  	[tilespmem:v1+s10+$0x0] =	vst.idx.add.f32.msk $0xffff, v2  }
0xc3: {  	v2 =	vld [tilespmem:s30+$0xF0];
	_ =	sdelay $0x4  }
0xc4: {  	[tilespmem:v1+s11+$0x0] =	vst.idx.add.f32.msk $0xffff, v2  }
0xc5: {  	v2 =	vld [tilespmem:s30+$0x100];
	_ =	sdelay $0x4  }
0xc6: {  	[tilespmem:v1+s2+$0x0] =	vst.idx.add.f32.msk $0xffff, v2  }
0xc7: {  	v2 =	vld [tilespmem:s30+$0x110];
	_ =	sdelay $0x4  }
0xc8: {  	[tilespmem:v1+s3+$0x0] =	vst.idx.add.f32.msk $0xffff, v2  }
0xc9: {  	v2 =	vld [tilespmem:s30+$0x120];
	_ =	sdelay $0x4  }
0xca: {  	[tilespmem:v1+s4+$0x0] =	vst.idx.add.f32.msk $0xffff, v2  }
0xcb: {  	v2 =	vld [tilespmem:s30+$0x130];
	_ =	sdelay $0x4  }
0xcc: {  	[tilespmem:v1+s19+$0x0] =	vst.idx.add.f32.msk $0xffff, v2  }
0xcd: {  	v2 =	vld [tilespmem:s30+$0x140];
	_ =	sdelay $0x4  }
0xce: {  	[tilespmem:v1+s1+$0x0] =	vst.idx.add.f32.msk $0xffff, v2  }
0xcf: {  	v2 =	vld [tilespmem:s30+$0x150];
	_ =	sdelay $0x4  }
0xd0: {  	[tilespmem:v1+s14+$0x0] =	vst.idx.add.f32.msk $0xffff, v2  }
0xd1: {  	v2 =	vld [tilespmem:s30+$0x160];
	_ =	sdelay $0x4  }
0xd2: {  	[tilespmem:v1+s20+$0x0] =	vst.idx.add.f32.msk $0xffff, v2  }
0xd3: {  	v2 =	vld [tilespmem:s30+$0x170];
	_ =	sdelay $0x4  }
0xd4: {  	[tilespmem:v1+s21+$0x0] =	vst.idx.add.f32.msk $0xffff, v2  }
0xd5: {  	v2 =	vld [tilespmem:s30+$0x180];
	_ =	sdelay $0x4  }
0xd6: {  	[tilespmem:v1+s22+$0x0] =	vst.idx.add.f32.msk $0xffff, v2  }
0xd7: {  	v2 =	vld [tilespmem:s30+$0x190];
	_ =	sdelay $0x4  }
0xd8: {  	[tilespmem:v1+s23+$0x0] =	vst.idx.add.f32.msk $0xffff, v2  }
0xd9: {  	v2 =	vld [tilespmem:s30+$0x1A0];
	_ =	sdelay $0x4  }
0xda: {  	[tilespmem:v1+s24+$0x0] =	vst.idx.add.f32.msk $0xffff, v2  }
0xdb: {  	v2 =	vld [tilespmem:s30+$0x1B0];
	_ =	sdelay $0x4  }
0xdc: {  	[tilespmem:v1+s25+$0x0] =	vst.idx.add.f32.msk $0xffff, v2  }
0xdd: {  	v2 =	vld [tilespmem:s30+$0x1C0];
	_ =	sdelay $0x4  }
0xde: {  	[tilespmem:v1+s26+$0x0] =	vst.idx.add.f32.msk $0xffff, v2  }
0xdf: {  	v2 =	vld [tilespmem:s30+$0x1D0];
	_ =	sdelay $0x4  }
0xe0: {  	[tilespmem:v1+s28+$0x0] =	vst.idx.add.f32.msk $0xffff, v2  }
0xe1: {  	v2 =	vld [tilespmem:s30+$0x1E0];
	_ =	sdelay $0x4  }
0xe2: {  	[tilespmem:v1+s29+$0x0] =	vst.idx.add.f32.msk $0xffff, v2  }
0xe3: {  	v2 =	vld [tilespmem:s30+$0x1F0];
	_ =	sdelay $0x4  }
0xe4: {  	[tilespmem:v1+s5+$0x0] =	vst.idx.add.f32.msk $0xffff, v2  }
0xe5: {  	v2 =	vld [tilespmem:s30+$0x200];
	_ =	sdelay $0x4  }
0xe6: {  	[tilespmem:v1+s6+$0x0] =	vst.idx.add.f32.msk $0xffff, v2  }
0xe7: {  	v2 =	vld [tilespmem:s30+$0x210];
	_ =	sdelay $0x4  }
0xe8: {  	[tilespmem:v1+s7+$0x0] =	vst.idx.add.f32.msk $0xffff, v2  }
0xe9: {  	v2 =	vld [tilespmem:s30+$0x220];
	_ =	sdelay $0x4  }
0xea: {  	[tilespmem:v1+s8+$0x0] =	vst.idx.add.f32.msk $0xffff, v2  }
0xeb: {  	v2 =	vld [tilespmem:s30+$0x230];
	_ =	sdelay $0x4  }
0xec: {  	s31 =	simm.s32 $0x80;
	s0 =	simm.s32 $0x10;
	[tilespmem:v1+s9+$0x0] =	vst.idx.add.f32.msk $0xffff, v2  }
.LBB2_3:
0xed: {  	p0 =	sne.s32 s31, $0x3C0;
	v1 =	vld [tilespmem:s0+$0x0];
	s30 =	sadd.s32 $0x480, s30  }
0xee: {  	v2 =	vld [tilespmem:s30+$0xFFFFFDC0];
	_ =	sdelay $0x3  }
0xef: {  	v1 =	vmul.u32 $0x480, v1;
	_ =	sdelay $0x1  }
0xf0: {  	v1 =	vor.u32 v0, v1;
	_ =	sdelay $0x3  }
0xf1: {  	s0 =	simm.s32 $0x9200  }
0xf2: {  	[tilespmem:v1+s0+$0x0] =	vst.idx.add.f32.msk $0xffff, v2  }
0xf3: {  	v2 =	vld [tilespmem:s30+$0xFFFFFDD0];
	_ =	sdelay $0x3  }
0xf4: {  	s0 =	simm.s32 $0x9210  }
0xf5: {  	[tilespmem:v1+s0+$0x0] =	vst.idx.add.f32.msk $0xffff, v2  }
0xf6: {  	v2 =	vld [tilespmem:s30+$0xFFFFFDE0];
	_ =	sdelay $0x3  }
0xf7: {  	s0 =	simm.s32 $0x9220  }
0xf8: {  	[tilespmem:v1+s0+$0x0] =	vst.idx.add.f32.msk $0xffff, v2  }
0xf9: {  	v2 =	vld [tilespmem:s30+$0xFFFFFDF0];
	_ =	sdelay $0x3  }
0xfa: {  	s0 =	simm.s32 $0x9230  }
0xfb: {  	[tilespmem:v1+s0+$0x0] =	vst.idx.add.f32.msk $0xffff, v2  }
0xfc: {  	v2 =	vld [tilespmem:s30+$0xFFFFFE00];
	_ =	sdelay $0x3  }
0xfd: {  	s0 =	simm.s32 $0x9240  }
0xfe: {  	[tilespmem:v1+s0+$0x0] =	vst.idx.add.f32.msk $0xffff, v2  }
0xff: {  	v2 =	vld [tilespmem:s30+$0xFFFFFE10];
	_ =	sdelay $0x3  }
0x100: {  	s0 =	simm.s32 $0x9250  }
0x101: {  	[tilespmem:v1+s0+$0x0] =	vst.idx.add.f32.msk $0xffff, v2  }
0x102: {  	v2 =	vld [tilespmem:s30+$0xFFFFFE20];
	_ =	sdelay $0x3  }
0x103: {  	s0 =	simm.s32 $0x9260  }
0x104: {  	[tilespmem:v1+s0+$0x0] =	vst.idx.add.f32.msk $0xffff, v2  }
0x105: {  	v2 =	vld [tilespmem:s30+$0xFFFFFE30];
	_ =	sdelay $0x3  }
0x106: {  	s0 =	simm.s32 $0x9270  }
0x107: {  	[tilespmem:v1+s0+$0x0] =	vst.idx.add.f32.msk $0xffff, v2  }
0x108: {  	v2 =	vld [tilespmem:s30+$0xFFFFFE40];
	_ =	sdelay $0x3  }
0x109: {  	s0 =	simm.s32 $0x9280  }
0x10a: {  	[tilespmem:v1+s0+$0x0] =	vst.idx.add.f32.msk $0xffff, v2  }
0x10b: {  	v2 =	vld [tilespmem:s30+$0xFFFFFE50];
	_ =	sdelay $0x3  }
0x10c: {  	s0 =	simm.s32 $0x9290  }
0x10d: {  	[tilespmem:v1+s0+$0x0] =	vst.idx.add.f32.msk $0xffff, v2  }
0x10e: {  	v2 =	vld [tilespmem:s30+$0xFFFFFE60];
	_ =	sdelay $0x3  }
0x10f: {  	s0 =	simm.s32 $0x92A0  }
0x110: {  	[tilespmem:v1+s0+$0x0] =	vst.idx.add.f32.msk $0xffff, v2  }
0x111: {  	v2 =	vld [tilespmem:s30+$0xFFFFFE70];
	_ =	sdelay $0x3  }
0x112: {  	s0 =	simm.s32 $0x92B0  }
0x113: {  	[tilespmem:v1+s0+$0x0] =	vst.idx.add.f32.msk $0xffff, v2  }
0x114: {  	v2 =	vld [tilespmem:s30+$0xFFFFFE80];
	_ =	sdelay $0x3  }
0x115: {  	s0 =	simm.s32 $0x92C0  }
0x116: {  	[tilespmem:v1+s0+$0x0] =	vst.idx.add.f32.msk $0xffff, v2  }
0x117: {  	v2 =	vld [tilespmem:s30+$0xFFFFFE90];
	_ =	sdelay $0x3  }
0x118: {  	s0 =	simm.s32 $0x92D0  }
0x119: {  	[tilespmem:v1+s0+$0x0] =	vst.idx.add.f32.msk $0xffff, v2  }
0x11a: {  	v2 =	vld [tilespmem:s30+$0xFFFFFEA0];
	_ =	sdelay $0x3  }
0x11b: {  	s0 =	simm.s32 $0x92E0  }
0x11c: {  	[tilespmem:v1+s0+$0x0] =	vst.idx.add.f32.msk $0xffff, v2  }
0x11d: {  	v2 =	vld [tilespmem:s30+$0xFFFFFEB0];
	_ =	sdelay $0x3  }
0x11e: {  	s0 =	simm.s32 $0x92F0  }
0x11f: {  	[tilespmem:v1+s0+$0x0] =	vst.idx.add.f32.msk $0xffff, v2  }
0x120: {  	v2 =	vld [tilespmem:s30+$0xFFFFFEC0];
	_ =	sdelay $0x3  }
0x121: {  	s0 =	simm.s32 $0x9300  }
0x122: {  	[tilespmem:v1+s0+$0x0] =	vst.idx.add.f32.msk $0xffff, v2  }
0x123: {  	v2 =	vld [tilespmem:s30+$0xFFFFFED0];
	_ =	sdelay $0x3  }
0x124: {  	s0 =	simm.s32 $0x9310  }
0x125: {  	[tilespmem:v1+s0+$0x0] =	vst.idx.add.f32.msk $0xffff, v2  }
0x126: {  	v2 =	vld [tilespmem:s30+$0xFFFFFEE0];
	_ =	sdelay $0x3  }
0x127: {  	s0 =	simm.s32 $0x9320  }
0x128: {  	[tilespmem:v1+s0+$0x0] =	vst.idx.add.f32.msk $0xffff, v2  }
0x129: {  	v2 =	vld [tilespmem:s30+$0xFFFFFEF0];
	_ =	sdelay $0x3  }
0x12a: {  	s0 =	simm.s32 $0x9330  }
0x12b: {  	[tilespmem:v1+s0+$0x0] =	vst.idx.add.f32.msk $0xffff, v2  }
0x12c: {  	v2 =	vld [tilespmem:s30+$0xFFFFFF00];
	_ =	sdelay $0x3  }
0x12d: {  	s0 =	simm.s32 $0x9340  }
0x12e: {  	[tilespmem:v1+s0+$0x0] =	vst.idx.add.f32.msk $0xffff, v2  }
0x12f: {  	v2 =	vld [tilespmem:s30+$0xFFFFFF10];
	_ =	sdelay $0x3  }
0x130: {  	s0 =	simm.s32 $0x9350  }
0x131: {  	[tilespmem:v1+s0+$0x0] =	vst.idx.add.f32.msk $0xffff, v2  }
0x132: {  	v2 =	vld [tilespmem:s30+$0xFFFFFF20];
	_ =	sdelay $0x3  }
0x133: {  	s0 =	simm.s32 $0x9360  }
0x134: {  	[tilespmem:v1+s0+$0x0] =	vst.idx.add.f32.msk $0xffff, v2  }
0x135: {  	v2 =	vld [tilespmem:s30+$0xFFFFFF30];
	_ =	sdelay $0x3  }
0x136: {  	s0 =	simm.s32 $0x9370  }
0x137: {  	[tilespmem:v1+s0+$0x0] =	vst.idx.add.f32.msk $0xffff, v2  }
0x138: {  	v2 =	vld [tilespmem:s30+$0xFFFFFF40];
	_ =	sdelay $0x3  }
0x139: {  	s0 =	simm.s32 $0x9380  }
0x13a: {  	[tilespmem:v1+s0+$0x0] =	vst.idx.add.f32.msk $0xffff, v2  }
0x13b: {  	v2 =	vld [tilespmem:s30+$0xFFFFFF50];
	_ =	sdelay $0x3  }
0x13c: {  	s0 =	simm.s32 $0x9390  }
0x13d: {  	[tilespmem:v1+s0+$0x0] =	vst.idx.add.f32.msk $0xffff, v2  }
0x13e: {  	v2 =	vld [tilespmem:s30+$0xFFFFFF60];
	_ =	sdelay $0x3  }
0x13f: {  	s0 =	simm.s32 $0x93A0  }
0x140: {  	[tilespmem:v1+s0+$0x0] =	vst.idx.add.f32.msk $0xffff, v2  }
0x141: {  	v2 =	vld [tilespmem:s30+$0xFFFFFF70];
	_ =	sdelay $0x3  }
0x142: {  	s0 =	simm.s32 $0x93B0  }
0x143: {  	[tilespmem:v1+s0+$0x0] =	vst.idx.add.f32.msk $0xffff, v2  }
0x144: {  	v2 =	vld [tilespmem:s30+$0xFFFFFF80];
	_ =	sdelay $0x3  }
0x145: {  	s0 =	simm.s32 $0x93C0  }
0x146: {  	[tilespmem:v1+s0+$0x0] =	vst.idx.add.f32.msk $0xffff, v2  }
0x147: {  	v2 =	vld [tilespmem:s30+$0xFFFFFF90];
	_ =	sdelay $0x3  }
0x148: {  	s0 =	simm.s32 $0x93D0  }
0x149: {  	[tilespmem:v1+s0+$0x0] =	vst.idx.add.f32.msk $0xffff, v2  }
0x14a: {  	v2 =	vld [tilespmem:s30+$0xFFFFFFA0];
	_ =	sdelay $0x3  }
0x14b: {  	s0 =	simm.s32 $0x93E0  }
0x14c: {  	[tilespmem:v1+s0+$0x0] =	vst.idx.add.f32.msk $0xffff, v2  }
0x14d: {  	v2 =	vld [tilespmem:s30+$0xFFFFFFB0];
	_ =	sdelay $0x3  }
0x14e: {  	s0 =	simm.s32 $0x93F0  }
0x14f: {  	[tilespmem:v1+s0+$0x0] =	vst.idx.add.f32.msk $0xffff, v2  }
0x150: {  	v2 =	vld [tilespmem:s30+$0xFFFFFFC0];
	_ =	sdelay $0x3  }
0x151: {  	s0 =	simm.s32 $0x9400  }
0x152: {  	[tilespmem:v1+s0+$0x0] =	vst.idx.add.f32.msk $0xffff, v2  }
0x153: {  	v2 =	vld [tilespmem:s30+$0xFFFFFFD0];
	_ =	sdelay $0x3  }
0x154: {  	s0 =	simm.s32 $0x9410  }
0x155: {  	[tilespmem:v1+s0+$0x0] =	vst.idx.add.f32.msk $0xffff, v2  }
0x156: {  	v2 =	vld [tilespmem:s30+$0xFFFFFFE0];
	_ =	sdelay $0x3  }
0x157: {  	s0 =	simm.s32 $0x9420  }
0x158: {  	[tilespmem:v1+s0+$0x0] =	vst.idx.add.f32.msk $0xffff, v2  }
0x159: {  	v2 =	vld [tilespmem:s30+$0xFFFFFFF0];
	_ =	sdelay $0x3  }
0x15a: {  	s0 =	simm.s32 $0x9430  }
0x15b: {  	[tilespmem:v1+s0+$0x0] =	vst.idx.add.f32.msk $0xffff, v2  }
0x15c: {  	v2 =	vld [tilespmem:s30+$0x0];
	_ =	sdelay $0x3  }
0x15d: {  	s0 =	simm.s32 $0x9440  }
0x15e: {  	[tilespmem:v1+s0+$0x0] =	vst.idx.add.f32.msk $0xffff, v2  }
0x15f: {  	v2 =	vld [tilespmem:s30+$0x10];
	_ =	sdelay $0x3  }
0x160: {  	s0 =	simm.s32 $0x9450  }
0x161: {  	[tilespmem:v1+s0+$0x0] =	vst.idx.add.f32.msk $0xffff, v2  }
0x162: {  	v2 =	vld [tilespmem:s30+$0x20];
	_ =	sdelay $0x3  }
0x163: {  	s0 =	simm.s32 $0x9460  }
0x164: {  	[tilespmem:v1+s0+$0x0] =	vst.idx.add.f32.msk $0xffff, v2  }
0x165: {  	v2 =	vld [tilespmem:s30+$0x30];
	_ =	sdelay $0x3  }
0x166: {  	s0 =	simm.s32 $0x9470  }
0x167: {  	[tilespmem:v1+s0+$0x0] =	vst.idx.add.f32.msk $0xffff, v2  }
0x168: {  	v2 =	vld [tilespmem:s30+$0x40];
	_ =	sdelay $0x3  }
0x169: {  	s0 =	simm.s32 $0x9480  }
0x16a: {  	[tilespmem:v1+s0+$0x0] =	vst.idx.add.f32.msk $0xffff, v2  }
0x16b: {  	v2 =	vld [tilespmem:s30+$0x50];
	_ =	sdelay $0x3  }
0x16c: {  	s0 =	simm.s32 $0x9490  }
0x16d: {  	[tilespmem:v1+s0+$0x0] =	vst.idx.add.f32.msk $0xffff, v2  }
0x16e: {  	v2 =	vld [tilespmem:s30+$0x60];
	_ =	sdelay $0x3  }
0x16f: {  	s0 =	simm.s32 $0x94A0  }
0x170: {  	[tilespmem:v1+s0+$0x0] =	vst.idx.add.f32.msk $0xffff, v2  }
0x171: {  	v2 =	vld [tilespmem:s30+$0x70];
	_ =	sdelay $0x3  }
0x172: {  	s0 =	simm.s32 $0x94B0  }
0x173: {  	[tilespmem:v1+s0+$0x0] =	vst.idx.add.f32.msk $0xffff, v2  }
0x174: {  	v2 =	vld [tilespmem:s30+$0x80];
	_ =	sdelay $0x3  }
0x175: {  	s0 =	simm.s32 $0x94C0  }
0x176: {  	[tilespmem:v1+s0+$0x0] =	vst.idx.add.f32.msk $0xffff, v2  }
0x177: {  	v2 =	vld [tilespmem:s30+$0x90];
	_ =	sdelay $0x4  }
0x178: {  	[tilespmem:v1+s13+$0x0] =	vst.idx.add.f32.msk $0xffff, v2  }
0x179: {  	v2 =	vld [tilespmem:s30+$0xA0];
	_ =	sdelay $0x4  }
0x17a: {  	[tilespmem:v1+s15+$0x0] =	vst.idx.add.f32.msk $0xffff, v2  }
0x17b: {  	v2 =	vld [tilespmem:s30+$0xB0];
	_ =	sdelay $0x4  }
0x17c: {  	[tilespmem:v1+s16+$0x0] =	vst.idx.add.f32.msk $0xffff, v2  }
0x17d: {  	v2 =	vld [tilespmem:s30+$0xC0];
	_ =	sdelay $0x4  }
0x17e: {  	[tilespmem:v1+s17+$0x0] =	vst.idx.add.f32.msk $0xffff, v2  }
0x17f: {  	v2 =	vld [tilespmem:s30+$0xD0];
	_ =	sdelay $0x4  }
0x180: {  	[tilespmem:v1+s18+$0x0] =	vst.idx.add.f32.msk $0xffff, v2  }
0x181: {  	v2 =	vld [tilespmem:s30+$0xE0];
	_ =	sdelay $0x4  }
0x182: {  	[tilespmem:v1+s10+$0x0] =	vst.idx.add.f32.msk $0xffff, v2  }
0x183: {  	v2 =	vld [tilespmem:s30+$0xF0];
	_ =	sdelay $0x4  }
0x184: {  	[tilespmem:v1+s11+$0x0] =	vst.idx.add.f32.msk $0xffff, v2  }
0x185: {  	v2 =	vld [tilespmem:s30+$0x100];
	_ =	sdelay $0x4  }
0x186: {  	[tilespmem:v1+s2+$0x0] =	vst.idx.add.f32.msk $0xffff, v2  }
0x187: {  	v2 =	vld [tilespmem:s30+$0x110];
	_ =	sdelay $0x4  }
0x188: {  	[tilespmem:v1+s3+$0x0] =	vst.idx.add.f32.msk $0xffff, v2  }
0x189: {  	v2 =	vld [tilespmem:s30+$0x120];
	_ =	sdelay $0x4  }
0x18a: {  	[tilespmem:v1+s4+$0x0] =	vst.idx.add.f32.msk $0xffff, v2  }
0x18b: {  	v2 =	vld [tilespmem:s30+$0x130];
	_ =	sdelay $0x4  }
0x18c: {  	[tilespmem:v1+s19+$0x0] =	vst.idx.add.f32.msk $0xffff, v2  }
0x18d: {  	v2 =	vld [tilespmem:s30+$0x140];
	_ =	sdelay $0x4  }
0x18e: {  	[tilespmem:v1+s1+$0x0] =	vst.idx.add.f32.msk $0xffff, v2  }
0x18f: {  	v2 =	vld [tilespmem:s30+$0x150];
	_ =	sdelay $0x4  }
0x190: {  	[tilespmem:v1+s14+$0x0] =	vst.idx.add.f32.msk $0xffff, v2  }
0x191: {  	v2 =	vld [tilespmem:s30+$0x160];
	_ =	sdelay $0x4  }
0x192: {  	[tilespmem:v1+s20+$0x0] =	vst.idx.add.f32.msk $0xffff, v2  }
0x193: {  	v2 =	vld [tilespmem:s30+$0x170];
	_ =	sdelay $0x4  }
0x194: {  	[tilespmem:v1+s21+$0x0] =	vst.idx.add.f32.msk $0xffff, v2  }
0x195: {  	v2 =	vld [tilespmem:s30+$0x180];
	_ =	sdelay $0x4  }
0x196: {  	[tilespmem:v1+s22+$0x0] =	vst.idx.add.f32.msk $0xffff, v2  }
0x197: {  	v2 =	vld [tilespmem:s30+$0x190];
	_ =	sdelay $0x4  }
0x198: {  	[tilespmem:v1+s23+$0x0] =	vst.idx.add.f32.msk $0xffff, v2  }
0x199: {  	v2 =	vld [tilespmem:s30+$0x1A0];
	_ =	sdelay $0x4  }
0x19a: {  	[tilespmem:v1+s24+$0x0] =	vst.idx.add.f32.msk $0xffff, v2  }
0x19b: {  	v2 =	vld [tilespmem:s30+$0x1B0];
	_ =	sdelay $0x4  }
0x19c: {  	[tilespmem:v1+s25+$0x0] =	vst.idx.add.f32.msk $0xffff, v2  }
0x19d: {  	v2 =	vld [tilespmem:s30+$0x1C0];
	_ =	sdelay $0x4  }
0x19e: {  	[tilespmem:v1+s26+$0x0] =	vst.idx.add.f32.msk $0xffff, v2  }
0x19f: {  	v2 =	vld [tilespmem:s30+$0x1D0];
	_ =	sdelay $0x4  }
0x1a0: {  	[tilespmem:v1+s28+$0x0] =	vst.idx.add.f32.msk $0xffff, v2  }
0x1a1: {  	v2 =	vld [tilespmem:s30+$0x1E0];
	_ =	sdelay $0x4  }
0x1a2: {  	[tilespmem:v1+s29+$0x0] =	vst.idx.add.f32.msk $0xffff, v2  }
0x1a3: {  	v2 =	vld [tilespmem:s30+$0x1F0];
	_ =	sdelay $0x4  }
0x1a4: {  	[tilespmem:v1+s5+$0x0] =	vst.idx.add.f32.msk $0xffff, v2  }
0x1a5: {  	v2 =	vld [tilespmem:s30+$0x200];
	_ =	sdelay $0x4  }
0x1a6: {  	[tilespmem:v1+s6+$0x0] =	vst.idx.add.f32.msk $0xffff, v2  }
0x1a7: {  	v2 =	vld [tilespmem:s30+$0x210];
	_ =	sdelay $0x4  }
0x1a8: {  	[tilespmem:v1+s7+$0x0] =	vst.idx.add.f32.msk $0xffff, v2  }
0x1a9: {  	v2 =	vld [tilespmem:s30+$0x220];
	_ =	sdelay $0x4  }
0x1aa: {  	[tilespmem:v1+s8+$0x0] =	vst.idx.add.f32.msk $0xffff, v2  }
0x1ab: {  	v2 =	vld [tilespmem:s30+$0x230]  }
.Ltmp0:
0x1ac: {  	(pc) =	sbr.rel @p0 .LBB2_3-.Ltmp0, $2  }
0x1ad: {  	_ =	sdelay $0x2  }
0x1ae: {  	s0 =	sshra.s32 s31, $0x2;
	s31 =	sadd.s32 $0x40, s31;
	[tilespmem:v1+s9+$0x0] =	vst.idx.add.f32.msk $0xffff, v2  }
0x1af: {  	v1 =	vld [tilespmem:s0+$0x0];
	_ =	sdelay $0x4  }
0x1b0: {  	v1 =	vmul.u32 $0x480, v1  }
0x1b1: {  	s30 =	sadd.s32 $0x480, s30  }
0x1b2: {  	v2 =	vld [tilespmem:s30+$0xFFFFFDC0];
	v1 =	vor.u32 v0, v1;
	_ =	sdelay $0x3  }
0x1b3: {  	s2 =	simm.s32 $0x9200  }
0x1b4: {  	[tilespmem:v1+s2+$0x0] =	vst.idx.add.f32.msk $0xffff, v2  }
0x1b5: {  	v2 =	vld [tilespmem:s30+$0xFFFFFDD0];
	_ =	sdelay $0x3  }
0x1b6: {  	s3 =	simm.s32 $0x9210  }
0x1b7: {  	[tilespmem:v1+s3+$0x0] =	vst.idx.add.f32.msk $0xffff, v2  }
0x1b8: {  	v2 =	vld [tilespmem:s30+$0xFFFFFDE0];
	_ =	sdelay $0x3  }
0x1b9: {  	s4 =	simm.s32 $0x9220  }
0x1ba: {  	[tilespmem:v1+s4+$0x0] =	vst.idx.add.f32.msk $0xffff, v2  }
0x1bb: {  	v2 =	vld [tilespmem:s30+$0xFFFFFDF0];
	_ =	sdelay $0x3  }
0x1bc: {  	s5 =	simm.s32 $0x9230  }
0x1bd: {  	[tilespmem:v1+s5+$0x0] =	vst.idx.add.f32.msk $0xffff, v2  }
0x1be: {  	v2 =	vld [tilespmem:s30+$0xFFFFFE00];
	_ =	sdelay $0x3  }
0x1bf: {  	s6 =	simm.s32 $0x9240  }
0x1c0: {  	[tilespmem:v1+s6+$0x0] =	vst.idx.add.f32.msk $0xffff, v2  }
0x1c1: {  	v2 =	vld [tilespmem:s30+$0xFFFFFE10];
	_ =	sdelay $0x3  }
0x1c2: {  	s7 =	simm.s32 $0x9250  }
0x1c3: {  	[tilespmem:v1+s7+$0x0] =	vst.idx.add.f32.msk $0xffff, v2  }
0x1c4: {  	v2 =	vld [tilespmem:s30+$0xFFFFFE20];
	_ =	sdelay $0x3  }
0x1c5: {  	s8 =	simm.s32 $0x9260  }
0x1c6: {  	[tilespmem:v1+s8+$0x0] =	vst.idx.add.f32.msk $0xffff, v2  }
0x1c7: {  	v2 =	vld [tilespmem:s30+$0xFFFFFE30];
	_ =	sdelay $0x3  }
0x1c8: {  	s9 =	simm.s32 $0x9270  }
0x1c9: {  	[tilespmem:v1+s9+$0x0] =	vst.idx.add.f32.msk $0xffff, v2  }
0x1ca: {  	v2 =	vld [tilespmem:s30+$0xFFFFFE40];
	_ =	sdelay $0x3  }
0x1cb: {  	s10 =	simm.s32 $0x9280  }
0x1cc: {  	[tilespmem:v1+s10+$0x0] =	vst.idx.add.f32.msk $0xffff, v2  }
0x1cd: {  	v2 =	vld [tilespmem:s30+$0xFFFFFE50];
	_ =	sdelay $0x3  }
0x1ce: {  	s11 =	simm.s32 $0x9290  }
0x1cf: {  	[tilespmem:v1+s11+$0x0] =	vst.idx.add.f32.msk $0xffff, v2  }
0x1d0: {  	v2 =	vld [tilespmem:s30+$0xFFFFFE60];
	_ =	sdelay $0x3  }
0x1d1: {  	s12 =	simm.s32 $0x92A0  }
0x1d2: {  	[tilespmem:v1+s12+$0x0] =	vst.idx.add.f32.msk $0xffff, v2  }
0x1d3: {  	v2 =	vld [tilespmem:s30+$0xFFFFFE70];
	_ =	sdelay $0x3  }
0x1d4: {  	s13 =	simm.s32 $0x92B0  }
0x1d5: {  	[tilespmem:v1+s13+$0x0] =	vst.idx.add.f32.msk $0xffff, v2  }
0x1d6: {  	v2 =	vld [tilespmem:s30+$0xFFFFFE80];
	_ =	sdelay $0x3  }
0x1d7: {  	s14 =	simm.s32 $0x92C0  }
0x1d8: {  	[tilespmem:v1+s14+$0x0] =	vst.idx.add.f32.msk $0xffff, v2  }
0x1d9: {  	v2 =	vld [tilespmem:s30+$0xFFFFFE90];
	_ =	sdelay $0x3  }
0x1da: {  	s15 =	simm.s32 $0x92D0  }
0x1db: {  	[tilespmem:v1+s15+$0x0] =	vst.idx.add.f32.msk $0xffff, v2  }
0x1dc: {  	v2 =	vld [tilespmem:s30+$0xFFFFFEA0];
	_ =	sdelay $0x3  }
0x1dd: {  	s16 =	simm.s32 $0x92E0  }
0x1de: {  	[tilespmem:v1+s16+$0x0] =	vst.idx.add.f32.msk $0xffff, v2  }
0x1df: {  	v2 =	vld [tilespmem:s30+$0xFFFFFEB0];
	_ =	sdelay $0x3  }
0x1e0: {  	s17 =	simm.s32 $0x92F0  }
0x1e1: {  	[tilespmem:v1+s17+$0x0] =	vst.idx.add.f32.msk $0xffff, v2  }
0x1e2: {  	v2 =	vld [tilespmem:s30+$0xFFFFFEC0];
	_ =	sdelay $0x3  }
0x1e3: {  	s18 =	simm.s32 $0x9300  }
0x1e4: {  	[tilespmem:v1+s18+$0x0] =	vst.idx.add.f32.msk $0xffff, v2  }
0x1e5: {  	v2 =	vld [tilespmem:s30+$0xFFFFFED0];
	_ =	sdelay $0x3  }
0x1e6: {  	s19 =	simm.s32 $0x9310  }
0x1e7: {  	[tilespmem:v1+s19+$0x0] =	vst.idx.add.f32.msk $0xffff, v2  }
0x1e8: {  	v2 =	vld [tilespmem:s30+$0xFFFFFEE0];
	_ =	sdelay $0x3  }
0x1e9: {  	s20 =	simm.s32 $0x9320  }
0x1ea: {  	[tilespmem:v1+s20+$0x0] =	vst.idx.add.f32.msk $0xffff, v2  }
0x1eb: {  	v2 =	vld [tilespmem:s30+$0xFFFFFEF0];
	_ =	sdelay $0x3  }
0x1ec: {  	s21 =	simm.s32 $0x9330  }
0x1ed: {  	[tilespmem:v1+s21+$0x0] =	vst.idx.add.f32.msk $0xffff, v2  }
0x1ee: {  	v2 =	vld [tilespmem:s30+$0xFFFFFF00];
	_ =	sdelay $0x3  }
0x1ef: {  	s22 =	simm.s32 $0x9340  }
0x1f0: {  	[tilespmem:v1+s22+$0x0] =	vst.idx.add.f32.msk $0xffff, v2  }
0x1f1: {  	v2 =	vld [tilespmem:s30+$0xFFFFFF10];
	_ =	sdelay $0x3  }
0x1f2: {  	s23 =	simm.s32 $0x9350  }
0x1f3: {  	[tilespmem:v1+s23+$0x0] =	vst.idx.add.f32.msk $0xffff, v2  }
0x1f4: {  	v2 =	vld [tilespmem:s30+$0xFFFFFF20];
	_ =	sdelay $0x3  }
0x1f5: {  	s24 =	simm.s32 $0x9360  }
0x1f6: {  	[tilespmem:v1+s24+$0x0] =	vst.idx.add.f32.msk $0xffff, v2  }
0x1f7: {  	v2 =	vld [tilespmem:s30+$0xFFFFFF30];
	_ =	sdelay $0x3  }
0x1f8: {  	s25 =	simm.s32 $0x9370  }
0x1f9: {  	[tilespmem:v1+s25+$0x0] =	vst.idx.add.f32.msk $0xffff, v2  }
0x1fa: {  	v2 =	vld [tilespmem:s30+$0xFFFFFF40];
	_ =	sdelay $0x3  }
0x1fb: {  	s26 =	simm.s32 $0x9380  }
0x1fc: {  	[tilespmem:v1+s26+$0x0] =	vst.idx.add.f32.msk $0xffff, v2  }
0x1fd: {  	v2 =	vld [tilespmem:s30+$0xFFFFFF50];
	_ =	sdelay $0x3  }
0x1fe: {  	s28 =	simm.s32 $0x9390  }
0x1ff: {  	[tilespmem:v1+s28+$0x0] =	vst.idx.add.f32.msk $0xffff, v2  }
0x200: {  	v2 =	vld [tilespmem:s30+$0xFFFFFF60];
	_ =	sdelay $0x3  }
0x201: {  	s29 =	simm.s32 $0x93A0  }
0x202: {  	[tilespmem:v1+s29+$0x0] =	vst.idx.add.f32.msk $0xffff, v2  }
0x203: {  	v2 =	vld [tilespmem:s30+$0xFFFFFF70];
	_ =	sdelay $0x3  }
0x204: {  	s1 =	simm.s32 $0x93B0  }
0x205: {  	[tilespmem:v1+s1+$0x0] =	vst.idx.add.f32.msk $0xffff, v2  }
0x206: {  	v2 =	vld [tilespmem:s30+$0xFFFFFF80];
	_ =	sdelay $0x3  }
0x207: {  	s1 =	simm.s32 $0x93C0  }
0x208: {  	[tilespmem:v1+s1+$0x0] =	vst.idx.add.f32.msk $0xffff, v2  }
0x209: {  	v2 =	vld [tilespmem:s30+$0xFFFFFF90];
	_ =	sdelay $0x3  }
0x20a: {  	s1 =	simm.s32 $0x93D0  }
0x20b: {  	[tilespmem:v1+s1+$0x0] =	vst.idx.add.f32.msk $0xffff, v2  }
0x20c: {  	v2 =	vld [tilespmem:s30+$0xFFFFFFA0];
	_ =	sdelay $0x3  }
0x20d: {  	s1 =	simm.s32 $0x93E0  }
0x20e: {  	[tilespmem:v1+s1+$0x0] =	vst.idx.add.f32.msk $0xffff, v2  }
0x20f: {  	v2 =	vld [tilespmem:s30+$0xFFFFFFB0];
	_ =	sdelay $0x3  }
0x210: {  	s1 =	simm.s32 $0x93F0  }
0x211: {  	[tilespmem:v1+s1+$0x0] =	vst.idx.add.f32.msk $0xffff, v2  }
0x212: {  	v2 =	vld [tilespmem:s30+$0xFFFFFFC0];
	_ =	sdelay $0x3  }
0x213: {  	s1 =	simm.s32 $0x9400  }
0x214: {  	[tilespmem:v1+s1+$0x0] =	vst.idx.add.f32.msk $0xffff, v2  }
0x215: {  	v2 =	vld [tilespmem:s30+$0xFFFFFFD0];
	_ =	sdelay $0x3  }
0x216: {  	s1 =	simm.s32 $0x9410  }
0x217: {  	[tilespmem:v1+s1+$0x0] =	vst.idx.add.f32.msk $0xffff, v2  }
0x218: {  	v2 =	vld [tilespmem:s30+$0xFFFFFFE0];
	_ =	sdelay $0x3  }
0x219: {  	s1 =	simm.s32 $0x9420  }
0x21a: {  	[tilespmem:v1+s1+$0x0] =	vst.idx.add.f32.msk $0xffff, v2  }
0x21b: {  	v2 =	vld [tilespmem:s30+$0xFFFFFFF0];
	_ =	sdelay $0x3  }
0x21c: {  	s1 =	simm.s32 $0x9430  }
0x21d: {  	[tilespmem:v1+s1+$0x0] =	vst.idx.add.f32.msk $0xffff, v2  }
0x21e: {  	v2 =	vld [tilespmem:s30+$0x0];
	_ =	sdelay $0x3  }
0x21f: {  	s1 =	simm.s32 $0x9440  }
0x220: {  	[tilespmem:v1+s1+$0x0] =	vst.idx.add.f32.msk $0xffff, v2  }
0x221: {  	v2 =	vld [tilespmem:s30+$0x10];
	_ =	sdelay $0x3  }
0x222: {  	s1 =	simm.s32 $0x9450  }
0x223: {  	[tilespmem:v1+s1+$0x0] =	vst.idx.add.f32.msk $0xffff, v2  }
0x224: {  	v2 =	vld [tilespmem:s30+$0x20];
	_ =	sdelay $0x3  }
0x225: {  	s1 =	simm.s32 $0x9460  }
0x226: {  	[tilespmem:v1+s1+$0x0] =	vst.idx.add.f32.msk $0xffff, v2  }
0x227: {  	v2 =	vld [tilespmem:s30+$0x30];
	_ =	sdelay $0x3  }
0x228: {  	s1 =	simm.s32 $0x9470  }
0x229: {  	[tilespmem:v1+s1+$0x0] =	vst.idx.add.f32.msk $0xffff, v2  }
0x22a: {  	v2 =	vld [tilespmem:s30+$0x40];
	_ =	sdelay $0x3  }
0x22b: {  	s1 =	simm.s32 $0x9480  }
0x22c: {  	[tilespmem:v1+s1+$0x0] =	vst.idx.add.f32.msk $0xffff, v2  }
0x22d: {  	v2 =	vld [tilespmem:s30+$0x50];
	_ =	sdelay $0x3  }
0x22e: {  	s1 =	simm.s32 $0x9490  }
0x22f: {  	[tilespmem:v1+s1+$0x0] =	vst.idx.add.f32.msk $0xffff, v2  }
0x230: {  	v2 =	vld [tilespmem:s30+$0x60];
	_ =	sdelay $0x3  }
0x231: {  	s1 =	simm.s32 $0x94A0  }
0x232: {  	[tilespmem:v1+s1+$0x0] =	vst.idx.add.f32.msk $0xffff, v2  }
0x233: {  	v2 =	vld [tilespmem:s30+$0x70];
	_ =	sdelay $0x3  }
0x234: {  	s1 =	simm.s32 $0x94B0  }
0x235: {  	[tilespmem:v1+s1+$0x0] =	vst.idx.add.f32.msk $0xffff, v2  }
0x236: {  	v2 =	vld [tilespmem:s30+$0x80];
	_ =	sdelay $0x3  }
0x237: {  	s1 =	simm.s32 $0x94C0  }
0x238: {  	[tilespmem:v1+s1+$0x0] =	vst.idx.add.f32.msk $0xffff, v2  }
0x239: {  	v2 =	vld [tilespmem:s30+$0x90];
	_ =	sdelay $0x3  }
0x23a: {  	s1 =	simm.s32 $0x94D0  }
0x23b: {  	[tilespmem:v1+s1+$0x0] =	vst.idx.add.f32.msk $0xffff, v2  }
0x23c: {  	v2 =	vld [tilespmem:s30+$0xA0];
	_ =	sdelay $0x3  }
0x23d: {  	s1 =	simm.s32 $0x94E0  }
0x23e: {  	[tilespmem:v1+s1+$0x0] =	vst.idx.add.f32.msk $0xffff, v2  }
0x23f: {  	v2 =	vld [tilespmem:s30+$0xB0];
	_ =	sdelay $0x3  }
0x240: {  	s1 =	simm.s32 $0x94F0  }
0x241: {  	[tilespmem:v1+s1+$0x0] =	vst.idx.add.f32.msk $0xffff, v2  }
0x242: {  	v2 =	vld [tilespmem:s30+$0xC0];
	_ =	sdelay $0x3  }
0x243: {  	s1 =	simm.s32 $0x9500  }
0x244: {  	[tilespmem:v1+s1+$0x0] =	vst.idx.add.f32.msk $0xffff, v2  }
0x245: {  	v2 =	vld [tilespmem:s30+$0xD0];
	_ =	sdelay $0x3  }
0x246: {  	s1 =	simm.s32 $0x9510  }
0x247: {  	[tilespmem:v1+s1+$0x0] =	vst.idx.add.f32.msk $0xffff, v2  }
0x248: {  	v2 =	vld [tilespmem:s30+$0xE0];
	_ =	sdelay $0x3  }
0x249: {  	s1 =	simm.s32 $0x9520  }
0x24a: {  	[tilespmem:v1+s1+$0x0] =	vst.idx.add.f32.msk $0xffff, v2  }
0x24b: {  	v2 =	vld [tilespmem:s30+$0xF0];
	_ =	sdelay $0x3  }
0x24c: {  	s1 =	simm.s32 $0x9530  }
0x24d: {  	[tilespmem:v1+s1+$0x0] =	vst.idx.add.f32.msk $0xffff, v2  }
0x24e: {  	v2 =	vld [tilespmem:s30+$0x100];
	_ =	sdelay $0x3  }
0x24f: {  	s1 =	simm.s32 $0x9540  }
0x250: {  	[tilespmem:v1+s1+$0x0] =	vst.idx.add.f32.msk $0xffff, v2  }
0x251: {  	v2 =	vld [tilespmem:s30+$0x110];
	_ =	sdelay $0x3  }
0x252: {  	s1 =	simm.s32 $0x9550  }
0x253: {  	[tilespmem:v1+s1+$0x0] =	vst.idx.add.f32.msk $0xffff, v2  }
0x254: {  	v2 =	vld [tilespmem:s30+$0x120];
	_ =	sdelay $0x3  }
0x255: {  	s1 =	simm.s32 $0x9560  }
0x256: {  	[tilespmem:v1+s1+$0x0] =	vst.idx.add.f32.msk $0xffff, v2  }
0x257: {  	v2 =	vld [tilespmem:s30+$0x130];
	_ =	sdelay $0x3  }
0x258: {  	s1 =	simm.s32 $0x9570  }
0x259: {  	[tilespmem:v1+s1+$0x0] =	vst.idx.add.f32.msk $0xffff, v2  }
0x25a: {  	v2 =	vld [tilespmem:s30+$0x140];
	_ =	sdelay $0x3  }
0x25b: {  	s1 =	simm.s32 $0x9580  }
0x25c: {  	[tilespmem:v1+s1+$0x0] =	vst.idx.add.f32.msk $0xffff, v2  }
0x25d: {  	v2 =	vld [tilespmem:s30+$0x150];
	_ =	sdelay $0x3  }
0x25e: {  	s1 =	simm.s32 $0x9590  }
0x25f: {  	[tilespmem:v1+s1+$0x0] =	vst.idx.add.f32.msk $0xffff, v2  }
0x260: {  	v2 =	vld [tilespmem:s30+$0x160];
	_ =	sdelay $0x3  }
0x261: {  	s1 =	simm.s32 $0x95A0  }
0x262: {  	[tilespmem:v1+s1+$0x0] =	vst.idx.add.f32.msk $0xffff, v2  }
0x263: {  	v2 =	vld [tilespmem:s30+$0x170];
	_ =	sdelay $0x3  }
0x264: {  	s1 =	simm.s32 $0x95B0  }
0x265: {  	[tilespmem:v1+s1+$0x0] =	vst.idx.add.f32.msk $0xffff, v2  }
0x266: {  	v2 =	vld [tilespmem:s30+$0x180];
	_ =	sdelay $0x3  }
0x267: {  	s1 =	simm.s32 $0x95C0  }
0x268: {  	[tilespmem:v1+s1+$0x0] =	vst.idx.add.f32.msk $0xffff, v2  }
0x269: {  	v2 =	vld [tilespmem:s30+$0x190];
	_ =	sdelay $0x3  }
0x26a: {  	s1 =	simm.s32 $0x95D0  }
0x26b: {  	[tilespmem:v1+s1+$0x0] =	vst.idx.add.f32.msk $0xffff, v2  }
0x26c: {  	v2 =	vld [tilespmem:s30+$0x1A0];
	_ =	sdelay $0x3  }
0x26d: {  	s1 =	simm.s32 $0x95E0  }
0x26e: {  	[tilespmem:v1+s1+$0x0] =	vst.idx.add.f32.msk $0xffff, v2  }
0x26f: {  	v2 =	vld [tilespmem:s30+$0x1B0];
	_ =	sdelay $0x3  }
0x270: {  	s1 =	simm.s32 $0x95F0  }
0x271: {  	[tilespmem:v1+s1+$0x0] =	vst.idx.add.f32.msk $0xffff, v2  }
0x272: {  	v2 =	vld [tilespmem:s30+$0x1C0];
	_ =	sdelay $0x3  }
0x273: {  	s1 =	simm.s32 $0x9600  }
0x274: {  	[tilespmem:v1+s1+$0x0] =	vst.idx.add.f32.msk $0xffff, v2  }
0x275: {  	v2 =	vld [tilespmem:s30+$0x1D0];
	_ =	sdelay $0x3  }
0x276: {  	s1 =	simm.s32 $0x9610  }
0x277: {  	[tilespmem:v1+s1+$0x0] =	vst.idx.add.f32.msk $0xffff, v2  }
0x278: {  	v2 =	vld [tilespmem:s30+$0x1E0];
	_ =	sdelay $0x3  }
0x279: {  	s1 =	simm.s32 $0x9620  }
0x27a: {  	[tilespmem:v1+s1+$0x0] =	vst.idx.add.f32.msk $0xffff, v2  }
0x27b: {  	v2 =	vld [tilespmem:s30+$0x1F0];
	_ =	sdelay $0x3  }
0x27c: {  	s1 =	simm.s32 $0x9630  }
0x27d: {  	[tilespmem:v1+s1+$0x0] =	vst.idx.add.f32.msk $0xffff, v2  }
0x27e: {  	v2 =	vld [tilespmem:s30+$0x200];
	_ =	sdelay $0x3  }
0x27f: {  	s1 =	simm.s32 $0x9640  }
0x280: {  	[tilespmem:v1+s1+$0x0] =	vst.idx.add.f32.msk $0xffff, v2  }
0x281: {  	v2 =	vld [tilespmem:s30+$0x210];
	_ =	sdelay $0x3  }
0x282: {  	s1 =	simm.s32 $0x9650  }
0x283: {  	[tilespmem:v1+s1+$0x0] =	vst.idx.add.f32.msk $0xffff, v2  }
0x284: {  	v2 =	vld [tilespmem:s30+$0x220];
	_ =	sdelay $0x3  }
0x285: {  	s1 =	simm.s32 $0x9660  }
0x286: {  	[tilespmem:v1+s1+$0x0] =	vst.idx.add.f32.msk $0xffff, v2;
	s1 =	rddreg [dreg:$0xe]  }
0x287: {  	s0 =	sshll.u32 s1, $0x1  }
0x288: {  	v2 =	vld [tilespmem:s30+$0x230];
	[dreg:$0xf] =	wrdreg s0;
	s0 =	smin.u32 s0, $0x11  }
0x289: {  	s30 =	rddreg [dreg:$0x9];
	s0 =	sshll.u32 s0, $0x4  }
0x28a: {  	s0 =	sadd.s32 s0, s30  }
0x28b: {  	s30 =	sshll.u32 s0, $0x1  }
0x28c: {  	s31 =	rddreg [dreg:$0x3];
	s1 =	simm.s32 $0x9670;
	s30 =	sand.u32 $0xFFE0, s30  }
0x28d: {  	s0 =	smul.u32 $0x90, s0;
	[tilespmem:v1+s1+$0x0] =	vst.idx.add.f32.msk $0xffff, v2;
	s30 =	sadd.s32 s31, s30;
	s31 =	simm.s32 $0x0  }
0x28e: {  	[tilespmem:s31], [sflag:$0x1] =	stream.linear.gather [hbm4b:s30+s31], $0x100, $0x38;
	[tilespmem:$0x1B680] =	vst v63  }
0x28f: {  	s30 =	rddreg [dreg:$0x2]  }
0x290: {  	s1 =	simm.s32 $0x200;
	s0 =	sadd.s32 s30, s0  }
0x291: {  	[tilespmem:s1], [sflag:$0x1] =	stream.linear.gather [hbm4b:s0+s31], $0x4800, $0x38;
	[tilespmem:$0x1B680] =	vst v63  }
0x292: {  	s1 =	simm.s32 $0x1  }
0x293: {  	_ =	swait.ge [sflag:s1], $0x100  }
0x294: {  	[sflag:s1] =	ssyncset.done $0x0  }
0x295: {  	[sflag:s1] =	ssyncadd.s32 $0xFFFFFF00  }
0x296: {  	_ =	swait.ge [sflag:s1], $0x4800  }
0x297: {  	[sflag:s1] =	ssyncset.done $0x0  }
0x298: {  	[sflag:s1] =	ssyncadd.s32 $0xFFFFB800;
	s1 =	simm.s32 $0x0  }
0x299: {  	v1 =	vld [tilespmem:s1+$0x100];
	_ =	sdelay $0x4  }
0x29a: {  	v1 =	vmul.u32 $0x480, v1  }
0x29b: {  	s30 =	simm.s32 $0x4C40  }
0x29c: {  	v2 =	vld [tilespmem:s30+$0xFFFFFDC0];
	v1 =	vor.u32 v0, v1;
	_ =	sdelay $0x4  }
0x29d: {  	[tilespmem:v1+s2+$0x0] =	vst.idx.add.f32.msk $0xffff, v2  }
0x29e: {  	v2 =	vld [tilespmem:s30+$0xFFFFFDD0];
	_ =	sdelay $0x4  }
0x29f: {  	[tilespmem:v1+s3+$0x0] =	vst.idx.add.f32.msk $0xffff, v2  }
0x2a0: {  	v2 =	vld [tilespmem:s30+$0xFFFFFDE0];
	_ =	sdelay $0x4  }
0x2a1: {  	[tilespmem:v1+s4+$0x0] =	vst.idx.add.f32.msk $0xffff, v2  }
0x2a2: {  	v2 =	vld [tilespmem:s30+$0xFFFFFDF0];
	_ =	sdelay $0x4  }
0x2a3: {  	[tilespmem:v1+s5+$0x0] =	vst.idx.add.f32.msk $0xffff, v2  }
0x2a4: {  	v2 =	vld [tilespmem:s30+$0xFFFFFE00];
	_ =	sdelay $0x4  }
0x2a5: {  	[tilespmem:v1+s6+$0x0] =	vst.idx.add.f32.msk $0xffff, v2  }
0x2a6: {  	v2 =	vld [tilespmem:s30+$0xFFFFFE10];
	_ =	sdelay $0x4  }
0x2a7: {  	[tilespmem:v1+s7+$0x0] =	vst.idx.add.f32.msk $0xffff, v2  }
0x2a8: {  	v2 =	vld [tilespmem:s30+$0xFFFFFE20];
	_ =	sdelay $0x4  }
0x2a9: {  	[tilespmem:v1+s8+$0x0] =	vst.idx.add.f32.msk $0xffff, v2  }
0x2aa: {  	v2 =	vld [tilespmem:s30+$0xFFFFFE30];
	_ =	sdelay $0x4  }
0x2ab: {  	[tilespmem:v1+s9+$0x0] =	vst.idx.add.f32.msk $0xffff, v2  }
0x2ac: {  	v2 =	vld [tilespmem:s30+$0xFFFFFE40];
	_ =	sdelay $0x4  }
0x2ad: {  	[tilespmem:v1+s10+$0x0] =	vst.idx.add.f32.msk $0xffff, v2  }
0x2ae: {  	v2 =	vld [tilespmem:s30+$0xFFFFFE50];
	_ =	sdelay $0x4  }
0x2af: {  	[tilespmem:v1+s11+$0x0] =	vst.idx.add.f32.msk $0xffff, v2  }
0x2b0: {  	v2 =	vld [tilespmem:s30+$0xFFFFFE60];
	_ =	sdelay $0x4  }
0x2b1: {  	[tilespmem:v1+s12+$0x0] =	vst.idx.add.f32.msk $0xffff, v2  }
0x2b2: {  	v2 =	vld [tilespmem:s30+$0xFFFFFE70];
	_ =	sdelay $0x4  }
0x2b3: {  	[tilespmem:v1+s13+$0x0] =	vst.idx.add.f32.msk $0xffff, v2  }
0x2b4: {  	v2 =	vld [tilespmem:s30+$0xFFFFFE80];
	_ =	sdelay $0x4  }
0x2b5: {  	[tilespmem:v1+s14+$0x0] =	vst.idx.add.f32.msk $0xffff, v2  }
0x2b6: {  	v2 =	vld [tilespmem:s30+$0xFFFFFE90];
	_ =	sdelay $0x4  }
0x2b7: {  	[tilespmem:v1+s15+$0x0] =	vst.idx.add.f32.msk $0xffff, v2  }
0x2b8: {  	v2 =	vld [tilespmem:s30+$0xFFFFFEA0];
	_ =	sdelay $0x4  }
0x2b9: {  	[tilespmem:v1+s16+$0x0] =	vst.idx.add.f32.msk $0xffff, v2  }
0x2ba: {  	v2 =	vld [tilespmem:s30+$0xFFFFFEB0];
	_ =	sdelay $0x4  }
0x2bb: {  	[tilespmem:v1+s17+$0x0] =	vst.idx.add.f32.msk $0xffff, v2  }
0x2bc: {  	v2 =	vld [tilespmem:s30+$0xFFFFFEC0];
	_ =	sdelay $0x4  }
0x2bd: {  	[tilespmem:v1+s18+$0x0] =	vst.idx.add.f32.msk $0xffff, v2  }
0x2be: {  	v2 =	vld [tilespmem:s30+$0xFFFFFED0];
	_ =	sdelay $0x4  }
0x2bf: {  	[tilespmem:v1+s19+$0x0] =	vst.idx.add.f32.msk $0xffff, v2  }
0x2c0: {  	v2 =	vld [tilespmem:s30+$0xFFFFFEE0];
	_ =	sdelay $0x4  }
0x2c1: {  	[tilespmem:v1+s20+$0x0] =	vst.idx.add.f32.msk $0xffff, v2  }
0x2c2: {  	v2 =	vld [tilespmem:s30+$0xFFFFFEF0];
	_ =	sdelay $0x4  }
0x2c3: {  	[tilespmem:v1+s21+$0x0] =	vst.idx.add.f32.msk $0xffff, v2  }
0x2c4: {  	v2 =	vld [tilespmem:s30+$0xFFFFFF00];
	_ =	sdelay $0x4  }
0x2c5: {  	[tilespmem:v1+s22+$0x0] =	vst.idx.add.f32.msk $0xffff, v2  }
0x2c6: {  	v2 =	vld [tilespmem:s30+$0xFFFFFF10];
	_ =	sdelay $0x4  }
0x2c7: {  	[tilespmem:v1+s23+$0x0] =	vst.idx.add.f32.msk $0xffff, v2  }
0x2c8: {  	v2 =	vld [tilespmem:s30+$0xFFFFFF20];
	_ =	sdelay $0x4  }
0x2c9: {  	[tilespmem:v1+s24+$0x0] =	vst.idx.add.f32.msk $0xffff, v2  }
0x2ca: {  	v2 =	vld [tilespmem:s30+$0xFFFFFF30];
	_ =	sdelay $0x4  }
0x2cb: {  	[tilespmem:v1+s25+$0x0] =	vst.idx.add.f32.msk $0xffff, v2  }
0x2cc: {  	v2 =	vld [tilespmem:s30+$0xFFFFFF40];
	_ =	sdelay $0x4  }
0x2cd: {  	[tilespmem:v1+s26+$0x0] =	vst.idx.add.f32.msk $0xffff, v2  }
0x2ce: {  	v2 =	vld [tilespmem:s30+$0xFFFFFF50];
	_ =	sdelay $0x4  }
0x2cf: {  	[tilespmem:v1+s28+$0x0] =	vst.idx.add.f32.msk $0xffff, v2  }
0x2d0: {  	v2 =	vld [tilespmem:s30+$0xFFFFFF60];
	_ =	sdelay $0x4  }
0x2d1: {  	[tilespmem:v1+s29+$0x0] =	vst.idx.add.f32.msk $0xffff, v2  }
0x2d2: {  	v2 =	vld [tilespmem:s30+$0xFFFFFF70];
	_ =	sdelay $0x3  }
0x2d3: {  	s16 =	simm.s32 $0x93B0  }
0x2d4: {  	[tilespmem:v1+s16+$0x0] =	vst.idx.add.f32.msk $0xffff, v2  }
0x2d5: {  	v2 =	vld [tilespmem:s30+$0xFFFFFF80];
	_ =	sdelay $0x3  }
0x2d6: {  	s17 =	simm.s32 $0x93C0  }
0x2d7: {  	[tilespmem:v1+s17+$0x0] =	vst.idx.add.f32.msk $0xffff, v2  }
0x2d8: {  	v2 =	vld [tilespmem:s30+$0xFFFFFF90];
	_ =	sdelay $0x3  }
0x2d9: {  	s18 =	simm.s32 $0x93D0  }
0x2da: {  	[tilespmem:v1+s18+$0x0] =	vst.idx.add.f32.msk $0xffff, v2  }
0x2db: {  	v2 =	vld [tilespmem:s30+$0xFFFFFFA0];
	_ =	sdelay $0x3  }
0x2dc: {  	s19 =	simm.s32 $0x93E0  }
0x2dd: {  	[tilespmem:v1+s19+$0x0] =	vst.idx.add.f32.msk $0xffff, v2  }
0x2de: {  	v2 =	vld [tilespmem:s30+$0xFFFFFFB0];
	_ =	sdelay $0x3  }
0x2df: {  	s20 =	simm.s32 $0x93F0  }
0x2e0: {  	[tilespmem:v1+s20+$0x0] =	vst.idx.add.f32.msk $0xffff, v2  }
0x2e1: {  	v2 =	vld [tilespmem:s30+$0xFFFFFFC0];
	_ =	sdelay $0x3  }
0x2e2: {  	s21 =	simm.s32 $0x9400  }
0x2e3: {  	[tilespmem:v1+s21+$0x0] =	vst.idx.add.f32.msk $0xffff, v2  }
0x2e4: {  	v2 =	vld [tilespmem:s30+$0xFFFFFFD0];
	_ =	sdelay $0x3  }
0x2e5: {  	s22 =	simm.s32 $0x9410  }
0x2e6: {  	[tilespmem:v1+s22+$0x0] =	vst.idx.add.f32.msk $0xffff, v2  }
0x2e7: {  	v2 =	vld [tilespmem:s30+$0xFFFFFFE0];
	_ =	sdelay $0x3  }
0x2e8: {  	s23 =	simm.s32 $0x9420  }
0x2e9: {  	[tilespmem:v1+s23+$0x0] =	vst.idx.add.f32.msk $0xffff, v2  }
0x2ea: {  	v2 =	vld [tilespmem:s30+$0xFFFFFFF0];
	_ =	sdelay $0x3  }
0x2eb: {  	s24 =	simm.s32 $0x9430  }
0x2ec: {  	[tilespmem:v1+s24+$0x0] =	vst.idx.add.f32.msk $0xffff, v2  }
0x2ed: {  	v2 =	vld [tilespmem:s30+$0x0];
	_ =	sdelay $0x3  }
0x2ee: {  	s25 =	simm.s32 $0x9440  }
0x2ef: {  	[tilespmem:v1+s25+$0x0] =	vst.idx.add.f32.msk $0xffff, v2  }
0x2f0: {  	v2 =	vld [tilespmem:s30+$0x10];
	_ =	sdelay $0x3  }
0x2f1: {  	s26 =	simm.s32 $0x9450  }
0x2f2: {  	[tilespmem:v1+s26+$0x0] =	vst.idx.add.f32.msk $0xffff, v2  }
0x2f3: {  	v2 =	vld [tilespmem:s30+$0x20];
	_ =	sdelay $0x3  }
0x2f4: {  	s1 =	simm.s32 $0x9460  }
0x2f5: {  	[tilespmem:v1+s1+$0x0] =	vst.idx.add.f32.msk $0xffff, v2  }
0x2f6: {  	v2 =	vld [tilespmem:s30+$0x30];
	_ =	sdelay $0x3  }
0x2f7: {  	s2 =	simm.s32 $0x9470  }
0x2f8: {  	[tilespmem:v1+s2+$0x0] =	vst.idx.add.f32.msk $0xffff, v2  }
0x2f9: {  	v2 =	vld [tilespmem:s30+$0x40];
	_ =	sdelay $0x3  }
0x2fa: {  	s3 =	simm.s32 $0x9480  }
0x2fb: {  	[tilespmem:v1+s3+$0x0] =	vst.idx.add.f32.msk $0xffff, v2  }
0x2fc: {  	v2 =	vld [tilespmem:s30+$0x50];
	_ =	sdelay $0x3  }
0x2fd: {  	s4 =	simm.s32 $0x9490  }
0x2fe: {  	[tilespmem:v1+s4+$0x0] =	vst.idx.add.f32.msk $0xffff, v2  }
0x2ff: {  	v2 =	vld [tilespmem:s30+$0x60];
	_ =	sdelay $0x3  }
0x300: {  	s5 =	simm.s32 $0x94A0  }
0x301: {  	[tilespmem:v1+s5+$0x0] =	vst.idx.add.f32.msk $0xffff, v2  }
0x302: {  	v2 =	vld [tilespmem:s30+$0x70];
	_ =	sdelay $0x3  }
0x303: {  	s6 =	simm.s32 $0x94B0  }
0x304: {  	[tilespmem:v1+s6+$0x0] =	vst.idx.add.f32.msk $0xffff, v2  }
0x305: {  	v2 =	vld [tilespmem:s30+$0x80];
	_ =	sdelay $0x3  }
0x306: {  	s7 =	simm.s32 $0x94C0  }
0x307: {  	[tilespmem:v1+s7+$0x0] =	vst.idx.add.f32.msk $0xffff, v2  }
0x308: {  	v2 =	vld [tilespmem:s30+$0x90];
	_ =	sdelay $0x3  }
0x309: {  	s8 =	simm.s32 $0x94D0  }
0x30a: {  	[tilespmem:v1+s8+$0x0] =	vst.idx.add.f32.msk $0xffff, v2  }
0x30b: {  	v2 =	vld [tilespmem:s30+$0xA0];
	_ =	sdelay $0x3  }
0x30c: {  	s9 =	simm.s32 $0x94E0  }
0x30d: {  	[tilespmem:v1+s9+$0x0] =	vst.idx.add.f32.msk $0xffff, v2  }
0x30e: {  	v2 =	vld [tilespmem:s30+$0xB0];
	_ =	sdelay $0x3  }
0x30f: {  	s10 =	simm.s32 $0x94F0  }
0x310: {  	[tilespmem:v1+s10+$0x0] =	vst.idx.add.f32.msk $0xffff, v2  }
0x311: {  	v2 =	vld [tilespmem:s30+$0xC0];
	_ =	sdelay $0x3  }
0x312: {  	s11 =	simm.s32 $0x9500  }
0x313: {  	[tilespmem:v1+s11+$0x0] =	vst.idx.add.f32.msk $0xffff, v2  }
0x314: {  	v2 =	vld [tilespmem:s30+$0xD0];
	_ =	sdelay $0x3  }
0x315: {  	s12 =	simm.s32 $0x9510  }
0x316: {  	[tilespmem:v1+s12+$0x0] =	vst.idx.add.f32.msk $0xffff, v2  }
0x317: {  	v2 =	vld [tilespmem:s30+$0xE0];
	_ =	sdelay $0x3  }
0x318: {  	s14 =	simm.s32 $0x9520  }
0x319: {  	[tilespmem:v1+s14+$0x0] =	vst.idx.add.f32.msk $0xffff, v2  }
0x31a: {  	v2 =	vld [tilespmem:s30+$0xF0];
	_ =	sdelay $0x3  }
0x31b: {  	s19 =	simm.s32 $0x9530  }
0x31c: {  	[tilespmem:v1+s19+$0x0] =	vst.idx.add.f32.msk $0xffff, v2  }
0x31d: {  	v2 =	vld [tilespmem:s30+$0x100];
	_ =	sdelay $0x3  }
0x31e: {  	s20 =	simm.s32 $0x9540  }
0x31f: {  	[tilespmem:v1+s20+$0x0] =	vst.idx.add.f32.msk $0xffff, v2  }
0x320: {  	v2 =	vld [tilespmem:s30+$0x110];
	_ =	sdelay $0x3  }
0x321: {  	s21 =	simm.s32 $0x9550  }
0x322: {  	[tilespmem:v1+s21+$0x0] =	vst.idx.add.f32.msk $0xffff, v2  }
0x323: {  	v2 =	vld [tilespmem:s30+$0x120];
	_ =	sdelay $0x3  }
0x324: {  	s22 =	simm.s32 $0x9560  }
0x325: {  	[tilespmem:v1+s22+$0x0] =	vst.idx.add.f32.msk $0xffff, v2  }
0x326: {  	v2 =	vld [tilespmem:s30+$0x130];
	_ =	sdelay $0x3  }
0x327: {  	s23 =	simm.s32 $0x9570  }
0x328: {  	[tilespmem:v1+s23+$0x0] =	vst.idx.add.f32.msk $0xffff, v2  }
0x329: {  	v2 =	vld [tilespmem:s30+$0x140];
	_ =	sdelay $0x3  }
0x32a: {  	s24 =	simm.s32 $0x9580  }
0x32b: {  	[tilespmem:v1+s24+$0x0] =	vst.idx.add.f32.msk $0xffff, v2  }
0x32c: {  	v2 =	vld [tilespmem:s30+$0x150];
	_ =	sdelay $0x3  }
0x32d: {  	s25 =	simm.s32 $0x9590  }
0x32e: {  	[tilespmem:v1+s25+$0x0] =	vst.idx.add.f32.msk $0xffff, v2  }
0x32f: {  	v2 =	vld [tilespmem:s30+$0x160];
	_ =	sdelay $0x3  }
0x330: {  	s26 =	simm.s32 $0x95A0  }
0x331: {  	[tilespmem:v1+s26+$0x0] =	vst.idx.add.f32.msk $0xffff, v2  }
0x332: {  	v2 =	vld [tilespmem:s30+$0x170];
	_ =	sdelay $0x3  }
0x333: {  	s5 =	simm.s32 $0x95B0  }
0x334: {  	[tilespmem:v1+s5+$0x0] =	vst.idx.add.f32.msk $0xffff, v2  }
0x335: {  	v2 =	vld [tilespmem:s30+$0x180];
	_ =	sdelay $0x3  }
0x336: {  	s6 =	simm.s32 $0x95C0  }
0x337: {  	[tilespmem:v1+s6+$0x0] =	vst.idx.add.f32.msk $0xffff, v2  }
0x338: {  	v2 =	vld [tilespmem:s30+$0x190];
	_ =	sdelay $0x3  }
0x339: {  	s7 =	simm.s32 $0x95D0  }
0x33a: {  	[tilespmem:v1+s7+$0x0] =	vst.idx.add.f32.msk $0xffff, v2  }
0x33b: {  	v2 =	vld [tilespmem:s30+$0x1A0];
	_ =	sdelay $0x3  }
0x33c: {  	s8 =	simm.s32 $0x95E0  }
0x33d: {  	[tilespmem:v1+s8+$0x0] =	vst.idx.add.f32.msk $0xffff, v2  }
0x33e: {  	v2 =	vld [tilespmem:s30+$0x1B0];
	_ =	sdelay $0x3  }
0x33f: {  	s9 =	simm.s32 $0x95F0  }
0x340: {  	[tilespmem:v1+s9+$0x0] =	vst.idx.add.f32.msk $0xffff, v2  }
0x341: {  	v2 =	vld [tilespmem:s30+$0x1C0];
	_ =	sdelay $0x3  }
0x342: {  	s12 =	simm.s32 $0x9600  }
0x343: {  	[tilespmem:v1+s12+$0x0] =	vst.idx.add.f32.msk $0xffff, v2  }
0x344: {  	v2 =	vld [tilespmem:s30+$0x1D0];
	_ =	sdelay $0x3  }
0x345: {  	s5 =	simm.s32 $0x9610  }
0x346: {  	[tilespmem:v1+s5+$0x0] =	vst.idx.add.f32.msk $0xffff, v2  }
0x347: {  	v2 =	vld [tilespmem:s30+$0x1E0];
	_ =	sdelay $0x3  }
0x348: {  	s6 =	simm.s32 $0x9620  }
0x349: {  	[tilespmem:v1+s6+$0x0] =	vst.idx.add.f32.msk $0xffff, v2  }
0x34a: {  	v2 =	vld [tilespmem:s30+$0x1F0];
	_ =	sdelay $0x3  }
0x34b: {  	s7 =	simm.s32 $0x9630  }
0x34c: {  	[tilespmem:v1+s7+$0x0] =	vst.idx.add.f32.msk $0xffff, v2  }
0x34d: {  	v2 =	vld [tilespmem:s30+$0x200];
	_ =	sdelay $0x3  }
0x34e: {  	s8 =	simm.s32 $0x9640  }
0x34f: {  	[tilespmem:v1+s8+$0x0] =	vst.idx.add.f32.msk $0xffff, v2  }
0x350: {  	v2 =	vld [tilespmem:s30+$0x210];
	_ =	sdelay $0x3  }
0x351: {  	s9 =	simm.s32 $0x9650  }
0x352: {  	[tilespmem:v1+s9+$0x0] =	vst.idx.add.f32.msk $0xffff, v2  }
0x353: {  	v2 =	vld [tilespmem:s30+$0x220]  }
0x354: {  	s0 =	simm.s32 $0x10  }
0x355: {  	s31 =	simm.s32 $0x80;
	s13 =	simm.s32 $0x94D0;
	s15 =	simm.s32 $0x94E0  }
0x356: {  	s28 =	simm.s32 $0x9610;
	s29 =	simm.s32 $0x9620;
	s16 =	simm.s32 $0x94F0  }
0x357: {  	s17 =	simm.s32 $0x9500;
	s18 =	simm.s32 $0x9510;
	s12 =	simm.s32 $0x9660  }
0x358: {  	s1 =	simm.s32 $0x9580;
	s2 =	simm.s32 $0x9540;
	s3 =	simm.s32 $0x9550;
	[tilespmem:v1+s12+$0x0] =	vst.idx.add.f32.msk $0xffff, v2  }
0x359: {  	s4 =	simm.s32 $0x9560;
	s10 =	simm.s32 $0x9520;
	s11 =	simm.s32 $0x9530;
	v2 =	vld [tilespmem:s30+$0x230]  }
0x35a: {  	s14 =	simm.s32 $0x9590;
	s19 =	simm.s32 $0x9570;
	s20 =	simm.s32 $0x95A0  }
0x35b: {  	s21 =	simm.s32 $0x95B0;
	s22 =	simm.s32 $0x95C0;
	s23 =	simm.s32 $0x95D0  }
0x35c: {  	s24 =	simm.s32 $0x95E0;
	s25 =	simm.s32 $0x95F0;
	s26 =	simm.s32 $0x9600  }
0x35d: {  	s5 =	simm.s32 $0x9630;
	s6 =	simm.s32 $0x9640;
	s12 =	simm.s32 $0x9670  }
0x35e: {  	s7 =	simm.s32 $0x9650;
	s8 =	simm.s32 $0x9660;
	s9 =	simm.s32 $0x9670;
	[tilespmem:v1+s12+$0x0] =	vst.idx.add.f32.msk $0xffff, v2  }
.LBB2_5:
0x35f: {  	p0 =	sne.s32 s31, $0x3C0;
	v1 =	vld [tilespmem:s0+$0x100];
	s30 =	sadd.s32 $0x480, s30  }
0x360: {  	v2 =	vld [tilespmem:s30+$0xFFFFFDC0];
	_ =	sdelay $0x3  }
0x361: {  	v1 =	vmul.u32 $0x480, v1;
	_ =	sdelay $0x1  }
0x362: {  	v1 =	vor.u32 v0, v1;
	_ =	sdelay $0x3  }
0x363: {  	s0 =	simm.s32 $0x9200  }
0x364: {  	[tilespmem:v1+s0+$0x0] =	vst.idx.add.f32.msk $0xffff, v2  }
0x365: {  	v2 =	vld [tilespmem:s30+$0xFFFFFDD0];
	_ =	sdelay $0x3  }
0x366: {  	s0 =	simm.s32 $0x9210  }
0x367: {  	[tilespmem:v1+s0+$0x0] =	vst.idx.add.f32.msk $0xffff, v2  }
0x368: {  	v2 =	vld [tilespmem:s30+$0xFFFFFDE0];
	_ =	sdelay $0x3  }
0x369: {  	s0 =	simm.s32 $0x9220  }
0x36a: {  	[tilespmem:v1+s0+$0x0] =	vst.idx.add.f32.msk $0xffff, v2  }
0x36b: {  	v2 =	vld [tilespmem:s30+$0xFFFFFDF0];
	_ =	sdelay $0x3  }
0x36c: {  	s0 =	simm.s32 $0x9230  }
0x36d: {  	[tilespmem:v1+s0+$0x0] =	vst.idx.add.f32.msk $0xffff, v2  }
0x36e: {  	v2 =	vld [tilespmem:s30+$0xFFFFFE00];
	_ =	sdelay $0x3  }
0x36f: {  	s0 =	simm.s32 $0x9240  }
0x370: {  	[tilespmem:v1+s0+$0x0] =	vst.idx.add.f32.msk $0xffff, v2  }
0x371: {  	v2 =	vld [tilespmem:s30+$0xFFFFFE10];
	_ =	sdelay $0x3  }
0x372: {  	s0 =	simm.s32 $0x9250  }
0x373: {  	[tilespmem:v1+s0+$0x0] =	vst.idx.add.f32.msk $0xffff, v2  }
0x374: {  	v2 =	vld [tilespmem:s30+$0xFFFFFE20];
	_ =	sdelay $0x3  }
0x375: {  	s0 =	simm.s32 $0x9260  }
0x376: {  	[tilespmem:v1+s0+$0x0] =	vst.idx.add.f32.msk $0xffff, v2  }
0x377: {  	v2 =	vld [tilespmem:s30+$0xFFFFFE30];
	_ =	sdelay $0x3  }
0x378: {  	s0 =	simm.s32 $0x9270  }
0x379: {  	[tilespmem:v1+s0+$0x0] =	vst.idx.add.f32.msk $0xffff, v2  }
0x37a: {  	v2 =	vld [tilespmem:s30+$0xFFFFFE40];
	_ =	sdelay $0x3  }
0x37b: {  	s0 =	simm.s32 $0x9280  }
0x37c: {  	[tilespmem:v1+s0+$0x0] =	vst.idx.add.f32.msk $0xffff, v2  }
0x37d: {  	v2 =	vld [tilespmem:s30+$0xFFFFFE50];
	_ =	sdelay $0x3  }
0x37e: {  	s0 =	simm.s32 $0x9290  }
0x37f: {  	[tilespmem:v1+s0+$0x0] =	vst.idx.add.f32.msk $0xffff, v2  }
0x380: {  	v2 =	vld [tilespmem:s30+$0xFFFFFE60];
	_ =	sdelay $0x3  }
0x381: {  	s0 =	simm.s32 $0x92A0  }
0x382: {  	[tilespmem:v1+s0+$0x0] =	vst.idx.add.f32.msk $0xffff, v2  }
0x383: {  	v2 =	vld [tilespmem:s30+$0xFFFFFE70];
	_ =	sdelay $0x3  }
0x384: {  	s0 =	simm.s32 $0x92B0  }
0x385: {  	[tilespmem:v1+s0+$0x0] =	vst.idx.add.f32.msk $0xffff, v2  }
0x386: {  	v2 =	vld [tilespmem:s30+$0xFFFFFE80];
	_ =	sdelay $0x3  }
0x387: {  	s0 =	simm.s32 $0x92C0  }
0x388: {  	[tilespmem:v1+s0+$0x0] =	vst.idx.add.f32.msk $0xffff, v2  }
0x389: {  	v2 =	vld [tilespmem:s30+$0xFFFFFE90];
	_ =	sdelay $0x3  }
0x38a: {  	s0 =	simm.s32 $0x92D0  }
0x38b: {  	[tilespmem:v1+s0+$0x0] =	vst.idx.add.f32.msk $0xffff, v2  }
0x38c: {  	v2 =	vld [tilespmem:s30+$0xFFFFFEA0];
	_ =	sdelay $0x3  }
0x38d: {  	s0 =	simm.s32 $0x92E0  }
0x38e: {  	[tilespmem:v1+s0+$0x0] =	vst.idx.add.f32.msk $0xffff, v2  }
0x38f: {  	v2 =	vld [tilespmem:s30+$0xFFFFFEB0];
	_ =	sdelay $0x3  }
0x390: {  	s0 =	simm.s32 $0x92F0  }
0x391: {  	[tilespmem:v1+s0+$0x0] =	vst.idx.add.f32.msk $0xffff, v2  }
0x392: {  	v2 =	vld [tilespmem:s30+$0xFFFFFEC0];
	_ =	sdelay $0x3  }
0x393: {  	s0 =	simm.s32 $0x9300  }
0x394: {  	[tilespmem:v1+s0+$0x0] =	vst.idx.add.f32.msk $0xffff, v2  }
0x395: {  	v2 =	vld [tilespmem:s30+$0xFFFFFED0];
	_ =	sdelay $0x3  }
0x396: {  	s0 =	simm.s32 $0x9310  }
0x397: {  	[tilespmem:v1+s0+$0x0] =	vst.idx.add.f32.msk $0xffff, v2  }
0x398: {  	v2 =	vld [tilespmem:s30+$0xFFFFFEE0];
	_ =	sdelay $0x3  }
0x399: {  	s0 =	simm.s32 $0x9320  }
0x39a: {  	[tilespmem:v1+s0+$0x0] =	vst.idx.add.f32.msk $0xffff, v2  }
0x39b: {  	v2 =	vld [tilespmem:s30+$0xFFFFFEF0];
	_ =	sdelay $0x3  }
0x39c: {  	s0 =	simm.s32 $0x9330  }
0x39d: {  	[tilespmem:v1+s0+$0x0] =	vst.idx.add.f32.msk $0xffff, v2  }
0x39e: {  	v2 =	vld [tilespmem:s30+$0xFFFFFF00];
	_ =	sdelay $0x3  }
0x39f: {  	s0 =	simm.s32 $0x9340  }
0x3a0: {  	[tilespmem:v1+s0+$0x0] =	vst.idx.add.f32.msk $0xffff, v2  }
0x3a1: {  	v2 =	vld [tilespmem:s30+$0xFFFFFF10];
	_ =	sdelay $0x3  }
0x3a2: {  	s0 =	simm.s32 $0x9350  }
0x3a3: {  	[tilespmem:v1+s0+$0x0] =	vst.idx.add.f32.msk $0xffff, v2  }
0x3a4: {  	v2 =	vld [tilespmem:s30+$0xFFFFFF20];
	_ =	sdelay $0x3  }
0x3a5: {  	s0 =	simm.s32 $0x9360  }
0x3a6: {  	[tilespmem:v1+s0+$0x0] =	vst.idx.add.f32.msk $0xffff, v2  }
0x3a7: {  	v2 =	vld [tilespmem:s30+$0xFFFFFF30];
	_ =	sdelay $0x3  }
0x3a8: {  	s0 =	simm.s32 $0x9370  }
0x3a9: {  	[tilespmem:v1+s0+$0x0] =	vst.idx.add.f32.msk $0xffff, v2  }
0x3aa: {  	v2 =	vld [tilespmem:s30+$0xFFFFFF40];
	_ =	sdelay $0x3  }
0x3ab: {  	s0 =	simm.s32 $0x9380  }
0x3ac: {  	[tilespmem:v1+s0+$0x0] =	vst.idx.add.f32.msk $0xffff, v2  }
0x3ad: {  	v2 =	vld [tilespmem:s30+$0xFFFFFF50];
	_ =	sdelay $0x3  }
0x3ae: {  	s0 =	simm.s32 $0x9390  }
0x3af: {  	[tilespmem:v1+s0+$0x0] =	vst.idx.add.f32.msk $0xffff, v2  }
0x3b0: {  	v2 =	vld [tilespmem:s30+$0xFFFFFF60];
	_ =	sdelay $0x3  }
0x3b1: {  	s0 =	simm.s32 $0x93A0  }
0x3b2: {  	[tilespmem:v1+s0+$0x0] =	vst.idx.add.f32.msk $0xffff, v2  }
0x3b3: {  	v2 =	vld [tilespmem:s30+$0xFFFFFF70];
	_ =	sdelay $0x3  }
0x3b4: {  	s0 =	simm.s32 $0x93B0  }
0x3b5: {  	[tilespmem:v1+s0+$0x0] =	vst.idx.add.f32.msk $0xffff, v2  }
0x3b6: {  	v2 =	vld [tilespmem:s30+$0xFFFFFF80];
	_ =	sdelay $0x3  }
0x3b7: {  	s0 =	simm.s32 $0x93C0  }
0x3b8: {  	[tilespmem:v1+s0+$0x0] =	vst.idx.add.f32.msk $0xffff, v2  }
0x3b9: {  	v2 =	vld [tilespmem:s30+$0xFFFFFF90];
	_ =	sdelay $0x3  }
0x3ba: {  	s0 =	simm.s32 $0x93D0  }
0x3bb: {  	[tilespmem:v1+s0+$0x0] =	vst.idx.add.f32.msk $0xffff, v2  }
0x3bc: {  	v2 =	vld [tilespmem:s30+$0xFFFFFFA0];
	_ =	sdelay $0x3  }
0x3bd: {  	s0 =	simm.s32 $0x93E0  }
0x3be: {  	[tilespmem:v1+s0+$0x0] =	vst.idx.add.f32.msk $0xffff, v2  }
0x3bf: {  	v2 =	vld [tilespmem:s30+$0xFFFFFFB0];
	_ =	sdelay $0x3  }
0x3c0: {  	s0 =	simm.s32 $0x93F0  }
0x3c1: {  	[tilespmem:v1+s0+$0x0] =	vst.idx.add.f32.msk $0xffff, v2  }
0x3c2: {  	v2 =	vld [tilespmem:s30+$0xFFFFFFC0];
	_ =	sdelay $0x3  }
0x3c3: {  	s0 =	simm.s32 $0x9400  }
0x3c4: {  	[tilespmem:v1+s0+$0x0] =	vst.idx.add.f32.msk $0xffff, v2  }
0x3c5: {  	v2 =	vld [tilespmem:s30+$0xFFFFFFD0];
	_ =	sdelay $0x3  }
0x3c6: {  	s0 =	simm.s32 $0x9410  }
0x3c7: {  	[tilespmem:v1+s0+$0x0] =	vst.idx.add.f32.msk $0xffff, v2  }
0x3c8: {  	v2 =	vld [tilespmem:s30+$0xFFFFFFE0];
	_ =	sdelay $0x3  }
0x3c9: {  	s0 =	simm.s32 $0x9420  }
0x3ca: {  	[tilespmem:v1+s0+$0x0] =	vst.idx.add.f32.msk $0xffff, v2  }
0x3cb: {  	v2 =	vld [tilespmem:s30+$0xFFFFFFF0];
	_ =	sdelay $0x3  }
0x3cc: {  	s0 =	simm.s32 $0x9430  }
0x3cd: {  	[tilespmem:v1+s0+$0x0] =	vst.idx.add.f32.msk $0xffff, v2  }
0x3ce: {  	v2 =	vld [tilespmem:s30+$0x0];
	_ =	sdelay $0x3  }
0x3cf: {  	s0 =	simm.s32 $0x9440  }
0x3d0: {  	[tilespmem:v1+s0+$0x0] =	vst.idx.add.f32.msk $0xffff, v2  }
0x3d1: {  	v2 =	vld [tilespmem:s30+$0x10];
	_ =	sdelay $0x3  }
0x3d2: {  	s0 =	simm.s32 $0x9450  }
0x3d3: {  	[tilespmem:v1+s0+$0x0] =	vst.idx.add.f32.msk $0xffff, v2  }
0x3d4: {  	v2 =	vld [tilespmem:s30+$0x20];
	_ =	sdelay $0x3  }
0x3d5: {  	s0 =	simm.s32 $0x9460  }
0x3d6: {  	[tilespmem:v1+s0+$0x0] =	vst.idx.add.f32.msk $0xffff, v2  }
0x3d7: {  	v2 =	vld [tilespmem:s30+$0x30];
	_ =	sdelay $0x3  }
0x3d8: {  	s0 =	simm.s32 $0x9470  }
0x3d9: {  	[tilespmem:v1+s0+$0x0] =	vst.idx.add.f32.msk $0xffff, v2  }
0x3da: {  	v2 =	vld [tilespmem:s30+$0x40];
	_ =	sdelay $0x3  }
0x3db: {  	s0 =	simm.s32 $0x9480  }
0x3dc: {  	[tilespmem:v1+s0+$0x0] =	vst.idx.add.f32.msk $0xffff, v2  }
0x3dd: {  	v2 =	vld [tilespmem:s30+$0x50];
	_ =	sdelay $0x3  }
0x3de: {  	s0 =	simm.s32 $0x9490  }
0x3df: {  	[tilespmem:v1+s0+$0x0] =	vst.idx.add.f32.msk $0xffff, v2  }
0x3e0: {  	v2 =	vld [tilespmem:s30+$0x60];
	_ =	sdelay $0x3  }
0x3e1: {  	s0 =	simm.s32 $0x94A0  }
0x3e2: {  	[tilespmem:v1+s0+$0x0] =	vst.idx.add.f32.msk $0xffff, v2  }
0x3e3: {  	v2 =	vld [tilespmem:s30+$0x70];
	_ =	sdelay $0x3  }
0x3e4: {  	s0 =	simm.s32 $0x94B0  }
0x3e5: {  	[tilespmem:v1+s0+$0x0] =	vst.idx.add.f32.msk $0xffff, v2  }
0x3e6: {  	v2 =	vld [tilespmem:s30+$0x80];
	_ =	sdelay $0x3  }
0x3e7: {  	s0 =	simm.s32 $0x94C0  }
0x3e8: {  	[tilespmem:v1+s0+$0x0] =	vst.idx.add.f32.msk $0xffff, v2  }
0x3e9: {  	v2 =	vld [tilespmem:s30+$0x90];
	_ =	sdelay $0x4  }
0x3ea: {  	[tilespmem:v1+s13+$0x0] =	vst.idx.add.f32.msk $0xffff, v2  }
0x3eb: {  	v2 =	vld [tilespmem:s30+$0xA0];
	_ =	sdelay $0x4  }
0x3ec: {  	[tilespmem:v1+s15+$0x0] =	vst.idx.add.f32.msk $0xffff, v2  }
0x3ed: {  	v2 =	vld [tilespmem:s30+$0xB0];
	_ =	sdelay $0x4  }
0x3ee: {  	[tilespmem:v1+s16+$0x0] =	vst.idx.add.f32.msk $0xffff, v2  }
0x3ef: {  	v2 =	vld [tilespmem:s30+$0xC0];
	_ =	sdelay $0x4  }
0x3f0: {  	[tilespmem:v1+s17+$0x0] =	vst.idx.add.f32.msk $0xffff, v2  }
0x3f1: {  	v2 =	vld [tilespmem:s30+$0xD0];
	_ =	sdelay $0x4  }
0x3f2: {  	[tilespmem:v1+s18+$0x0] =	vst.idx.add.f32.msk $0xffff, v2  }
0x3f3: {  	v2 =	vld [tilespmem:s30+$0xE0];
	_ =	sdelay $0x4  }
0x3f4: {  	[tilespmem:v1+s10+$0x0] =	vst.idx.add.f32.msk $0xffff, v2  }
0x3f5: {  	v2 =	vld [tilespmem:s30+$0xF0];
	_ =	sdelay $0x4  }
0x3f6: {  	[tilespmem:v1+s11+$0x0] =	vst.idx.add.f32.msk $0xffff, v2  }
0x3f7: {  	v2 =	vld [tilespmem:s30+$0x100];
	_ =	sdelay $0x4  }
0x3f8: {  	[tilespmem:v1+s2+$0x0] =	vst.idx.add.f32.msk $0xffff, v2  }
0x3f9: {  	v2 =	vld [tilespmem:s30+$0x110];
	_ =	sdelay $0x4  }
0x3fa: {  	[tilespmem:v1+s3+$0x0] =	vst.idx.add.f32.msk $0xffff, v2  }
0x3fb: {  	v2 =	vld [tilespmem:s30+$0x120];
	_ =	sdelay $0x4  }
0x3fc: {  	[tilespmem:v1+s4+$0x0] =	vst.idx.add.f32.msk $0xffff, v2  }
0x3fd: {  	v2 =	vld [tilespmem:s30+$0x130];
	_ =	sdelay $0x4  }
0x3fe: {  	[tilespmem:v1+s19+$0x0] =	vst.idx.add.f32.msk $0xffff, v2  }
0x3ff: {  	v2 =	vld [tilespmem:s30+$0x140];
	_ =	sdelay $0x4  }
0x400: {  	[tilespmem:v1+s1+$0x0] =	vst.idx.add.f32.msk $0xffff, v2  }
0x401: {  	v2 =	vld [tilespmem:s30+$0x150];
	_ =	sdelay $0x4  }
0x402: {  	[tilespmem:v1+s14+$0x0] =	vst.idx.add.f32.msk $0xffff, v2  }
0x403: {  	v2 =	vld [tilespmem:s30+$0x160];
	_ =	sdelay $0x4  }
0x404: {  	[tilespmem:v1+s20+$0x0] =	vst.idx.add.f32.msk $0xffff, v2  }
0x405: {  	v2 =	vld [tilespmem:s30+$0x170];
	_ =	sdelay $0x4  }
0x406: {  	[tilespmem:v1+s21+$0x0] =	vst.idx.add.f32.msk $0xffff, v2  }
0x407: {  	v2 =	vld [tilespmem:s30+$0x180];
	_ =	sdelay $0x4  }
0x408: {  	[tilespmem:v1+s22+$0x0] =	vst.idx.add.f32.msk $0xffff, v2  }
0x409: {  	v2 =	vld [tilespmem:s30+$0x190];
	_ =	sdelay $0x4  }
0x40a: {  	[tilespmem:v1+s23+$0x0] =	vst.idx.add.f32.msk $0xffff, v2  }
0x40b: {  	v2 =	vld [tilespmem:s30+$0x1A0];
	_ =	sdelay $0x4  }
0x40c: {  	[tilespmem:v1+s24+$0x0] =	vst.idx.add.f32.msk $0xffff, v2  }
0x40d: {  	v2 =	vld [tilespmem:s30+$0x1B0];
	_ =	sdelay $0x4  }
0x40e: {  	[tilespmem:v1+s25+$0x0] =	vst.idx.add.f32.msk $0xffff, v2  }
0x40f: {  	v2 =	vld [tilespmem:s30+$0x1C0];
	_ =	sdelay $0x4  }
0x410: {  	[tilespmem:v1+s26+$0x0] =	vst.idx.add.f32.msk $0xffff, v2  }
0x411: {  	v2 =	vld [tilespmem:s30+$0x1D0];
	_ =	sdelay $0x4  }
0x412: {  	[tilespmem:v1+s28+$0x0] =	vst.idx.add.f32.msk $0xffff, v2  }
0x413: {  	v2 =	vld [tilespmem:s30+$0x1E0];
	_ =	sdelay $0x4  }
0x414: {  	[tilespmem:v1+s29+$0x0] =	vst.idx.add.f32.msk $0xffff, v2  }
0x415: {  	v2 =	vld [tilespmem:s30+$0x1F0];
	_ =	sdelay $0x4  }
0x416: {  	[tilespmem:v1+s5+$0x0] =	vst.idx.add.f32.msk $0xffff, v2  }
0x417: {  	v2 =	vld [tilespmem:s30+$0x200];
	_ =	sdelay $0x4  }
0x418: {  	[tilespmem:v1+s6+$0x0] =	vst.idx.add.f32.msk $0xffff, v2  }
0x419: {  	v2 =	vld [tilespmem:s30+$0x210];
	_ =	sdelay $0x4  }
0x41a: {  	[tilespmem:v1+s7+$0x0] =	vst.idx.add.f32.msk $0xffff, v2  }
0x41b: {  	v2 =	vld [tilespmem:s30+$0x220];
	_ =	sdelay $0x4  }
0x41c: {  	[tilespmem:v1+s8+$0x0] =	vst.idx.add.f32.msk $0xffff, v2  }
0x41d: {  	v2 =	vld [tilespmem:s30+$0x230]  }
.Ltmp1:
0x41e: {  	(pc) =	sbr.rel @p0 .LBB2_5-.Ltmp1, $2  }
0x41f: {  	_ =	sdelay $0x2  }
0x420: {  	s0 =	sshra.s32 s31, $0x2;
	s31 =	sadd.s32 $0x40, s31;
	[tilespmem:v1+s9+$0x0] =	vst.idx.add.f32.msk $0xffff, v2  }
0x421: {  	v1 =	vld [tilespmem:s0+$0x100];
	_ =	sdelay $0x4  }
0x422: {  	v1 =	vmul.u32 $0x480, v1  }
0x423: {  	s30 =	sadd.s32 $0x480, s30  }
0x424: {  	v2 =	vld [tilespmem:s30+$0xFFFFFDC0];
	v1 =	vor.u32 v0, v1;
	_ =	sdelay $0x3  }
0x425: {  	s12 =	simm.s32 $0x9200  }
0x426: {  	[tilespmem:v1+s12+$0x0] =	vst.idx.add.f32.msk $0xffff, v2  }
0x427: {  	v2 =	vld [tilespmem:s30+$0xFFFFFDD0];
	_ =	sdelay $0x3  }
0x428: {  	s31 =	simm.s32 $0x9210  }
0x429: {  	[tilespmem:v1+s31+$0x0] =	vst.idx.add.f32.msk $0xffff, v2  }
0x42a: {  	v2 =	vld [tilespmem:s30+$0xFFFFFDE0];
	_ =	sdelay $0x3  }
0x42b: {  	s12 =	simm.s32 $0x9220  }
0x42c: {  	[tilespmem:v1+s12+$0x0] =	vst.idx.add.f32.msk $0xffff, v2  }
0x42d: {  	v2 =	vld [tilespmem:s30+$0xFFFFFDF0];
	_ =	sdelay $0x3  }
0x42e: {  	s31 =	simm.s32 $0x9230  }
0x42f: {  	[tilespmem:v1+s31+$0x0] =	vst.idx.add.f32.msk $0xffff, v2  }
0x430: {  	v2 =	vld [tilespmem:s30+$0xFFFFFE00];
	_ =	sdelay $0x3  }
0x431: {  	s12 =	simm.s32 $0x9240  }
0x432: {  	[tilespmem:v1+s12+$0x0] =	vst.idx.add.f32.msk $0xffff, v2  }
0x433: {  	v2 =	vld [tilespmem:s30+$0xFFFFFE10];
	_ =	sdelay $0x3  }
0x434: {  	s31 =	simm.s32 $0x9250  }
0x435: {  	[tilespmem:v1+s31+$0x0] =	vst.idx.add.f32.msk $0xffff, v2  }
0x436: {  	v2 =	vld [tilespmem:s30+$0xFFFFFE20];
	_ =	sdelay $0x3  }
0x437: {  	s12 =	simm.s32 $0x9260  }
0x438: {  	[tilespmem:v1+s12+$0x0] =	vst.idx.add.f32.msk $0xffff, v2  }
0x439: {  	v2 =	vld [tilespmem:s30+$0xFFFFFE30];
	_ =	sdelay $0x3  }
0x43a: {  	s31 =	simm.s32 $0x9270  }
0x43b: {  	[tilespmem:v1+s31+$0x0] =	vst.idx.add.f32.msk $0xffff, v2  }
0x43c: {  	v2 =	vld [tilespmem:s30+$0xFFFFFE40];
	_ =	sdelay $0x3  }
0x43d: {  	s12 =	simm.s32 $0x9280  }
0x43e: {  	[tilespmem:v1+s12+$0x0] =	vst.idx.add.f32.msk $0xffff, v2  }
0x43f: {  	v2 =	vld [tilespmem:s30+$0xFFFFFE50];
	_ =	sdelay $0x3  }
0x440: {  	s31 =	simm.s32 $0x9290  }
0x441: {  	[tilespmem:v1+s31+$0x0] =	vst.idx.add.f32.msk $0xffff, v2  }
0x442: {  	v2 =	vld [tilespmem:s30+$0xFFFFFE60];
	_ =	sdelay $0x3  }
0x443: {  	s12 =	simm.s32 $0x92A0  }
0x444: {  	[tilespmem:v1+s12+$0x0] =	vst.idx.add.f32.msk $0xffff, v2  }
0x445: {  	v2 =	vld [tilespmem:s30+$0xFFFFFE70];
	_ =	sdelay $0x3  }
0x446: {  	s31 =	simm.s32 $0x92B0  }
0x447: {  	[tilespmem:v1+s31+$0x0] =	vst.idx.add.f32.msk $0xffff, v2  }
0x448: {  	v2 =	vld [tilespmem:s30+$0xFFFFFE80];
	_ =	sdelay $0x3  }
0x449: {  	s12 =	simm.s32 $0x92C0  }
0x44a: {  	[tilespmem:v1+s12+$0x0] =	vst.idx.add.f32.msk $0xffff, v2  }
0x44b: {  	v2 =	vld [tilespmem:s30+$0xFFFFFE90];
	_ =	sdelay $0x3  }
0x44c: {  	s31 =	simm.s32 $0x92D0  }
0x44d: {  	[tilespmem:v1+s31+$0x0] =	vst.idx.add.f32.msk $0xffff, v2  }
0x44e: {  	v2 =	vld [tilespmem:s30+$0xFFFFFEA0];
	_ =	sdelay $0x3  }
0x44f: {  	s12 =	simm.s32 $0x92E0  }
0x450: {  	[tilespmem:v1+s12+$0x0] =	vst.idx.add.f32.msk $0xffff, v2  }
0x451: {  	v2 =	vld [tilespmem:s30+$0xFFFFFEB0];
	_ =	sdelay $0x3  }
0x452: {  	s31 =	simm.s32 $0x92F0  }
0x453: {  	[tilespmem:v1+s31+$0x0] =	vst.idx.add.f32.msk $0xffff, v2  }
0x454: {  	v2 =	vld [tilespmem:s30+$0xFFFFFEC0];
	_ =	sdelay $0x3  }
0x455: {  	s12 =	simm.s32 $0x9300  }
0x456: {  	[tilespmem:v1+s12+$0x0] =	vst.idx.add.f32.msk $0xffff, v2  }
0x457: {  	v2 =	vld [tilespmem:s30+$0xFFFFFED0];
	_ =	sdelay $0x3  }
0x458: {  	s31 =	simm.s32 $0x9310  }
0x459: {  	[tilespmem:v1+s31+$0x0] =	vst.idx.add.f32.msk $0xffff, v2  }
0x45a: {  	v2 =	vld [tilespmem:s30+$0xFFFFFEE0];
	_ =	sdelay $0x3  }
0x45b: {  	s12 =	simm.s32 $0x9320  }
0x45c: {  	[tilespmem:v1+s12+$0x0] =	vst.idx.add.f32.msk $0xffff, v2  }
0x45d: {  	v2 =	vld [tilespmem:s30+$0xFFFFFEF0];
	_ =	sdelay $0x3  }
0x45e: {  	s31 =	simm.s32 $0x9330  }
0x45f: {  	[tilespmem:v1+s31+$0x0] =	vst.idx.add.f32.msk $0xffff, v2  }
0x460: {  	v2 =	vld [tilespmem:s30+$0xFFFFFF00];
	_ =	sdelay $0x3  }
0x461: {  	s12 =	simm.s32 $0x9340  }
0x462: {  	[tilespmem:v1+s12+$0x0] =	vst.idx.add.f32.msk $0xffff, v2  }
0x463: {  	v2 =	vld [tilespmem:s30+$0xFFFFFF10];
	_ =	sdelay $0x3  }
0x464: {  	s31 =	simm.s32 $0x9350  }
0x465: {  	[tilespmem:v1+s31+$0x0] =	vst.idx.add.f32.msk $0xffff, v2  }
0x466: {  	v2 =	vld [tilespmem:s30+$0xFFFFFF20];
	_ =	sdelay $0x3  }
0x467: {  	s12 =	simm.s32 $0x9360  }
0x468: {  	[tilespmem:v1+s12+$0x0] =	vst.idx.add.f32.msk $0xffff, v2  }
0x469: {  	v2 =	vld [tilespmem:s30+$0xFFFFFF30];
	_ =	sdelay $0x3  }
0x46a: {  	s31 =	simm.s32 $0x9370  }
0x46b: {  	[tilespmem:v1+s31+$0x0] =	vst.idx.add.f32.msk $0xffff, v2  }
0x46c: {  	v2 =	vld [tilespmem:s30+$0xFFFFFF40];
	_ =	sdelay $0x3  }
0x46d: {  	s12 =	simm.s32 $0x9380  }
0x46e: {  	[tilespmem:v1+s12+$0x0] =	vst.idx.add.f32.msk $0xffff, v2  }
0x46f: {  	v2 =	vld [tilespmem:s30+$0xFFFFFF50];
	_ =	sdelay $0x3  }
0x470: {  	s31 =	simm.s32 $0x9390  }
0x471: {  	[tilespmem:v1+s31+$0x0] =	vst.idx.add.f32.msk $0xffff, v2  }
0x472: {  	v2 =	vld [tilespmem:s30+$0xFFFFFF60];
	_ =	sdelay $0x3  }
0x473: {  	s12 =	simm.s32 $0x93A0  }
0x474: {  	[tilespmem:v1+s12+$0x0] =	vst.idx.add.f32.msk $0xffff, v2  }
0x475: {  	v2 =	vld [tilespmem:s30+$0xFFFFFF70];
	_ =	sdelay $0x3  }
0x476: {  	s31 =	simm.s32 $0x93B0  }
0x477: {  	[tilespmem:v1+s31+$0x0] =	vst.idx.add.f32.msk $0xffff, v2  }
0x478: {  	v2 =	vld [tilespmem:s30+$0xFFFFFF80];
	_ =	sdelay $0x3  }
0x479: {  	s12 =	simm.s32 $0x93C0  }
0x47a: {  	[tilespmem:v1+s12+$0x0] =	vst.idx.add.f32.msk $0xffff, v2  }
0x47b: {  	v2 =	vld [tilespmem:s30+$0xFFFFFF90];
	_ =	sdelay $0x3  }
0x47c: {  	s31 =	simm.s32 $0x93D0  }
0x47d: {  	[tilespmem:v1+s31+$0x0] =	vst.idx.add.f32.msk $0xffff, v2  }
0x47e: {  	v2 =	vld [tilespmem:s30+$0xFFFFFFA0];
	_ =	sdelay $0x3  }
0x47f: {  	s12 =	simm.s32 $0x93E0  }
0x480: {  	[tilespmem:v1+s12+$0x0] =	vst.idx.add.f32.msk $0xffff, v2  }
0x481: {  	v2 =	vld [tilespmem:s30+$0xFFFFFFB0];
	_ =	sdelay $0x3  }
0x482: {  	s31 =	simm.s32 $0x93F0  }
0x483: {  	[tilespmem:v1+s31+$0x0] =	vst.idx.add.f32.msk $0xffff, v2  }
0x484: {  	v2 =	vld [tilespmem:s30+$0xFFFFFFC0];
	_ =	sdelay $0x3  }
0x485: {  	s12 =	simm.s32 $0x9400  }
0x486: {  	[tilespmem:v1+s12+$0x0] =	vst.idx.add.f32.msk $0xffff, v2  }
0x487: {  	v2 =	vld [tilespmem:s30+$0xFFFFFFD0];
	_ =	sdelay $0x3  }
0x488: {  	s31 =	simm.s32 $0x9410  }
0x489: {  	[tilespmem:v1+s31+$0x0] =	vst.idx.add.f32.msk $0xffff, v2  }
0x48a: {  	v2 =	vld [tilespmem:s30+$0xFFFFFFE0];
	_ =	sdelay $0x3  }
0x48b: {  	s12 =	simm.s32 $0x9420  }
0x48c: {  	[tilespmem:v1+s12+$0x0] =	vst.idx.add.f32.msk $0xffff, v2  }
0x48d: {  	v2 =	vld [tilespmem:s30+$0xFFFFFFF0];
	_ =	sdelay $0x3  }
0x48e: {  	s31 =	simm.s32 $0x9430  }
0x48f: {  	[tilespmem:v1+s31+$0x0] =	vst.idx.add.f32.msk $0xffff, v2  }
0x490: {  	v2 =	vld [tilespmem:s30+$0x0];
	_ =	sdelay $0x3  }
0x491: {  	s12 =	simm.s32 $0x9440  }
0x492: {  	[tilespmem:v1+s12+$0x0] =	vst.idx.add.f32.msk $0xffff, v2  }
0x493: {  	v2 =	vld [tilespmem:s30+$0x10];
	_ =	sdelay $0x3  }
0x494: {  	s31 =	simm.s32 $0x9450  }
0x495: {  	[tilespmem:v1+s31+$0x0] =	vst.idx.add.f32.msk $0xffff, v2  }
0x496: {  	v2 =	vld [tilespmem:s30+$0x20];
	_ =	sdelay $0x3  }
0x497: {  	s12 =	simm.s32 $0x9460  }
0x498: {  	[tilespmem:v1+s12+$0x0] =	vst.idx.add.f32.msk $0xffff, v2  }
0x499: {  	v2 =	vld [tilespmem:s30+$0x30];
	_ =	sdelay $0x3  }
0x49a: {  	s31 =	simm.s32 $0x9470  }
0x49b: {  	[tilespmem:v1+s31+$0x0] =	vst.idx.add.f32.msk $0xffff, v2  }
0x49c: {  	v2 =	vld [tilespmem:s30+$0x40];
	_ =	sdelay $0x3  }
0x49d: {  	s12 =	simm.s32 $0x9480  }
0x49e: {  	[tilespmem:v1+s12+$0x0] =	vst.idx.add.f32.msk $0xffff, v2  }
0x49f: {  	v2 =	vld [tilespmem:s30+$0x50];
	_ =	sdelay $0x3  }
0x4a0: {  	s31 =	simm.s32 $0x9490  }
0x4a1: {  	[tilespmem:v1+s31+$0x0] =	vst.idx.add.f32.msk $0xffff, v2  }
0x4a2: {  	v2 =	vld [tilespmem:s30+$0x60];
	_ =	sdelay $0x3  }
0x4a3: {  	s12 =	simm.s32 $0x94A0  }
0x4a4: {  	[tilespmem:v1+s12+$0x0] =	vst.idx.add.f32.msk $0xffff, v2  }
0x4a5: {  	v2 =	vld [tilespmem:s30+$0x70];
	_ =	sdelay $0x3  }
0x4a6: {  	s31 =	simm.s32 $0x94B0  }
0x4a7: {  	[tilespmem:v1+s31+$0x0] =	vst.idx.add.f32.msk $0xffff, v2  }
0x4a8: {  	v2 =	vld [tilespmem:s30+$0x80];
	_ =	sdelay $0x3  }
0x4a9: {  	s12 =	simm.s32 $0x94C0  }
0x4aa: {  	[tilespmem:v1+s12+$0x0] =	vst.idx.add.f32.msk $0xffff, v2  }
0x4ab: {  	v2 =	vld [tilespmem:s30+$0x90];
	_ =	sdelay $0x4  }
0x4ac: {  	[tilespmem:v1+s13+$0x0] =	vst.idx.add.f32.msk $0xffff, v2  }
0x4ad: {  	v2 =	vld [tilespmem:s30+$0xA0];
	_ =	sdelay $0x4  }
0x4ae: {  	[tilespmem:v1+s15+$0x0] =	vst.idx.add.f32.msk $0xffff, v2  }
0x4af: {  	v2 =	vld [tilespmem:s30+$0xB0];
	_ =	sdelay $0x4  }
0x4b0: {  	[tilespmem:v1+s16+$0x0] =	vst.idx.add.f32.msk $0xffff, v2  }
0x4b1: {  	v2 =	vld [tilespmem:s30+$0xC0];
	_ =	sdelay $0x4  }
0x4b2: {  	[tilespmem:v1+s17+$0x0] =	vst.idx.add.f32.msk $0xffff, v2  }
0x4b3: {  	v2 =	vld [tilespmem:s30+$0xD0];
	_ =	sdelay $0x4  }
0x4b4: {  	[tilespmem:v1+s18+$0x0] =	vst.idx.add.f32.msk $0xffff, v2  }
0x4b5: {  	v2 =	vld [tilespmem:s30+$0xE0];
	_ =	sdelay $0x4  }
0x4b6: {  	[tilespmem:v1+s10+$0x0] =	vst.idx.add.f32.msk $0xffff, v2  }
0x4b7: {  	v2 =	vld [tilespmem:s30+$0xF0];
	_ =	sdelay $0x4  }
0x4b8: {  	[tilespmem:v1+s11+$0x0] =	vst.idx.add.f32.msk $0xffff, v2  }
0x4b9: {  	v2 =	vld [tilespmem:s30+$0x100];
	_ =	sdelay $0x4  }
0x4ba: {  	[tilespmem:v1+s2+$0x0] =	vst.idx.add.f32.msk $0xffff, v2  }
0x4bb: {  	v2 =	vld [tilespmem:s30+$0x110];
	_ =	sdelay $0x4  }
0x4bc: {  	[tilespmem:v1+s3+$0x0] =	vst.idx.add.f32.msk $0xffff, v2  }
0x4bd: {  	v2 =	vld [tilespmem:s30+$0x120];
	_ =	sdelay $0x4  }
0x4be: {  	[tilespmem:v1+s4+$0x0] =	vst.idx.add.f32.msk $0xffff, v2  }
0x4bf: {  	v2 =	vld [tilespmem:s30+$0x130];
	_ =	sdelay $0x4  }
0x4c0: {  	[tilespmem:v1+s19+$0x0] =	vst.idx.add.f32.msk $0xffff, v2  }
0x4c1: {  	v2 =	vld [tilespmem:s30+$0x140];
	_ =	sdelay $0x4  }
0x4c2: {  	[tilespmem:v1+s1+$0x0] =	vst.idx.add.f32.msk $0xffff, v2  }
0x4c3: {  	v2 =	vld [tilespmem:s30+$0x150];
	_ =	sdelay $0x4  }
0x4c4: {  	[tilespmem:v1+s14+$0x0] =	vst.idx.add.f32.msk $0xffff, v2  }
0x4c5: {  	v2 =	vld [tilespmem:s30+$0x160];
	_ =	sdelay $0x4  }
0x4c6: {  	[tilespmem:v1+s20+$0x0] =	vst.idx.add.f32.msk $0xffff, v2  }
0x4c7: {  	v2 =	vld [tilespmem:s30+$0x170];
	_ =	sdelay $0x4  }
0x4c8: {  	[tilespmem:v1+s21+$0x0] =	vst.idx.add.f32.msk $0xffff, v2  }
0x4c9: {  	v2 =	vld [tilespmem:s30+$0x180];
	_ =	sdelay $0x4  }
0x4ca: {  	[tilespmem:v1+s22+$0x0] =	vst.idx.add.f32.msk $0xffff, v2  }
0x4cb: {  	v2 =	vld [tilespmem:s30+$0x190];
	_ =	sdelay $0x4  }
0x4cc: {  	[tilespmem:v1+s23+$0x0] =	vst.idx.add.f32.msk $0xffff, v2  }
0x4cd: {  	v2 =	vld [tilespmem:s30+$0x1A0];
	_ =	sdelay $0x4  }
0x4ce: {  	[tilespmem:v1+s24+$0x0] =	vst.idx.add.f32.msk $0xffff, v2  }
0x4cf: {  	v2 =	vld [tilespmem:s30+$0x1B0];
	_ =	sdelay $0x4  }
0x4d0: {  	[tilespmem:v1+s25+$0x0] =	vst.idx.add.f32.msk $0xffff, v2  }
0x4d1: {  	v2 =	vld [tilespmem:s30+$0x1C0];
	_ =	sdelay $0x4  }
0x4d2: {  	[tilespmem:v1+s26+$0x0] =	vst.idx.add.f32.msk $0xffff, v2  }
0x4d3: {  	v2 =	vld [tilespmem:s30+$0x1D0];
	_ =	sdelay $0x4  }
0x4d4: {  	[tilespmem:v1+s28+$0x0] =	vst.idx.add.f32.msk $0xffff, v2  }
0x4d5: {  	v2 =	vld [tilespmem:s30+$0x1E0];
	_ =	sdelay $0x4  }
0x4d6: {  	[tilespmem:v1+s29+$0x0] =	vst.idx.add.f32.msk $0xffff, v2  }
0x4d7: {  	v2 =	vld [tilespmem:s30+$0x1F0];
	_ =	sdelay $0x4  }
0x4d8: {  	[tilespmem:v1+s5+$0x0] =	vst.idx.add.f32.msk $0xffff, v2  }
0x4d9: {  	v2 =	vld [tilespmem:s30+$0x200];
	_ =	sdelay $0x4  }
0x4da: {  	[tilespmem:v1+s6+$0x0] =	vst.idx.add.f32.msk $0xffff, v2  }
0x4db: {  	v2 =	vld [tilespmem:s30+$0x210];
	_ =	sdelay $0x4  }
0x4dc: {  	[tilespmem:v1+s7+$0x0] =	vst.idx.add.f32.msk $0xffff, v2  }
0x4dd: {  	v2 =	vld [tilespmem:s30+$0x220];
	_ =	sdelay $0x4  }
0x4de: {  	s31 =	rddreg [dreg:$0xf];
	[tilespmem:v1+s8+$0x0] =	vst.idx.add.f32.msk $0xffff, v2  }
0x4df: {  	s0 =	smin.u32 s31, $0x10;
	v2 =	vld [tilespmem:s30+$0x230]  }
0x4e0: {  	s0 =	sshll.u32 s0, $0x4;
	s12 =	rddreg [dreg:$0xa]  }
0x4e1: {  	s0 =	sadd.s32 s0, s12  }
0x4e2: {  	s30 =	sshll.u32 s0, $0x1  }
0x4e3: {  	s31 =	rddreg [dreg:$0x3];
	s12 =	simm.s32 $0x0;
	s30 =	sand.u32 $0xFFE0, s30  }
0x4e4: {  	s0 =	smul.u32 $0x90, s0;
	s30 =	sadd.s32 s31, s30;
	s31 =	simm.s32 $0x100;
	[tilespmem:v1+s9+$0x0] =	vst.idx.add.f32.msk $0xffff, v2  }
0x4e5: {  	[tilespmem:s31], [sflag:$0x1] =	stream.linear.gather [hbm4b:s30+s12], $0x100, $0x38;
	[tilespmem:$0x1B680] =	vst v63  }
0x4e6: {  	s31 =	rddreg [dreg:$0x2]  }
0x4e7: {  	s0 =	sadd.s32 s31, s0;
	s31 =	simm.s32 $0x4A00  }
0x4e8: {  	[tilespmem:s31], [sflag:$0x1] =	stream.linear.gather [hbm4b:s0+s12], $0x4800, $0x38;
	[tilespmem:$0x1B680] =	vst v63  }
0x4e9: {  	s31 =	rddreg [dreg:$0xe]  }
0x4ea: {  	s0 =	sadd.s32 $0x1, s31  }
0x4eb: {  	p0 =	sne.s32 s0, $0xA  }
.Ltmp2:
0x4ec: {  	_ = 	snop;
	(pc) =	sbr.rel @p0 .LBB2_2-.Ltmp2, $2  }
0x4ed: {  	_ =	sdelay $0x2  }
0x4ee: {  	[dreg:$0xe] =	wrdreg s0  }
0x4ef: {  	s0 =	simm.s32 $0x1  }
0x4f0: {  	_ =	swait.ge [sflag:s0], $0x100  }
0x4f1: {  	[sflag:s0] =	ssyncset.done $0x0  }
0x4f2: {  	[sflag:s0] =	ssyncadd.s32 $0xFFFFFF00  }
0x4f3: {  	_ =	swait.ge [sflag:s0], $0x4800  }
0x4f4: {  	[sflag:s0] =	ssyncset.done $0x0  }
0x4f5: {  	[sflag:s0] =	ssyncadd.s32 $0xFFFFB800  }
0x4f6: {  	_ =	swait.ge [sflag:s0], $0x100  }
0x4f7: {  	[sflag:s0] =	ssyncset.done $0x0  }
0x4f8: {  	[sflag:s0] =	ssyncadd.s32 $0xFFFFFF00  }
0x4f9: {  	s2 =	simm.s32 $0x80;
	_ =	swait.ge [sflag:s0], $0x4800  }
0x4fa: {  	s3 =	simm.s32 $0x400;
	s1 =	simm.s32 $0x9200;
	[sflag:s0] =	ssyncset.done $0x0  }
0x4fb: {  	s31 =	simm.s32 $0x2;
	s28 =	rddreg [dreg:$0xb];
	[sflag:s0] =	ssyncadd.s32 $0xFFFFB800  }
0x4fc: {  	[hbm4b:s28+s2] =	stream.strided.scatter [tilespmem:s1], [sflag:$0x2], $0x12480, s3, s2, $0x38;
	[tilespmem:$0x1B680] =	vst v63  }
0x4fd: {  	_ =	swait.ge [sflag:s31], $0x12480  }
0x4fe: {  	s29 =	rddreg [dreg:$0xd]  }
0x4ff: {  	s30 =	rddreg [dreg:$0xc];
	s2 =	sadd.s32 $0x1, s29  }
0x500: {  	p0 =	sne.s32 s2, s30  }
.Ltmp3:
0x501: {  	_ = 	snop;
	(pc) =	sbr.rel @p0 .LBB2_1-.Ltmp3, $3  }
0x502: {  	_ =	sdelay $0x1  }
0x503: {  	[sflag:s31] =	ssyncset.done $0x0  }
0x504: {  	[sflag:s31] =	ssyncadd.s32 $0xFFFEDB80  }
0x505: {  	_ =	sfence.sel $0x180000  }
0x506: {  	[bflag:$0x0] =	sbarrier.arrive $0xFFFF  }
0x507: {  	_ =	strace $0x90000047  }
0x508: {  	s0 =	stileid.u32;
	[bflag:$0x2] =	sbarrier.arrive $0xFFFF  }
0x509: {  	p0 =	sne.s32 s0, $0x0;
	s0 =	rddreg [dreg:$0x1]  }
0x50a: {  	s0 =	sadd.s32 @!p0 $0x100000, s0  }
0x50b: {  	[sflag:s0] =	ssyncadd.tile.s32 @!p0 $0x1;
	_ =	shalt  }
.Lfunc_end2:
_tile_overlayer_lowered:
.L_overlay_start_2:
0x50c: {  	(tag) =	ssettag $0x2  }
0x50d: {  	s0 =	rddreg [dreg:$0x0];
	s2 =	stileid.u32  }
0x50e: {  	s1 =	rddreg [dreg:$0x1];
	p0 =	sne.s32 s2, $0x0  }
0x50f: {  	s3 =	rddreg [dreg:$0x2];
	[bflag:$0x3] =	sbarrier.arrive $0xFFFF;
	s2 =	simm.s32 @!p0 $0x1C02  }
0x510: {  	[timem:s3], [sflag:s2] =	dma.local @!p0 [hbm:s0], s1  }
0x511: {  	s0 =	simm.s32 @!p0 $0x2  }
0x512: {  	_ =	swait.ge @!p0 [sflag:s0], s1  }
0x513: {  	s1 =	ssub.s32 @!p0 $0x0, s1;
	[sflag:s0] =	ssyncset.done @!p0 $0x0  }
0x514: {  	[sflag:s0] =	ssyncadd.s32 @!p0 s1  }
0x515: {  	[bflag:$0x3] =	sbarrier.arrive $0xFFFF  }
0x516: {  	_ =	shalt  }

</sc_bundles>
